<compile_context>
chip_gen: v7x
topology: tpu7x:2x2x1
jax: 0.10.2.dev20260603
libtpu: 0.0.44.dev20260713+nightly
codegen_flags: <defaults>
</compile_context>

<pallas_src>
import functools

import jax
import jax.numpy as jnp
from jax import lax
from jax.experimental import pallas as pl
from jax.experimental.pallas import tpu as pltpu
from jax.experimental.pallas import tpu_sc as plsc

N = 10000
E = 320000
D = 128
H = 16
HD = D // H
ED = 16
FF = 4 * D

NC = 2
NS = 16
NW = NC * NS
C = 32
NCHT = E // C
CHW = NCHT // NW
NPAIR = CHW // 2
EXTRA = NCHT - CHW * NW
ZROWS = 624
ZREM = N - NS * ZROWS
GN = 1280

_R = 1000
_RE = 4000


def _pre_body(x_ref, wq_ref, wk_ref, wv_ref, bq_ref, bk_ref, bv_ref,
              g_ref, b_ref, q_ref, k_ref, v_ref):
    xb = x_ref[...]
    m = jnp.mean(xb, axis=1, keepdims=True)
    xc = xb - m
    var = jnp.mean(xc * xc, axis=1, keepdims=True)
    xn = xc * lax.rsqrt(var + 1e-5) * g_ref[...] + b_ref[...]
    q_ref[...] = jnp.dot(xn, wq_ref[...], preferred_element_type=jnp.float32) + bq_ref[...]
    k_ref[...] = jnp.dot(xn, wk_ref[...], preferred_element_type=jnp.float32) + bk_ref[...]
    v_ref[...] = jnp.dot(xn, wv_ref[...], preferred_element_type=jnp.float32) + bv_ref[...]


_mat_spec = pl.BlockSpec((D, D), lambda i: (0, 0))
_vec_spec = pl.BlockSpec((1, D), lambda i: (0, 0))
_row_spec = pl.BlockSpec((_R, D), lambda i: (i, 0))

_pre = pl.pallas_call(
    _pre_body,
    grid=(N // _R,),
    in_specs=[_row_spec, _mat_spec, _mat_spec, _mat_spec,
              _vec_spec, _vec_spec, _vec_spec, _vec_spec, _vec_spec],
    out_specs=[_row_spec, _row_spec, _row_spec],
    out_shape=[jax.ShapeDtypeStruct((N, D), jnp.float32)] * 3,
)


def _ep_body(ef_ref, we_ref, be_ref, ep_ref):
    ep_ref[...] = lax.dot_general(
        we_ref[...], ef_ref[...], (((0,), (1,)), ((), ())),
        preferred_element_type=jnp.float32) + be_ref[...]


_REP = 3200

_epk = pl.pallas_call(
    _ep_body,
    grid=(E // _REP,),
    in_specs=[pl.BlockSpec((_REP, ED), lambda i: (i, 0)),
              pl.BlockSpec((ED, HD), lambda i: (0, 0)),
              pl.BlockSpec((HD, 1), lambda i: (0, 0))],
    out_specs=pl.BlockSpec((HD, _REP), lambda i: (0, i)),
    out_shape=jax.ShapeDtypeStruct((HD, E), jnp.float32),
)


@functools.lru_cache(maxsize=None)
def _build_edge_kernel():
  mesh = plsc.VectorSubcoreMesh(core_axis_name="c", subcore_axis_name="s")

  @functools.partial(
    pl.kernel,
    mesh=mesh,
    out_type=[jax.ShapeDtypeStruct((NC, GN, D), jnp.float32),
              jax.ShapeDtypeStruct((NC, N, D), jnp.float32)],
    scratch_types=[
        pltpu.VMEM((C,), jnp.int32),
        pltpu.VMEM((C,), jnp.int32),
        pltpu.VMEM((C,), jnp.int32),
        pltpu.VMEM((C,), jnp.int32),
        pltpu.VMEM((C + H,), jnp.float32),
        pltpu.VMEM((C + H,), jnp.float32),
        pltpu.VMEM((HD, C + H), jnp.float32),
        pltpu.VMEM((HD, C + H), jnp.float32),
        pltpu.VMEM((C,), jnp.int32),
        pltpu.VMEM((C,), jnp.int32),
        pltpu.VMEM((C + H,), jnp.int32),
        pltpu.VMEM((C, D), jnp.float32),
        pltpu.VMEM((C, D), jnp.float32),
        pltpu.VMEM((C, D), jnp.float32),
        pltpu.VMEM((C, D), jnp.float32),
        pltpu.VMEM((C, D), jnp.float32),
        pltpu.VMEM((C, D), jnp.float32),
        pltpu.VMEM((C, D), jnp.float32),
        pltpu.VMEM((C, D), jnp.float32),
        pltpu.VMEM_SHARED((GN, D), jnp.float32),
        pltpu.VMEM_SHARED((N, D), jnp.float32),
        pltpu.SemaphoreType.DMA,
        pltpu.SemaphoreType.DMA,
        pltpu.SemaphoreType.DMA,
        pltpu.SemaphoreType.DMA,
        pltpu.SemaphoreType.DMA,
        pltpu.SemaphoreType.DMA,
        pltpu.SemaphoreType.DMA,
        pltpu.SemaphoreType.DMA,
        pltpu.SemaphoreType.DMA,
        pltpu.SemaphoreType.DMA,
    ],
  )
  def _edge_kernel(qr_hbm, kr_hbm, vr_hbm, src_hbm, dst_hbm, ew_hbm, ept_hbm,
                   z_hbm, den_out, agg_out,
                   sg0, sg1, dg0, dg1, ew0, ew1, ep0, ep1, dstw, gw, dstp,
                   q0, q1, k0, k1, v0, v1, ex2_v, ct_v, den_sh, agg_sh,
                   sm0, sm1, sq0, sq1, sk0, sk1, sv0, sv1, sden, sagg):
      c = lax.axis_index("c")
      s = lax.axis_index("s")
      wid = s * NC + c
      ep_b = (ep0, ep1)
      ew_b = (ew0, ew1)
      sg_b = (sg0, sg1)
      dg_b = (dg0, dg1)
      q_b = (q0, q1)
      k_b = (k0, k1)
      v_b = (v0, v1)
      sm = (sm0, sm1)
      sq = (sq0, sq1)
      sk = (sk0, sk1)
      sv = (sv0, sv1)

      r0 = s * ZROWS
      pltpu.sync_copy(z_hbm.at[pl.ds(0, ZROWS)], agg_sh.at[pl.ds(r0, ZROWS)])
      pltpu.sync_copy(z_hbm.at[pl.ds(0, GN // NS)],
                      den_sh.at[pl.ds(s * (GN // NS), GN // NS)])

      @pl.when(s == 0)
      def _():
          pltpu.sync_copy(z_hbm.at[pl.ds(0, ZREM)],
                          agg_sh.at[pl.ds(NS * ZROWS, ZREM)])

      plsc.subcore_barrier()

      def issue_meta(ci, b):
          base = ci * C
          pltpu.async_copy(src_hbm.at[pl.ds(base, C)], sg_b[b], sm[b])
          pltpu.async_copy(dst_hbm.at[pl.ds(base, C)], dg_b[b], sm[b])
          pltpu.async_copy(ew_hbm.at[pl.ds(base, C)],
                           ew_b[b].at[pl.ds(0, C)], sm[b])
          pltpu.async_copy(ept_hbm.at[:, pl.ds(base, C)],
                           ep_b[b].at[:, pl.ds(0, C)], sm[b])

      def wait_meta(ci, b):
          base = ci * C
          pltpu.make_async_copy(src_hbm.at[pl.ds(base, C)], sg_b[b],
                                sm[b]).wait()
          pltpu.make_async_copy(dst_hbm.at[pl.ds(base, C)], dg_b[b],
                                sm[b]).wait()
          pltpu.make_async_copy(ew_hbm.at[pl.ds(base, C)],
                                ew_b[b].at[pl.ds(0, C)], sm[b]).wait()
          pltpu.make_async_copy(ept_hbm.at[:, pl.ds(base, C)],
                                ep_b[b].at[:, pl.ds(0, C)], sm[b]).wait()

      def issue_gathers(b):
          pltpu.async_copy(qr_hbm.at[dg_b[b]], q_b[b], sq[b])
          pltpu.async_copy(kr_hbm.at[sg_b[b]], k_b[b], sk[b])
          pltpu.async_copy(vr_hbm.at[sg_b[b]], v_b[b], sv[b])

      def wait_gathers(b):
          pltpu.make_async_copy(qr_hbm.at[dg_b[b]], q_b[b], sq[b]).wait()
          pltpu.make_async_copy(kr_hbm.at[sg_b[b]], k_b[b], sk[b]).wait()
          pltpu.make_async_copy(vr_hbm.at[sg_b[b]], v_b[b], sv[b]).wait()

      def wait_scatters():
          pltpu.make_async_copy(ex2_v, den_sh.at[gw], sden).wait()
          pltpu.make_async_copy(ct_v, agg_sh.at[dstw], sagg).wait()

      def issue_scatters():
          pltpu.async_copy(ex2_v, den_sh.at[gw], sden, add=True)
          pltpu.async_copy(ct_v, agg_sh.at[dstw], sagg, add=True)

      def compute_chunk(b):
          for t in (0, 16):
              dv = dg_b[b][pl.ds(t, H)]
              dstw[pl.ds(t, H)] = dv
              gw[pl.ds(t, H)] = lax.shift_right_logical(dv, 3)
              dstp[pl.ds(t, H)] = dv
          dstp[pl.ds(C, H)] = dg_b[b][pl.ds(C - H, H)]

          def edge_body(e, carry2):
              w = ew_b[b][pl.ds(e, H)][0]
              m = dstp[pl.ds(e, H)][0] & 7
              acc = jnp.zeros((H,), jnp.float32)
              for d in range(HD):
                  acc = acc + q_b[b][e, pl.ds(d * H, H)] * (
                      k_b[b][e, pl.ds(d * H, H)] + ep_b[b][d, pl.ds(e, H)][0])
              exv = jnp.exp(acc * w)
              zero = jnp.zeros((H,), jnp.float32)
              for j in range(HD):
                  ex2_v[e, pl.ds(j * H, H)] = jnp.where(m == j, exv, zero)
                  ct_v[e, pl.ds(j * H, H)] = exv * v_b[b][e, pl.ds(j * H, H)]
              return carry2

          lax.fori_loop(0, C, edge_body, 0)

      issue_meta(wid, 0)
      wait_meta(wid, 0)
      issue_gathers(0)

      def pair_body(jj, carry):
          for b in (0, 1):
              i = 2 * jj + b
              nb = 1 - b
              ci1 = wid + (i + 1) * NW
              if b == 0:
                  @pl.when(jj > 0)
                  def _():
                      wait_scatters()
              else:
                  wait_scatters()
              if b == 0:
                  issue_meta(ci1, nb)
              else:
                  @pl.when(jj < NPAIR - 1)
                  def _():
                      issue_meta(ci1, nb)
              wait_gathers(b)
              compute_chunk(b)
              if b == 0:
                  wait_meta(ci1, nb)
                  issue_gathers(nb)
              else:
                  @pl.when(jj < NPAIR - 1)
                  def _():
                      wait_meta(ci1, nb)
                      issue_gathers(nb)
              issue_scatters()
          return carry

      lax.fori_loop(0, NPAIR, pair_body, 0)
      wait_scatters()

      @pl.when(wid < EXTRA)
      def _():
          ci = CHW * NW + wid
          issue_meta(ci, 0)
          wait_meta(ci, 0)
          issue_gathers(0)
          wait_gathers(0)
          compute_chunk(0)
          pltpu.sync_copy(ex2_v, den_sh.at[gw], add=True)
          pltpu.sync_copy(ct_v, agg_sh.at[dstw], add=True)

      plsc.subcore_barrier()

      @pl.when(s == 0)
      def _():
          pltpu.sync_copy(den_sh, den_out.at[c])
          pltpu.sync_copy(agg_sh, agg_out.at[c])

  return _edge_kernel


def _post_body(x_ref, den_ref, agg_ref, wo_ref, bo_ref, g2_ref, b2_ref,
               w1_ref, bf1_ref, w2_ref, bf2_ref, ab_ref, out_ref):
    den = den_ref[0] + den_ref[1]
    agg = agg_ref[0] + agg_ref[1]
    rden = 1.0 / jnp.maximum(den, 1e-12)
    rden_t = jnp.tile(rden, (1, HD))
    attn = jnp.dot(agg * rden_t, wo_ref[...],
                   preferred_element_type=jnp.float32) + bo_ref[...]
    x1 = x_ref[...] + ab_ref[0] * attn
    m = jnp.mean(x1, axis=1, keepdims=True)
    xc = x1 - m
    var = jnp.mean(xc * xc, axis=1, keepdims=True)
    xn = xc * lax.rsqrt(var + 1e-5) * g2_ref[...] + b2_ref[...]
    h1 = jnp.dot(xn, w1_ref[...], preferred_element_type=jnp.float32) + bf1_ref[...]
    h1 = 0.5 * h1 * (1.0 + lax.erf(h1 * 0.7071067811865476))
    ff = jnp.dot(h1, w2_ref[...], preferred_element_type=jnp.float32) + bf2_ref[...]
    out_ref[...] = x1 + ab_ref[1] * ff


_post = pl.pallas_call(
    _post_body,
    grid=(N // _R,),
    in_specs=[
        _row_spec,
        pl.BlockSpec((NC, _R, H), lambda i: (0, i, 0)),
        pl.BlockSpec((NC, _R, D), lambda i: (0, i, 0)),
        _mat_spec, _vec_spec, _vec_spec, _vec_spec,
        pl.BlockSpec((D, FF), lambda i: (0, 0)),
        pl.BlockSpec((1, FF), lambda i: (0, 0)),
        pl.BlockSpec((FF, D), lambda i: (0, 0)),
        _vec_spec,
        pl.BlockSpec(memory_space=pltpu.SMEM),
    ],
    out_specs=_row_spec,
    out_shape=jax.ShapeDtypeStruct((N, D), jnp.float32),
)


def kernel(x, edge_index, edge_features, edge_weights, Wq, bq, Wk, bk, Wv, bv,
           We, be, Wo, bo, g1, bn1, g2, bn2, W1, bf1, W2, bf2, alpha, beta):
    src = edge_index[0]
    dst = edge_index[1]
    scale = HD ** -0.5

    def colperm(w, b, s):
        wp = (w * s).reshape(D, H, HD).transpose(0, 2, 1).reshape(D, D)
        bp = (b * s).reshape(H, HD).T.reshape(1, D)
        return wp, bp

    Wq_p, bq_p = colperm(Wq, bq, scale)
    Wk_p, bk_p = colperm(Wk, bk, 1.0)
    Wv_p, bv_p = colperm(Wv, bv, 1.0)
    Wo_p = Wo.reshape(H, HD, D).transpose(1, 0, 2).reshape(D, D)

    qr, kr, vr = _pre(x, Wq_p, Wk_p, Wv_p, bq_p, bk_p, bv_p,
                      g1.reshape(1, D), bn1.reshape(1, D))
    ep = _epk(edge_features, We, be.reshape(HD, 1))

    z = jnp.zeros((ZROWS, D), jnp.float32)
    den_g, agg_p = _build_edge_kernel()(qr, kr, vr, src, dst, edge_weights,
                                        ep, z)
    den_p = den_g.reshape(NC, GN * HD, H)[:, :N]

    ab = jnp.stack([alpha[0], beta[0]])
    out = _post(x, den_p, agg_p, Wo_p, bo.reshape(1, D),
                g2.reshape(1, D), bn2.reshape(1, D), W1, bf1.reshape(1, FF),
                W2, bf2.reshape(1, D), ab)
    return out

# --- scband reference (transcript-rebuilt; emitter-appended) ---
"""Pipeline reference for scband-modern-graph-transformer-33011118637079 (READ-ONLY COPY).

The authoritative reference and input builder live on the scoring server;
editing this copy changes nothing except your own understanding.
"""

import jax, jax.numpy as jnp
import numpy as np

N = 10000
E = 320000
D = 128
H = 16
HD = D // H
ED = 16
FF = 4 * D

def layernorm(x, g, b, eps=1e-5):
    m = jnp.mean(x, axis=-1, keepdims=True)
    v = jnp.mean((x - m) ** 2, axis=-1, keepdims=True)
    return (x - m) / jnp.sqrt(v + eps) * g + b

def setup_inputs(seed: int = 0) -> dict:
    key = jax.random.key(seed)
    ks = jax.random.split(key, 24)
    def w(k, shape, fan):
        return jax.random.normal(k, shape, dtype=jnp.float32) * (1.0 / np.sqrt(fan))
    inp = {}
    inp["x"] = jax.random.normal(ks[0], (N, D), dtype=jnp.float32)
    inp["edge_index"] = jax.random.randint(ks[1], (2, E), 0, N, dtype=jnp.int32)
    inp["edge_features"] = jax.random.normal(ks[2], (E, ED), dtype=jnp.float32)
    inp["edge_weights"] = jnp.ones((E,), dtype=jnp.float32)
    inp["Wq"] = w(ks[3], (D, D), D); inp["bq"] = jax.random.normal(ks[4], (D,), jnp.float32) * 0.01
    inp["Wk"] = w(ks[5], (D, D), D); inp["bk"] = jax.random.normal(ks[6], (D,), jnp.float32) * 0.01
    inp["Wv"] = w(ks[7], (D, D), D); inp["bv"] = jax.random.normal(ks[8], (D,), jnp.float32) * 0.01
    inp["We"] = w(ks[9], (ED, HD), ED); inp["be"] = jax.random.normal(ks[10], (HD,), jnp.float32) * 0.01
    inp["Wo"] = w(ks[11], (D, D), D); inp["bo"] = jax.random.normal(ks[12], (D,), jnp.float32) * 0.01
    inp["g1"] = jnp.ones((D,), jnp.float32); inp["bn1"] = jnp.zeros((D,), jnp.float32)
    inp["g2"] = jnp.ones((D,), jnp.float32); inp["bn2"] = jnp.zeros((D,), jnp.float32)
    inp["W1"] = w(ks[13], (D, FF), D); inp["bf1"] = jax.random.normal(ks[14], (FF,), jnp.float32) * 0.01
    inp["W2"] = w(ks[15], (FF, D), FF); inp["bf2"] = jax.random.normal(ks[16], (D,), jnp.float32) * 0.01
    inp["alpha"] = jnp.ones((1,), jnp.float32)
    inp["beta"] = jnp.ones((1,), jnp.float32)
    return inp

def reference(x, edge_index, edge_features, edge_weights, Wq, bq, Wk, bk, Wv, bv, We, be, Wo, bo, g1, bn1, g2, bn2, W1, bf1, W2, bf2, alpha, beta):
    src = edge_index[0]
    dst = edge_index[1]
    xn = layernorm(x, g1, bn1)
    q = (xn @ Wq + bq).reshape(N, H, HD)
    k = (xn @ Wk + bk).reshape(N, H, HD)
    v = (xn @ Wv + bv).reshape(N, H, HD)
    ep = edge_features @ We + be  # [E, HD]
    q_d = jnp.take(q, dst, axis=0)  # [E, H, HD] gather
    k_s = jnp.take(k, src, axis=0)  # [E, H, HD] gather
    scores = jnp.sum(q_d * (k_s + ep[:, None, :]), axis=-1) * (HD ** -0.5)  # [E, H]
    scores = scores * edge_weights[:, None]
    m = jax.ops.segment_max(scores, dst, num_segments=N)  # [N, H]
    m = jnp.where(jnp.isfinite(m), m, 0.0)
    ex = jnp.exp(scores - jnp.take(m, dst, axis=0))
    den = jax.ops.segment_sum(ex, dst, num_segments=N)
    attn_w = ex / jnp.maximum(jnp.take(den, dst, axis=0), 1e-12)  # [E, H] per-dst softmax
    v_s = jnp.take(v, src, axis=0)  # [E, H, HD]
    agg = jax.ops.segment_sum(attn_w[:, :, None] * v_s, dst, num_segments=N)  # [N, H, HD] scatter-add
    attn_out = agg.reshape(N, D) @ Wo + bo
    x = x + alpha * attn_out
    xn2 = layernorm(x, g2, bn2)
    ff = jax.nn.gelu(xn2 @ W1 + bf1, approximate=False) @ W2 + bf2
    x = x + beta * ff
    return x

if __name__ == "__main__":
    import jax
    _d = setup_inputs()
    print(jax.jit(kernel)(*tuple(_d.values())))

</pallas_src>

<mosaic_0001>
#map = affine_map<(d0, d1) -> (0, 0)>
#map1 = affine_map<(d0, d1) -> (0)>
#map2 = affine_map<(d0, d1) -> (0, 0, 0)>
module attributes {stable_mosaic.version = 14 : i64} {
  func.func @_edge_kernel(%arg0: i32, %arg1: i32, %arg2: memref<10000x128xf32, #tpu.memory_space<hbm>>, %arg3: memref<10000x128xf32, #tpu.memory_space<hbm>>, %arg4: memref<10000x128xf32, #tpu.memory_space<hbm>>, %arg5: memref<320000xi32, #tpu.memory_space<hbm>>, %arg6: memref<320000xi32, #tpu.memory_space<hbm>>, %arg7: memref<320000xf32, #tpu.memory_space<hbm>>, %arg8: memref<8x320000xf32, #tpu.memory_space<hbm>>, %arg9: memref<624x128xf32, #tpu.memory_space<hbm>>, %arg10: memref<2x1280x128xf32, #tpu.memory_space<hbm>>, %arg11: memref<2x10000x128xf32, #tpu.memory_space<hbm>>, %arg12: memref<32xi32, #tpu.memory_space<vmem>>, %arg13: memref<32xi32, #tpu.memory_space<vmem>>, %arg14: memref<32xi32, #tpu.memory_space<vmem>>, %arg15: memref<32xi32, #tpu.memory_space<vmem>>, %arg16: memref<48xf32, #tpu.memory_space<vmem>>, %arg17: memref<48xf32, #tpu.memory_space<vmem>>, %arg18: memref<8x48xf32, #tpu.memory_space<vmem>>, %arg19: memref<8x48xf32, #tpu.memory_space<vmem>>, %arg20: memref<32xi32, #tpu.memory_space<vmem>>, %arg21: memref<32xi32, #tpu.memory_space<vmem>>, %arg22: memref<48xi32, #tpu.memory_space<vmem>>, %arg23: memref<32x128xf32, #tpu.memory_space<vmem>>, %arg24: memref<32x128xf32, #tpu.memory_space<vmem>>, %arg25: memref<32x128xf32, #tpu.memory_space<vmem>>, %arg26: memref<32x128xf32, #tpu.memory_space<vmem>>, %arg27: memref<32x128xf32, #tpu.memory_space<vmem>>, %arg28: memref<32x128xf32, #tpu.memory_space<vmem>>, %arg29: memref<32x128xf32, #tpu.memory_space<vmem>>, %arg30: memref<32x128xf32, #tpu.memory_space<vmem>>, %arg31: memref<1280x128xf32, #tpu.memory_space<vmem_shared>>, %arg32: memref<10000x128xf32, #tpu.memory_space<vmem_shared>>, %arg33: memref<!tpu.dma_semaphore, #tpu.memory_space<semaphore_mem>>, %arg34: memref<!tpu.dma_semaphore, #tpu.memory_space<semaphore_mem>>, %arg35: memref<!tpu.dma_semaphore, #tpu.memory_space<semaphore_mem>>, %arg36: memref<!tpu.dma_semaphore, #tpu.memory_space<semaphore_mem>>, %arg37: memref<!tpu.dma_semaphore, #tpu.memory_space<semaphore_mem>>, %arg38: memref<!tpu.dma_semaphore, #tpu.memory_space<semaphore_mem>>, %arg39: memref<!tpu.dma_semaphore, #tpu.memory_space<semaphore_mem>>, %arg40: memref<!tpu.dma_semaphore, #tpu.memory_space<semaphore_mem>>, %arg41: memref<!tpu.dma_semaphore, #tpu.memory_space<semaphore_mem>>, %arg42: memref<!tpu.dma_semaphore, #tpu.memory_space<semaphore_mem>>) attributes {dimension_semantics = [#tpu.dimension_semantics<core_parallel>, #tpu.dimension_semantics<subcore_parallel>], iteration_bounds = array<i64: 2, 16>, scalar_prefetch = 0 : i64, scratch_operands = 31 : i64, tpu.core_type = #tpu.core_type<sc_vector_subcore>, window_params = [{transform_indices = #map}, {transform_indices = #map}, {transform_indices = #map}, {transform_indices = #map1}, {transform_indices = #map1}, {transform_indices = #map1}, {transform_indices = #map}, {transform_indices = #map}, {transform_indices = #map2}, {transform_indices = #map2}]} {
    %mul3A = arith.constant 2 : i32
    %mul3A_0 = arith.muli %arg1, %mul3A : i32
    %add3A = arith.addi %mul3A_0, %arg0 : i32
    %mul3A_1 = arith.constant 624 : i32
    %mul3A_2 = arith.muli %arg1, %mul3A_1 : i32
    "tpu.region"() ({
      %run_scoped3A = tpu.sem_alloc : memref<!tpu.dma_semaphore, #tpu.memory_space<semaphore_mem>>
      %dma_start3A_79 = arith.constant 0 : i32
      %dma_start3A_80 = tpu.memref_slice %arg32[%mul3A_2, %dma_start3A_79] : memref<10000x128xf32, #tpu.memory_space<vmem_shared>> -> memref<624x128xf32, #tpu.memory_space<vmem_shared>>
      %dma_start3A_81 = arith.constant 0 : i32
      %dma_start3A_82 = arith.constant 0 : i32
      %dma_start3A_83 = tpu.memref_slice %arg9[%dma_start3A_81, %dma_start3A_82] : memref<624x128xf32, #tpu.memory_space<hbm>> -> memref<624x128xf32, #tpu.memory_space<hbm>>
      tpu.enqueue_dma source(%dma_start3A_83 : memref<624x128xf32, #tpu.memory_space<hbm>>) target(%dma_start3A_80 : memref<624x128xf32, #tpu.memory_space<vmem_shared>>) target_semaphore(%run_scoped3A : memref<!tpu.dma_semaphore, #tpu.memory_space<semaphore_mem>>)
      %dma_wait3A_84 = arith.constant 0 : i32
      %dma_wait3A_85 = tpu.memref_slice %arg32[%mul3A_2, %dma_wait3A_84] : memref<10000x128xf32, #tpu.memory_space<vmem_shared>> -> memref<624x128xf32, #tpu.memory_space<vmem_shared>>
      %dma_wait3A_86 = arith.constant 0 : i32
      %dma_wait3A_87 = arith.constant 0 : i32
      %dma_wait3A_88 = tpu.memref_slice %arg9[%dma_wait3A_86, %dma_wait3A_87] : memref<624x128xf32, #tpu.memory_space<hbm>> -> memref<624x128xf32, #tpu.memory_space<hbm>>
      tpu.wait_dma2 semaphore(%run_scoped3A : memref<!tpu.dma_semaphore, #tpu.memory_space<semaphore_mem>>) src(%dma_wait3A_88 : memref<624x128xf32, #tpu.memory_space<hbm>>) dst(%dma_wait3A_85 : memref<624x128xf32, #tpu.memory_space<vmem_shared>>)
      tpu.yield
    }) : () -> ()
    %mul3A_3 = arith.constant 80 : i32
    %mul3A_4 = arith.muli %arg1, %mul3A_3 : i32
    "tpu.region"() ({
      %run_scoped3A = tpu.sem_alloc : memref<!tpu.dma_semaphore, #tpu.memory_space<semaphore_mem>>
      %dma_start3A_79 = arith.constant 0 : i32
      %dma_start3A_80 = tpu.memref_slice %arg31[%mul3A_4, %dma_start3A_79] : memref<1280x128xf32, #tpu.memory_space<vmem_shared>> -> memref<80x128xf32, #tpu.memory_space<vmem_shared>>
      %dma_start3A_81 = arith.constant 0 : i32
      %dma_start3A_82 = arith.constant 0 : i32
      %dma_start3A_83 = tpu.memref_slice %arg9[%dma_start3A_81, %dma_start3A_82] : memref<624x128xf32, #tpu.memory_space<hbm>> -> memref<80x128xf32, #tpu.memory_space<hbm>>
      tpu.enqueue_dma source(%dma_start3A_83 : memref<80x128xf32, #tpu.memory_space<hbm>>) target(%dma_start3A_80 : memref<80x128xf32, #tpu.memory_space<vmem_shared>>) target_semaphore(%run_scoped3A : memref<!tpu.dma_semaphore, #tpu.memory_space<semaphore_mem>>)
      %dma_wait3A_84 = arith.constant 0 : i32
      %dma_wait3A_85 = tpu.memref_slice %arg31[%mul3A_4, %dma_wait3A_84] : memref<1280x128xf32, #tpu.memory_space<vmem_shared>> -> memref<80x128xf32, #tpu.memory_space<vmem_shared>>
      %dma_wait3A_86 = arith.constant 0 : i32
      %dma_wait3A_87 = arith.constant 0 : i32
      %dma_wait3A_88 = tpu.memref_slice %arg9[%dma_wait3A_86, %dma_wait3A_87] : memref<624x128xf32, #tpu.memory_space<hbm>> -> memref<80x128xf32, #tpu.memory_space<hbm>>
      tpu.wait_dma2 semaphore(%run_scoped3A : memref<!tpu.dma_semaphore, #tpu.memory_space<semaphore_mem>>) src(%dma_wait3A_88 : memref<80x128xf32, #tpu.memory_space<hbm>>) dst(%dma_wait3A_85 : memref<80x128xf32, #tpu.memory_space<vmem_shared>>)
      tpu.yield
    }) : () -> ()
    %eq3A = arith.constant 0 : i32
    %eq3A_5 = arith.cmpi eq, %arg1, %eq3A : i32
    %convert_element_type3A = arith.extui %eq3A_5 : i1 to i32
    %cond3A = arith.constant 0 : i32
    %cond3A_6 = arith.cmpi ne, %convert_element_type3A, %cond3A : i32
    scf.if %cond3A_6 {
      "tpu.region"() ({
        %run_scoped3A = tpu.sem_alloc : memref<!tpu.dma_semaphore, #tpu.memory_space<semaphore_mem>>
        %dma_start3A_79 = arith.constant 9984 : i32
        %dma_start3A_80 = arith.constant 0 : i32
        %dma_start3A_81 = tpu.memref_slice %arg32[%dma_start3A_79, %dma_start3A_80] : memref<10000x128xf32, #tpu.memory_space<vmem_shared>> -> memref<16x128xf32, #tpu.memory_space<vmem_shared>>
        %dma_start3A_82 = arith.constant 0 : i32
        %dma_start3A_83 = arith.constant 0 : i32
        %dma_start3A_84 = tpu.memref_slice %arg9[%dma_start3A_82, %dma_start3A_83] : memref<624x128xf32, #tpu.memory_space<hbm>> -> memref<16x128xf32, #tpu.memory_space<hbm>>
        tpu.enqueue_dma source(%dma_start3A_84 : memref<16x128xf32, #tpu.memory_space<hbm>>) target(%dma_start3A_81 : memref<16x128xf32, #tpu.memory_space<vmem_shared>>) target_semaphore(%run_scoped3A : memref<!tpu.dma_semaphore, #tpu.memory_space<semaphore_mem>>)
        %dma_wait3A_85 = arith.constant 9984 : i32
        %dma_wait3A_86 = arith.constant 0 : i32
        %dma_wait3A_87 = tpu.memref_slice %arg32[%dma_wait3A_85, %dma_wait3A_86] : memref<10000x128xf32, #tpu.memory_space<vmem_shared>> -> memref<16x128xf32, #tpu.memory_space<vmem_shared>>
        %dma_wait3A_88 = arith.constant 0 : i32
        %dma_wait3A_89 = arith.constant 0 : i32
        %dma_wait3A_90 = tpu.memref_slice %arg9[%dma_wait3A_88, %dma_wait3A_89] : memref<624x128xf32, #tpu.memory_space<hbm>> -> memref<16x128xf32, #tpu.memory_space<hbm>>
        tpu.wait_dma2 semaphore(%run_scoped3A : memref<!tpu.dma_semaphore, #tpu.memory_space<semaphore_mem>>) src(%dma_wait3A_90 : memref<16x128xf32, #tpu.memory_space<hbm>>) dst(%dma_wait3A_87 : memref<16x128xf32, #tpu.memory_space<vmem_shared>>)
        tpu.yield
      }) : () -> ()
    } else {
    }
    %barrier3A = arith.constant 0 : index
    tpu.barrier barrier_id(%barrier3A)
    %mul3A_7 = arith.constant 32 : i32
    %mul3A_8 = arith.muli %add3A, %mul3A_7 : i32
    %dma_start3A = tpu.memref_slice %arg5[%mul3A_8] : memref<320000xi32, #tpu.memory_space<hbm>> -> memref<32xi32, #tpu.memory_space<hbm>>
    %dma_start3A_9 = tpu.memref_slice %arg5[%mul3A_8] : memref<320000xi32, #tpu.memory_space<hbm>> -> memref<32xi32, #tpu.memory_space<hbm>>
    tpu.enqueue_dma source(%dma_start3A_9 : memref<32xi32, #tpu.memory_space<hbm>>) target(%arg12 : memref<32xi32, #tpu.memory_space<vmem>>) target_semaphore(%arg33 : memref<!tpu.dma_semaphore, #tpu.memory_space<semaphore_mem>>)
    %dma_start3A_10 = tpu.memref_slice %arg6[%mul3A_8] : memref<320000xi32, #tpu.memory_space<hbm>> -> memref<32xi32, #tpu.memory_space<hbm>>
    %dma_start3A_11 = tpu.memref_slice %arg6[%mul3A_8] : memref<320000xi32, #tpu.memory_space<hbm>> -> memref<32xi32, #tpu.memory_space<hbm>>
    tpu.enqueue_dma source(%dma_start3A_11 : memref<32xi32, #tpu.memory_space<hbm>>) target(%arg14 : memref<32xi32, #tpu.memory_space<vmem>>) target_semaphore(%arg33 : memref<!tpu.dma_semaphore, #tpu.memory_space<semaphore_mem>>)
    %dma_start3A_12 = arith.constant 0 : i32
    %dma_start3A_13 = tpu.memref_slice %arg16[%dma_start3A_12] : memref<48xf32, #tpu.memory_space<vmem>> -> memref<32xf32, #tpu.memory_space<vmem>>
    %dma_start3A_14 = tpu.memref_slice %arg7[%mul3A_8] : memref<320000xf32, #tpu.memory_space<hbm>> -> memref<32xf32, #tpu.memory_space<hbm>>
    %dma_start3A_15 = arith.constant 0 : i32
    %dma_start3A_16 = tpu.memref_slice %arg16[%dma_start3A_15] : memref<48xf32, #tpu.memory_space<vmem>> -> memref<32xf32, #tpu.memory_space<vmem>>
    %dma_start3A_17 = tpu.memref_slice %arg7[%mul3A_8] : memref<320000xf32, #tpu.memory_space<hbm>> -> memref<32xf32, #tpu.memory_space<hbm>>
    tpu.enqueue_dma source(%dma_start3A_17 : memref<32xf32, #tpu.memory_space<hbm>>) target(%dma_start3A_16 : memref<32xf32, #tpu.memory_space<vmem>>) target_semaphore(%arg33 : memref<!tpu.dma_semaphore, #tpu.memory_space<semaphore_mem>>)
    %dma_start3A_18 = arith.constant 0 : i32
    %dma_start3A_19 = arith.constant 0 : i32
    %dma_start3A_20 = tpu.memref_slice %arg18[%dma_start3A_18, %dma_start3A_19] : memref<8x48xf32, #tpu.memory_space<vmem>> -> memref<8x32xf32, #tpu.memory_space<vmem>>
    %dma_start3A_21 = arith.constant 0 : i32
    %dma_start3A_22 = tpu.memref_slice %arg8[%dma_start3A_21, %mul3A_8] : memref<8x320000xf32, #tpu.memory_space<hbm>> -> memref<8x32xf32, #tpu.memory_space<hbm>>
    %dma_start3A_23 = arith.constant 0 : i32
    %dma_start3A_24 = arith.constant 0 : i32
    %dma_start3A_25 = tpu.memref_slice %arg18[%dma_start3A_23, %dma_start3A_24] : memref<8x48xf32, #tpu.memory_space<vmem>> -> memref<8x32xf32, #tpu.memory_space<vmem>>
    %dma_start3A_26 = arith.constant 0 : i32
    %dma_start3A_27 = tpu.memref_slice %arg8[%dma_start3A_26, %mul3A_8] : memref<8x320000xf32, #tpu.memory_space<hbm>> -> memref<8x32xf32, #tpu.memory_space<hbm>>
    tpu.enqueue_dma source(%dma_start3A_27 : memref<8x32xf32, #tpu.memory_space<hbm>>) target(%dma_start3A_25 : memref<8x32xf32, #tpu.memory_space<vmem>>) target_semaphore(%arg33 : memref<!tpu.dma_semaphore, #tpu.memory_space<semaphore_mem>>)
    %mul3A_28 = arith.constant 32 : i32
    %mul3A_29 = arith.muli %add3A, %mul3A_28 : i32
    %dma_wait3A = tpu.memref_slice %arg5[%mul3A_29] : memref<320000xi32, #tpu.memory_space<hbm>> -> memref<32xi32, #tpu.memory_space<hbm>>
    %dma_wait3A_30 = tpu.memref_slice %arg5[%mul3A_29] : memref<320000xi32, #tpu.memory_space<hbm>> -> memref<32xi32, #tpu.memory_space<hbm>>
    tpu.wait_dma2 semaphore(%arg33 : memref<!tpu.dma_semaphore, #tpu.memory_space<semaphore_mem>>) src(%dma_wait3A_30 : memref<32xi32, #tpu.memory_space<hbm>>) dst(%arg12 : memref<32xi32, #tpu.memory_space<vmem>>)
    %dma_wait3A_31 = tpu.memref_slice %arg6[%mul3A_29] : memref<320000xi32, #tpu.memory_space<hbm>> -> memref<32xi32, #tpu.memory_space<hbm>>
    %dma_wait3A_32 = tpu.memref_slice %arg6[%mul3A_29] : memref<320000xi32, #tpu.memory_space<hbm>> -> memref<32xi32, #tpu.memory_space<hbm>>
    tpu.wait_dma2 semaphore(%arg33 : memref<!tpu.dma_semaphore, #tpu.memory_space<semaphore_mem>>) src(%dma_wait3A_32 : memref<32xi32, #tpu.memory_space<hbm>>) dst(%arg14 : memref<32xi32, #tpu.memory_space<vmem>>)
    %dma_wait3A_33 = arith.constant 0 : i32
    %dma_wait3A_34 = tpu.memref_slice %arg16[%dma_wait3A_33] : memref<48xf32, #tpu.memory_space<vmem>> -> memref<32xf32, #tpu.memory_space<vmem>>
    %dma_wait3A_35 = tpu.memref_slice %arg7[%mul3A_29] : memref<320000xf32, #tpu.memory_space<hbm>> -> memref<32xf32, #tpu.memory_space<hbm>>
    %dma_wait3A_36 = arith.constant 0 : i32
    %dma_wait3A_37 = tpu.memref_slice %arg16[%dma_wait3A_36] : memref<48xf32, #tpu.memory_space<vmem>> -> memref<32xf32, #tpu.memory_space<vmem>>
    %dma_wait3A_38 = tpu.memref_slice %arg7[%mul3A_29] : memref<320000xf32, #tpu.memory_space<hbm>> -> memref<32xf32, #tpu.memory_space<hbm>>
    tpu.wait_dma2 semaphore(%arg33 : memref<!tpu.dma_semaphore, #tpu.memory_space<semaphore_mem>>) src(%dma_wait3A_38 : memref<32xf32, #tpu.memory_space<hbm>>) dst(%dma_wait3A_37 : memref<32xf32, #tpu.memory_space<vmem>>)
    %dma_wait3A_39 = arith.constant 0 : i32
    %dma_wait3A_40 = arith.constant 0 : i32
    %dma_wait3A_41 = tpu.memref_slice %arg18[%dma_wait3A_39, %dma_wait3A_40] : memref<8x48xf32, #tpu.memory_space<vmem>> -> memref<8x32xf32, #tpu.memory_space<vmem>>
    %dma_wait3A_42 = arith.constant 0 : i32
    %dma_wait3A_43 = tpu.memref_slice %arg8[%dma_wait3A_42, %mul3A_29] : memref<8x320000xf32, #tpu.memory_space<hbm>> -> memref<8x32xf32, #tpu.memory_space<hbm>>
    %dma_wait3A_44 = arith.constant 0 : i32
    %dma_wait3A_45 = arith.constant 0 : i32
    %dma_wait3A_46 = tpu.memref_slice %arg18[%dma_wait3A_44, %dma_wait3A_45] : memref<8x48xf32, #tpu.memory_space<vmem>> -> memref<8x32xf32, #tpu.memory_space<vmem>>
    %dma_wait3A_47 = arith.constant 0 : i32
    %dma_wait3A_48 = tpu.memref_slice %arg8[%dma_wait3A_47, %mul3A_29] : memref<8x320000xf32, #tpu.memory_space<hbm>> -> memref<8x32xf32, #tpu.memory_space<hbm>>
    tpu.wait_dma2 semaphore(%arg33 : memref<!tpu.dma_semaphore, #tpu.memory_space<semaphore_mem>>) src(%dma_wait3A_48 : memref<8x32xf32, #tpu.memory_space<hbm>>) dst(%dma_wait3A_46 : memref<8x32xf32, #tpu.memory_space<vmem>>)
    %dma_start3A_49 = arith.constant 0 : i32
    %dma_start3A_50 = arith.constant 0 : i32
    %dma_start3A_51 = tpu.memref_slice %arg2[%dma_start3A_49, %dma_start3A_50] : memref<10000x128xf32, #tpu.memory_space<hbm>> -> memref<10000x128xf32, #tpu.memory_space<hbm>>
    tpu.enqueue_indirect_dma source(%dma_start3A_51 : memref<10000x128xf32, #tpu.memory_space<hbm>>) target(%arg23 : memref<32x128xf32, #tpu.memory_space<vmem>>) offsets(%arg14 : memref<32xi32, #tpu.memory_space<vmem>>) semaphore(%arg35 : memref<!tpu.dma_semaphore, #tpu.memory_space<semaphore_mem>>)
    %dma_start3A_52 = arith.constant 0 : i32
    %dma_start3A_53 = arith.constant 0 : i32
    %dma_start3A_54 = tpu.memref_slice %arg3[%dma_start3A_52, %dma_start3A_53] : memref<10000x128xf32, #tpu.memory_space<hbm>> -> memref<10000x128xf32, #tpu.memory_space<hbm>>
    tpu.enqueue_indirect_dma source(%dma_start3A_54 : memref<10000x128xf32, #tpu.memory_space<hbm>>) target(%arg25 : memref<32x128xf32, #tpu.memory_space<vmem>>) offsets(%arg12 : memref<32xi32, #tpu.memory_space<vmem>>) semaphore(%arg37 : memref<!tpu.dma_semaphore, #tpu.memory_space<semaphore_mem>>)
    %dma_start3A_55 = arith.constant 0 : i32
    %dma_start3A_56 = arith.constant 0 : i32
    %dma_start3A_57 = tpu.memref_slice %arg4[%dma_start3A_55, %dma_start3A_56] : memref<10000x128xf32, #tpu.memory_space<hbm>> -> memref<10000x128xf32, #tpu.memory_space<hbm>>
    tpu.enqueue_indirect_dma source(%dma_start3A_57 : memref<10000x128xf32, #tpu.memory_space<hbm>>) target(%arg27 : memref<32x128xf32, #tpu.memory_space<vmem>>) offsets(%arg12 : memref<32xi32, #tpu.memory_space<vmem>>) semaphore(%arg39 : memref<!tpu.dma_semaphore, #tpu.memory_space<semaphore_mem>>)
    %scan3A = arith.constant 0 : i32
    %scan3A_58 = arith.constant 0 : i32
    %scan3A_59 = arith.constant 156 : i32
    %scan3A_60 = arith.addi %scan3A_58, %scan3A_59 : i32
    %scan3A_61 = arith.constant 1 : i32
    scf.for %scan3A_79 = %scan3A_58 to %scan3A_60 step %scan3A_61  : i32 {
      %mul3A_80 = arith.constant 2 : i32
      %mul3A_81 = arith.muli %mul3A_80, %scan3A_79 : i32
      %add3A_82 = arith.constant 0 : i32
      %add3A_83 = arith.addi %mul3A_81, %add3A_82 : i32
      %add3A_84 = arith.constant 1 : i32
      %add3A_85 = arith.addi %add3A_83, %add3A_84 : i32
      %mul3A_86 = arith.constant 32 : i32
      %mul3A_87 = arith.muli %add3A_85, %mul3A_86 : i32
      %add3A_88 = arith.addi %add3A, %mul3A_87 : i32
      %gt3A = arith.constant 0 : i32
      %gt3A_89 = arith.cmpi sgt, %scan3A_79, %gt3A : i32
      %convert_element_type3A_90 = arith.extui %gt3A_89 : i1 to i32
      %cond3A_91 = arith.constant 0 : i32
      %cond3A_92 = arith.cmpi ne, %convert_element_type3A_90, %cond3A_91 : i32
      scf.if %cond3A_92 {
        %dma_wait3A_296 = arith.constant 0 : i32
        %dma_wait3A_297 = arith.constant 0 : i32
        %dma_wait3A_298 = tpu.memref_slice %arg31[%dma_wait3A_296, %dma_wait3A_297] : memref<1280x128xf32, #tpu.memory_space<vmem_shared>> -> memref<1280x128xf32, #tpu.memory_space<vmem_shared>>
        tpu.wait_indirect_dma semaphore(%arg41 : memref<!tpu.dma_semaphore, #tpu.memory_space<semaphore_mem>>) src(%arg29 : memref<32x128xf32, #tpu.memory_space<vmem>>) dst(%dma_wait3A_298 : memref<1280x128xf32, #tpu.memory_space<vmem_shared>>)
        %dma_wait3A_299 = arith.constant 0 : i32
        %dma_wait3A_300 = arith.constant 0 : i32
        %dma_wait3A_301 = tpu.memref_slice %arg32[%dma_wait3A_299, %dma_wait3A_300] : memref<10000x128xf32, #tpu.memory_space<vmem_shared>> -> memref<10000x128xf32, #tpu.memory_space<vmem_shared>>
        tpu.wait_indirect_dma semaphore(%arg42 : memref<!tpu.dma_semaphore, #tpu.memory_space<semaphore_mem>>) src(%arg30 : memref<32x128xf32, #tpu.memory_space<vmem>>) dst(%dma_wait3A_301 : memref<10000x128xf32, #tpu.memory_space<vmem_shared>>)
      } else {
      }
      %mul3A_93 = arith.constant 32 : i32
      %mul3A_94 = arith.muli %add3A_88, %mul3A_93 : i32
      %dma_start3A_95 = tpu.memref_slice %arg5[%mul3A_94] : memref<320000xi32, #tpu.memory_space<hbm>> -> memref<32xi32, #tpu.memory_space<hbm>>
      %dma_start3A_96 = tpu.memref_slice %arg5[%mul3A_94] : memref<320000xi32, #tpu.memory_space<hbm>> -> memref<32xi32, #tpu.memory_space<hbm>>
      tpu.enqueue_dma source(%dma_start3A_96 : memref<32xi32, #tpu.memory_space<hbm>>) target(%arg13 : memref<32xi32, #tpu.memory_space<vmem>>) target_semaphore(%arg34 : memref<!tpu.dma_semaphore, #tpu.memory_space<semaphore_mem>>)
      %dma_start3A_97 = tpu.memref_slice %arg6[%mul3A_94] : memref<320000xi32, #tpu.memory_space<hbm>> -> memref<32xi32, #tpu.memory_space<hbm>>
      %dma_start3A_98 = tpu.memref_slice %arg6[%mul3A_94] : memref<320000xi32, #tpu.memory_space<hbm>> -> memref<32xi32, #tpu.memory_space<hbm>>
      tpu.enqueue_dma source(%dma_start3A_98 : memref<32xi32, #tpu.memory_space<hbm>>) target(%arg15 : memref<32xi32, #tpu.memory_space<vmem>>) target_semaphore(%arg34 : memref<!tpu.dma_semaphore, #tpu.memory_space<semaphore_mem>>)
      %dma_start3A_99 = arith.constant 0 : i32
      %dma_start3A_100 = tpu.memref_slice %arg17[%dma_start3A_99] : memref<48xf32, #tpu.memory_space<vmem>> -> memref<32xf32, #tpu.memory_space<vmem>>
      %dma_start3A_101 = tpu.memref_slice %arg7[%mul3A_94] : memref<320000xf32, #tpu.memory_space<hbm>> -> memref<32xf32, #tpu.memory_space<hbm>>
      %dma_start3A_102 = arith.constant 0 : i32
      %dma_start3A_103 = tpu.memref_slice %arg17[%dma_start3A_102] : memref<48xf32, #tpu.memory_space<vmem>> -> memref<32xf32, #tpu.memory_space<vmem>>
      %dma_start3A_104 = tpu.memref_slice %arg7[%mul3A_94] : memref<320000xf32, #tpu.memory_space<hbm>> -> memref<32xf32, #tpu.memory_space<hbm>>
      tpu.enqueue_dma source(%dma_start3A_104 : memref<32xf32, #tpu.memory_space<hbm>>) target(%dma_start3A_103 : memref<32xf32, #tpu.memory_space<vmem>>) target_semaphore(%arg34 : memref<!tpu.dma_semaphore, #tpu.memory_space<semaphore_mem>>)
      %dma_start3A_105 = arith.constant 0 : i32
      %dma_start3A_106 = arith.constant 0 : i32
      %dma_start3A_107 = tpu.memref_slice %arg19[%dma_start3A_105, %dma_start3A_106] : memref<8x48xf32, #tpu.memory_space<vmem>> -> memref<8x32xf32, #tpu.memory_space<vmem>>
      %dma_start3A_108 = arith.constant 0 : i32
      %dma_start3A_109 = tpu.memref_slice %arg8[%dma_start3A_108, %mul3A_94] : memref<8x320000xf32, #tpu.memory_space<hbm>> -> memref<8x32xf32, #tpu.memory_space<hbm>>
      %dma_start3A_110 = arith.constant 0 : i32
      %dma_start3A_111 = arith.constant 0 : i32
      %dma_start3A_112 = tpu.memref_slice %arg19[%dma_start3A_110, %dma_start3A_111] : memref<8x48xf32, #tpu.memory_space<vmem>> -> memref<8x32xf32, #tpu.memory_space<vmem>>
      %dma_start3A_113 = arith.constant 0 : i32
      %dma_start3A_114 = tpu.memref_slice %arg8[%dma_start3A_113, %mul3A_94] : memref<8x320000xf32, #tpu.memory_space<hbm>> -> memref<8x32xf32, #tpu.memory_space<hbm>>
      tpu.enqueue_dma source(%dma_start3A_114 : memref<8x32xf32, #tpu.memory_space<hbm>>) target(%dma_start3A_112 : memref<8x32xf32, #tpu.memory_space<vmem>>) target_semaphore(%arg34 : memref<!tpu.dma_semaphore, #tpu.memory_space<semaphore_mem>>)
      %dma_wait3A_115 = arith.constant 0 : i32
      %dma_wait3A_116 = arith.constant 0 : i32
      %dma_wait3A_117 = tpu.memref_slice %arg2[%dma_wait3A_115, %dma_wait3A_116] : memref<10000x128xf32, #tpu.memory_space<hbm>> -> memref<10000x128xf32, #tpu.memory_space<hbm>>
      tpu.wait_indirect_dma semaphore(%arg35 : memref<!tpu.dma_semaphore, #tpu.memory_space<semaphore_mem>>) src(%dma_wait3A_117 : memref<10000x128xf32, #tpu.memory_space<hbm>>) dst(%arg23 : memref<32x128xf32, #tpu.memory_space<vmem>>)
      %dma_wait3A_118 = arith.constant 0 : i32
      %dma_wait3A_119 = arith.constant 0 : i32
      %dma_wait3A_120 = tpu.memref_slice %arg3[%dma_wait3A_118, %dma_wait3A_119] : memref<10000x128xf32, #tpu.memory_space<hbm>> -> memref<10000x128xf32, #tpu.memory_space<hbm>>
      tpu.wait_indirect_dma semaphore(%arg37 : memref<!tpu.dma_semaphore, #tpu.memory_space<semaphore_mem>>) src(%dma_wait3A_120 : memref<10000x128xf32, #tpu.memory_space<hbm>>) dst(%arg25 : memref<32x128xf32, #tpu.memory_space<vmem>>)
      %dma_wait3A_121 = arith.constant 0 : i32
      %dma_wait3A_122 = arith.constant 0 : i32
      %dma_wait3A_123 = tpu.memref_slice %arg4[%dma_wait3A_121, %dma_wait3A_122] : memref<10000x128xf32, #tpu.memory_space<hbm>> -> memref<10000x128xf32, #tpu.memory_space<hbm>>
      tpu.wait_indirect_dma semaphore(%arg39 : memref<!tpu.dma_semaphore, #tpu.memory_space<semaphore_mem>>) src(%dma_wait3A_123 : memref<10000x128xf32, #tpu.memory_space<hbm>>) dst(%arg27 : memref<32x128xf32, #tpu.memory_space<vmem>>)
      %get3A = arith.constant 0 : index
      %get3A_124 = tpu.vector_load %arg14[%get3A] {strides = array<i32>} : memref<32xi32, #tpu.memory_space<vmem>>, vector<16xi32>,
      %get3A_125 = vector.shape_cast %get3A_124 : vector<16xi32> to vector<16xi32>
      %swap3A = arith.constant 0 : index
      %swap3A_126 = tpu.vector_load %arg20[%swap3A] {strides = array<i32>} : memref<32xi32, #tpu.memory_space<vmem>>, vector<16xi32>,
      %swap3A_127 = vector.shape_cast %swap3A_126 : vector<16xi32> to vector<16xi32>
      %swap3A_128 = vector.shape_cast %get3A_125 : vector<16xi32> to vector<16xi32>
      tpu.vector_store %arg20[%swap3A], %swap3A_128 {strides = array<i32>} : memref<32xi32, #tpu.memory_space<vmem>>, vector<16xi32>,
      %shift_right_logical3A = arith.constant 3 : i32
      %shift_right_logical3A_129 = vector.broadcast %shift_right_logical3A : i32 to vector<16xi32>
      %shift_right_logical3A_130 = arith.shrui %get3A_125, %shift_right_logical3A_129 : vector<16xi32>
      %swap3A_131 = arith.constant 0 : index
      %swap3A_132 = tpu.vector_load %arg21[%swap3A_131] {strides = array<i32>} : memref<32xi32, #tpu.memory_space<vmem>>, vector<16xi32>,
      %swap3A_133 = vector.shape_cast %swap3A_132 : vector<16xi32> to vector<16xi32>
      %swap3A_134 = vector.shape_cast %shift_right_logical3A_130 : vector<16xi32> to vector<16xi32>
      tpu.vector_store %arg21[%swap3A_131], %swap3A_134 {strides = array<i32>} : memref<32xi32, #tpu.memory_space<vmem>>, vector<16xi32>,
      %swap3A_135 = arith.constant 0 : index
      %swap3A_136 = tpu.vector_load %arg22[%swap3A_135] {strides = array<i32>} : memref<48xi32, #tpu.memory_space<vmem>>, vector<16xi32>,
      %swap3A_137 = vector.shape_cast %swap3A_136 : vector<16xi32> to vector<16xi32>
      %swap3A_138 = vector.shape_cast %get3A_125 : vector<16xi32> to vector<16xi32>
      tpu.vector_store %arg22[%swap3A_135], %swap3A_138 {strides = array<i32>} : memref<48xi32, #tpu.memory_space<vmem>>, vector<16xi32>,
      %get3A_139 = arith.constant 16 : index
      %get3A_140 = tpu.vector_load %arg14[%get3A_139] {strides = array<i32>} : memref<32xi32, #tpu.memory_space<vmem>>, vector<16xi32>,
      %get3A_141 = vector.shape_cast %get3A_140 : vector<16xi32> to vector<16xi32>
      %swap3A_142 = arith.constant 16 : index
      %swap3A_143 = tpu.vector_load %arg20[%swap3A_142] {strides = array<i32>} : memref<32xi32, #tpu.memory_space<vmem>>, vector<16xi32>,
      %swap3A_144 = vector.shape_cast %swap3A_143 : vector<16xi32> to vector<16xi32>
      %swap3A_145 = vector.shape_cast %get3A_141 : vector<16xi32> to vector<16xi32>
      tpu.vector_store %arg20[%swap3A_142], %swap3A_145 {strides = array<i32>} : memref<32xi32, #tpu.memory_space<vmem>>, vector<16xi32>,
      %shift_right_logical3A_146 = arith.constant 3 : i32
      %shift_right_logical3A_147 = vector.broadcast %shift_right_logical3A_146 : i32 to vector<16xi32>
      %shift_right_logical3A_148 = arith.shrui %get3A_141, %shift_right_logical3A_147 : vector<16xi32>
      %swap3A_149 = arith.constant 16 : index
      %swap3A_150 = tpu.vector_load %arg21[%swap3A_149] {strides = array<i32>} : memref<32xi32, #tpu.memory_space<vmem>>, vector<16xi32>,
      %swap3A_151 = vector.shape_cast %swap3A_150 : vector<16xi32> to vector<16xi32>
      %swap3A_152 = vector.shape_cast %shift_right_logical3A_148 : vector<16xi32> to vector<16xi32>
      tpu.vector_store %arg21[%swap3A_149], %swap3A_152 {strides = array<i32>} : memref<32xi32, #tpu.memory_space<vmem>>, vector<16xi32>,
      %swap3A_153 = arith.constant 16 : index
      %swap3A_154 = tpu.vector_load %arg22[%swap3A_153] {strides = array<i32>} : memref<48xi32, #tpu.memory_space<vmem>>, vector<16xi32>,
      %swap3A_155 = vector.shape_cast %swap3A_154 : vector<16xi32> to vector<16xi32>
      %swap3A_156 = vector.shape_cast %get3A_141 : vector<16xi32> to vector<16xi32>
      tpu.vector_store %arg22[%swap3A_153], %swap3A_156 {strides = array<i32>} : memref<48xi32, #tpu.memory_space<vmem>>, vector<16xi32>,
      %get3A_157 = arith.constant 16 : index
      %get3A_158 = tpu.vector_load %arg14[%get3A_157] {strides = array<i32>} : memref<32xi32, #tpu.memory_space<vmem>>, vector<16xi32>,
      %get3A_159 = vector.shape_cast %get3A_158 : vector<16xi32> to vector<16xi32>
      %swap3A_160 = arith.constant 32 : index
      %swap3A_161 = tpu.vector_load %arg22[%swap3A_160] {strides = array<i32>} : memref<48xi32, #tpu.memory_space<vmem>>, vector<16xi32>,
      %swap3A_162 = vector.shape_cast %swap3A_161 : vector<16xi32> to vector<16xi32>
      %swap3A_163 = vector.shape_cast %get3A_159 : vector<16xi32> to vector<16xi32>
      tpu.vector_store %arg22[%swap3A_160], %swap3A_163 {strides = array<i32>} : memref<48xi32, #tpu.memory_space<vmem>>, vector<16xi32>,
      %scan3A_164 = arith.constant 0 : i32
      %scan3A_165 = arith.constant 0 : i32
      %scan3A_166 = arith.constant 32 : i32
      %scan3A_167 = arith.addi %scan3A_165, %scan3A_166 : i32
      %scan3A_168 = arith.constant 1 : i32
      scf.for %scan3A_296 = %scan3A_165 to %scan3A_167 step %scan3A_168  : i32 {
        %get3A_297 = arith.index_cast %scan3A_296 : i32 to index
        %get3A_298 = tpu.vector_load %arg16[%get3A_297] {strides = array<i32>} : memref<48xf32, #tpu.memory_space<vmem>>, vector<16xf32>,
        %get3A_299 = vector.shape_cast %get3A_298 : vector<16xf32> to vector<16xf32>
        %slice3A = vector.extract_strided_slice %get3A_299 {offsets = [0], sizes = [1], strides = [1]} : vector<16xf32> to vector<1xf32>
        %squeeze3A = vector.extract %slice3A[0] : f32 from vector<1xf32>
        %get3A_300 = arith.index_cast %scan3A_296 : i32 to index
        %get3A_301 = tpu.vector_load %arg22[%get3A_300] {strides = array<i32>} : memref<48xi32, #tpu.memory_space<vmem>>, vector<16xi32>,
        %get3A_302 = vector.shape_cast %get3A_301 : vector<16xi32> to vector<16xi32>
        %slice3A_303 = vector.extract_strided_slice %get3A_302 {offsets = [0], sizes = [1], strides = [1]} : vector<16xi32> to vector<1xi32>
        %squeeze3A_304 = vector.extract %slice3A_303[0] : i32 from vector<1xi32>
        %and3A = arith.constant 7 : i32
        %and3A_305 = arith.andi %squeeze3A_304, %and3A : i32
        %broadcast_in_dim3A = arith.constant 0.000000e+00 : f32
        %broadcast_in_dim3A_306 = vector.broadcast %broadcast_in_dim3A : f32 to vector<16xf32>
        %get3A_307 = arith.index_cast %scan3A_296 : i32 to index
        %get3A_308 = arith.constant 0 : index
        %get3A_309 = tpu.vector_load %arg23[%get3A_307, %get3A_308] {strides = array<i32>} : memref<32x128xf32, #tpu.memory_space<vmem>>, vector<1x16xf32>,
        %get3A_310 = vector.shape_cast %get3A_309 : vector<1x16xf32> to vector<16xf32>
        %get3A_311 = arith.index_cast %scan3A_296 : i32 to index
        %get3A_312 = arith.constant 0 : index
        %get3A_313 = tpu.vector_load %arg25[%get3A_311, %get3A_312] {strides = array<i32>} : memref<32x128xf32, #tpu.memory_space<vmem>>, vector<1x16xf32>,
        %get3A_314 = vector.shape_cast %get3A_313 : vector<1x16xf32> to vector<16xf32>
        %get3A_315 = arith.constant 0 : i32
        %get3A_316 = arith.index_cast %get3A_315 : i32 to index
        %get3A_317 = arith.index_cast %scan3A_296 : i32 to index
        %get3A_318 = tpu.vector_load %arg18[%get3A_316, %get3A_317] {strides = array<i32>} : memref<8x48xf32, #tpu.memory_space<vmem>>, vector<1x16xf32>,
        %get3A_319 = vector.shape_cast %get3A_318 : vector<1x16xf32> to vector<16xf32>
        %slice3A_320 = vector.extract_strided_slice %get3A_319 {offsets = [0], sizes = [1], strides = [1]} : vector<16xf32> to vector<1xf32>
        %squeeze3A_321 = vector.extract %slice3A_320[0] : f32 from vector<1xf32>
        %add3A_322 = vector.broadcast %squeeze3A_321 : f32 to vector<16xf32>
        %add3A_323 = arith.addf %get3A_314, %add3A_322 : vector<16xf32>
        %mul3A_324 = arith.mulf %get3A_310, %add3A_323 : vector<16xf32>
        %add3A_325 = arith.addf %broadcast_in_dim3A_306, %mul3A_324 : vector<16xf32>
        %get3A_326 = arith.index_cast %scan3A_296 : i32 to index
        %get3A_327 = arith.constant 16 : index
        %get3A_328 = tpu.vector_load %arg23[%get3A_326, %get3A_327] {strides = array<i32>} : memref<32x128xf32, #tpu.memory_space<vmem>>, vector<1x16xf32>,
        %get3A_329 = vector.shape_cast %get3A_328 : vector<1x16xf32> to vector<16xf32>
        %get3A_330 = arith.index_cast %scan3A_296 : i32 to index
        %get3A_331 = arith.constant 16 : index
        %get3A_332 = tpu.vector_load %arg25[%get3A_330, %get3A_331] {strides = array<i32>} : memref<32x128xf32, #tpu.memory_space<vmem>>, vector<1x16xf32>,
        %get3A_333 = vector.shape_cast %get3A_332 : vector<1x16xf32> to vector<16xf32>
        %get3A_334 = arith.constant 1 : i32
        %get3A_335 = arith.index_cast %get3A_334 : i32 to index
        %get3A_336 = arith.index_cast %scan3A_296 : i32 to index
        %get3A_337 = tpu.vector_load %arg18[%get3A_335, %get3A_336] {strides = array<i32>} : memref<8x48xf32, #tpu.memory_space<vmem>>, vector<1x16xf32>,
        %get3A_338 = vector.shape_cast %get3A_337 : vector<1x16xf32> to vector<16xf32>
        %slice3A_339 = vector.extract_strided_slice %get3A_338 {offsets = [0], sizes = [1], strides = [1]} : vector<16xf32> to vector<1xf32>
        %squeeze3A_340 = vector.extract %slice3A_339[0] : f32 from vector<1xf32>
        %add3A_341 = vector.broadcast %squeeze3A_340 : f32 to vector<16xf32>
        %add3A_342 = arith.addf %get3A_333, %add3A_341 : vector<16xf32>
        %mul3A_343 = arith.mulf %get3A_329, %add3A_342 : vector<16xf32>
        %add3A_344 = arith.addf %add3A_325, %mul3A_343 : vector<16xf32>
        %get3A_345 = arith.index_cast %scan3A_296 : i32 to index
        %get3A_346 = arith.constant 32 : index
        %get3A_347 = tpu.vector_load %arg23[%get3A_345, %get3A_346] {strides = array<i32>} : memref<32x128xf32, #tpu.memory_space<vmem>>, vector<1x16xf32>,
        %get3A_348 = vector.shape_cast %get3A_347 : vector<1x16xf32> to vector<16xf32>
        %get3A_349 = arith.index_cast %scan3A_296 : i32 to index
        %get3A_350 = arith.constant 32 : index
        %get3A_351 = tpu.vector_load %arg25[%get3A_349, %get3A_350] {strides = array<i32>} : memref<32x128xf32, #tpu.memory_space<vmem>>, vector<1x16xf32>,
        %get3A_352 = vector.shape_cast %get3A_351 : vector<1x16xf32> to vector<16xf32>
        %get3A_353 = arith.constant 2 : i32
        %get3A_354 = arith.index_cast %get3A_353 : i32 to index
        %get3A_355 = arith.index_cast %scan3A_296 : i32 to index
        %get3A_356 = tpu.vector_load %arg18[%get3A_354, %get3A_355] {strides = array<i32>} : memref<8x48xf32, #tpu.memory_space<vmem>>, vector<1x16xf32>,
        %get3A_357 = vector.shape_cast %get3A_356 : vector<1x16xf32> to vector<16xf32>
        %slice3A_358 = vector.extract_strided_slice %get3A_357 {offsets = [0], sizes = [1], strides = [1]} : vector<16xf32> to vector<1xf32>
        %squeeze3A_359 = vector.extract %slice3A_358[0] : f32 from vector<1xf32>
        %add3A_360 = vector.broadcast %squeeze3A_359 : f32 to vector<16xf32>
        %add3A_361 = arith.addf %get3A_352, %add3A_360 : vector<16xf32>
        %mul3A_362 = arith.mulf %get3A_348, %add3A_361 : vector<16xf32>
        %add3A_363 = arith.addf %add3A_344, %mul3A_362 : vector<16xf32>
        %get3A_364 = arith.index_cast %scan3A_296 : i32 to index
        %get3A_365 = arith.constant 48 : index
        %get3A_366 = tpu.vector_load %arg23[%get3A_364, %get3A_365] {strides = array<i32>} : memref<32x128xf32, #tpu.memory_space<vmem>>, vector<1x16xf32>,
        %get3A_367 = vector.shape_cast %get3A_366 : vector<1x16xf32> to vector<16xf32>
        %get3A_368 = arith.index_cast %scan3A_296 : i32 to index
        %get3A_369 = arith.constant 48 : index
        %get3A_370 = tpu.vector_load %arg25[%get3A_368, %get3A_369] {strides = array<i32>} : memref<32x128xf32, #tpu.memory_space<vmem>>, vector<1x16xf32>,
        %get3A_371 = vector.shape_cast %get3A_370 : vector<1x16xf32> to vector<16xf32>
        %get3A_372 = arith.constant 3 : i32
        %get3A_373 = arith.index_cast %get3A_372 : i32 to index
        %get3A_374 = arith.index_cast %scan3A_296 : i32 to index
        %get3A_375 = tpu.vector_load %arg18[%get3A_373, %get3A_374] {strides = array<i32>} : memref<8x48xf32, #tpu.memory_space<vmem>>, vector<1x16xf32>,
        %get3A_376 = vector.shape_cast %get3A_375 : vector<1x16xf32> to vector<16xf32>
        %slice3A_377 = vector.extract_strided_slice %get3A_376 {offsets = [0], sizes = [1], strides = [1]} : vector<16xf32> to vector<1xf32>
        %squeeze3A_378 = vector.extract %slice3A_377[0] : f32 from vector<1xf32>
        %add3A_379 = vector.broadcast %squeeze3A_378 : f32 to vector<16xf32>
        %add3A_380 = arith.addf %get3A_371, %add3A_379 : vector<16xf32>
        %mul3A_381 = arith.mulf %get3A_367, %add3A_380 : vector<16xf32>
        %add3A_382 = arith.addf %add3A_363, %mul3A_381 : vector<16xf32>
        %get3A_383 = arith.index_cast %scan3A_296 : i32 to index
        %get3A_384 = arith.constant 64 : index
        %get3A_385 = tpu.vector_load %arg23[%get3A_383, %get3A_384] {strides = array<i32>} : memref<32x128xf32, #tpu.memory_space<vmem>>, vector<1x16xf32>,
        %get3A_386 = vector.shape_cast %get3A_385 : vector<1x16xf32> to vector<16xf32>
        %get3A_387 = arith.index_cast %scan3A_296 : i32 to index
        %get3A_388 = arith.constant 64 : index
        %get3A_389 = tpu.vector_load %arg25[%get3A_387, %get3A_388] {strides = array<i32>} : memref<32x128xf32, #tpu.memory_space<vmem>>, vector<1x16xf32>,
        %get3A_390 = vector.shape_cast %get3A_389 : vector<1x16xf32> to vector<16xf32>
        %get3A_391 = arith.constant 4 : i32
        %get3A_392 = arith.index_cast %get3A_391 : i32 to index
        %get3A_393 = arith.index_cast %scan3A_296 : i32 to index
        %get3A_394 = tpu.vector_load %arg18[%get3A_392, %get3A_393] {strides = array<i32>} : memref<8x48xf32, #tpu.memory_space<vmem>>, vector<1x16xf32>,
        %get3A_395 = vector.shape_cast %get3A_394 : vector<1x16xf32> to vector<16xf32>
        %slice3A_396 = vector.extract_strided_slice %get3A_395 {offsets = [0], sizes = [1], strides = [1]} : vector<16xf32> to vector<1xf32>
        %squeeze3A_397 = vector.extract %slice3A_396[0] : f32 from vector<1xf32>
        %add3A_398 = vector.broadcast %squeeze3A_397 : f32 to vector<16xf32>
        %add3A_399 = arith.addf %get3A_390, %add3A_398 : vector<16xf32>
        %mul3A_400 = arith.mulf %get3A_386, %add3A_399 : vector<16xf32>
        %add3A_401 = arith.addf %add3A_382, %mul3A_400 : vector<16xf32>
        %get3A_402 = arith.index_cast %scan3A_296 : i32 to index
        %get3A_403 = arith.constant 80 : index
        %get3A_404 = tpu.vector_load %arg23[%get3A_402, %get3A_403] {strides = array<i32>} : memref<32x128xf32, #tpu.memory_space<vmem>>, vector<1x16xf32>,
        %get3A_405 = vector.shape_cast %get3A_404 : vector<1x16xf32> to vector<16xf32>
        %get3A_406 = arith.index_cast %scan3A_296 : i32 to index
        %get3A_407 = arith.constant 80 : index
        %get3A_408 = tpu.vector_load %arg25[%get3A_406, %get3A_407] {strides = array<i32>} : memref<32x128xf32, #tpu.memory_space<vmem>>, vector<1x16xf32>,
        %get3A_409 = vector.shape_cast %get3A_408 : vector<1x16xf32> to vector<16xf32>
        %get3A_410 = arith.constant 5 : i32
        %get3A_411 = arith.index_cast %get3A_410 : i32 to index
        %get3A_412 = arith.index_cast %scan3A_296 : i32 to index
        %get3A_413 = tpu.vector_load %arg18[%get3A_411, %get3A_412] {strides = array<i32>} : memref<8x48xf32, #tpu.memory_space<vmem>>, vector<1x16xf32>,
        %get3A_414 = vector.shape_cast %get3A_413 : vector<1x16xf32> to vector<16xf32>
        %slice3A_415 = vector.extract_strided_slice %get3A_414 {offsets = [0], sizes = [1], strides = [1]} : vector<16xf32> to vector<1xf32>
        %squeeze3A_416 = vector.extract %slice3A_415[0] : f32 from vector<1xf32>
        %add3A_417 = vector.broadcast %squeeze3A_416 : f32 to vector<16xf32>
        %add3A_418 = arith.addf %get3A_409, %add3A_417 : vector<16xf32>
        %mul3A_419 = arith.mulf %get3A_405, %add3A_418 : vector<16xf32>
        %add3A_420 = arith.addf %add3A_401, %mul3A_419 : vector<16xf32>
        %get3A_421 = arith.index_cast %scan3A_296 : i32 to index
        %get3A_422 = arith.constant 96 : index
        %get3A_423 = tpu.vector_load %arg23[%get3A_421, %get3A_422] {strides = array<i32>} : memref<32x128xf32, #tpu.memory_space<vmem>>, vector<1x16xf32>,
        %get3A_424 = vector.shape_cast %get3A_423 : vector<1x16xf32> to vector<16xf32>
        %get3A_425 = arith.index_cast %scan3A_296 : i32 to index
        %get3A_426 = arith.constant 96 : index
        %get3A_427 = tpu.vector_load %arg25[%get3A_425, %get3A_426] {strides = array<i32>} : memref<32x128xf32, #tpu.memory_space<vmem>>, vector<1x16xf32>,
        %get3A_428 = vector.shape_cast %get3A_427 : vector<1x16xf32> to vector<16xf32>
        %get3A_429 = arith.constant 6 : i32
        %get3A_430 = arith.index_cast %get3A_429 : i32 to index
        %get3A_431 = arith.index_cast %scan3A_296 : i32 to index
        %get3A_432 = tpu.vector_load %arg18[%get3A_430, %get3A_431] {strides = array<i32>} : memref<8x48xf32, #tpu.memory_space<vmem>>, vector<1x16xf32>,
        %get3A_433 = vector.shape_cast %get3A_432 : vector<1x16xf32> to vector<16xf32>
        %slice3A_434 = vector.extract_strided_slice %get3A_433 {offsets = [0], sizes = [1], strides = [1]} : vector<16xf32> to vector<1xf32>
        %squeeze3A_435 = vector.extract %slice3A_434[0] : f32 from vector<1xf32>
        %add3A_436 = vector.broadcast %squeeze3A_435 : f32 to vector<16xf32>
        %add3A_437 = arith.addf %get3A_428, %add3A_436 : vector<16xf32>
        %mul3A_438 = arith.mulf %get3A_424, %add3A_437 : vector<16xf32>
        %add3A_439 = arith.addf %add3A_420, %mul3A_438 : vector<16xf32>
        %get3A_440 = arith.index_cast %scan3A_296 : i32 to index
        %get3A_441 = arith.constant 112 : index
        %get3A_442 = tpu.vector_load %arg23[%get3A_440, %get3A_441] {strides = array<i32>} : memref<32x128xf32, #tpu.memory_space<vmem>>, vector<1x16xf32>,
        %get3A_443 = vector.shape_cast %get3A_442 : vector<1x16xf32> to vector<16xf32>
        %get3A_444 = arith.index_cast %scan3A_296 : i32 to index
        %get3A_445 = arith.constant 112 : index
        %get3A_446 = tpu.vector_load %arg25[%get3A_444, %get3A_445] {strides = array<i32>} : memref<32x128xf32, #tpu.memory_space<vmem>>, vector<1x16xf32>,
        %get3A_447 = vector.shape_cast %get3A_446 : vector<1x16xf32> to vector<16xf32>
        %get3A_448 = arith.constant 7 : i32
        %get3A_449 = arith.index_cast %get3A_448 : i32 to index
        %get3A_450 = arith.index_cast %scan3A_296 : i32 to index
        %get3A_451 = tpu.vector_load %arg18[%get3A_449, %get3A_450] {strides = array<i32>} : memref<8x48xf32, #tpu.memory_space<vmem>>, vector<1x16xf32>,
        %get3A_452 = vector.shape_cast %get3A_451 : vector<1x16xf32> to vector<16xf32>
        %slice3A_453 = vector.extract_strided_slice %get3A_452 {offsets = [0], sizes = [1], strides = [1]} : vector<16xf32> to vector<1xf32>
        %squeeze3A_454 = vector.extract %slice3A_453[0] : f32 from vector<1xf32>
        %add3A_455 = vector.broadcast %squeeze3A_454 : f32 to vector<16xf32>
        %add3A_456 = arith.addf %get3A_447, %add3A_455 : vector<16xf32>
        %mul3A_457 = arith.mulf %get3A_443, %add3A_456 : vector<16xf32>
        %add3A_458 = arith.addf %add3A_439, %mul3A_457 : vector<16xf32>
        %mul3A_459 = vector.broadcast %squeeze3A : f32 to vector<16xf32>
        %mul3A_460 = arith.mulf %add3A_458, %mul3A_459 : vector<16xf32>
        %exp3A = math.exp %mul3A_460 : vector<16xf32>
        %broadcast_in_dim3A_461 = arith.constant 0.000000e+00 : f32
        %broadcast_in_dim3A_462 = vector.broadcast %broadcast_in_dim3A_461 : f32 to vector<16xf32>
        %eq3A_463 = arith.constant 0 : i32
        %eq3A_464 = arith.cmpi eq, %and3A_305, %eq3A_463 : i32
        %select_n3A = arith.select %eq3A_464, %exp3A, %broadcast_in_dim3A_462 : vector<16xf32>
        %swap3A_465 = arith.index_cast %scan3A_296 : i32 to index
        %swap3A_466 = arith.constant 0 : index
        %swap3A_467 = tpu.vector_load %arg29[%swap3A_465, %swap3A_466] {strides = array<i32>} : memref<32x128xf32, #tpu.memory_space<vmem>>, vector<1x16xf32>,
        %swap3A_468 = vector.shape_cast %swap3A_467 : vector<1x16xf32> to vector<16xf32>
        %swap3A_469 = vector.shape_cast %select_n3A : vector<16xf32> to vector<1x16xf32>
        tpu.vector_store %arg29[%swap3A_465, %swap3A_466], %swap3A_469 {strides = array<i32>} : memref<32x128xf32, #tpu.memory_space<vmem>>, vector<1x16xf32>,
        %get3A_470 = arith.index_cast %scan3A_296 : i32 to index
        %get3A_471 = arith.constant 0 : index
        %get3A_472 = tpu.vector_load %arg27[%get3A_470, %get3A_471] {strides = array<i32>} : memref<32x128xf32, #tpu.memory_space<vmem>>, vector<1x16xf32>,
        %get3A_473 = vector.shape_cast %get3A_472 : vector<1x16xf32> to vector<16xf32>
        %mul3A_474 = arith.mulf %exp3A, %get3A_473 : vector<16xf32>
        %swap3A_475 = arith.index_cast %scan3A_296 : i32 to index
        %swap3A_476 = arith.constant 0 : index
        %swap3A_477 = tpu.vector_load %arg30[%swap3A_475, %swap3A_476] {strides = array<i32>} : memref<32x128xf32, #tpu.memory_space<vmem>>, vector<1x16xf32>,
        %swap3A_478 = vector.shape_cast %swap3A_477 : vector<1x16xf32> to vector<16xf32>
        %swap3A_479 = vector.shape_cast %mul3A_474 : vector<16xf32> to vector<1x16xf32>
        tpu.vector_store %arg30[%swap3A_475, %swap3A_476], %swap3A_479 {strides = array<i32>} : memref<32x128xf32, #tpu.memory_space<vmem>>, vector<1x16xf32>,
        %eq3A_480 = arith.constant 1 : i32
        %eq3A_481 = arith.cmpi eq, %and3A_305, %eq3A_480 : i32
        %select_n3A_482 = arith.select %eq3A_481, %exp3A, %broadcast_in_dim3A_462 : vector<16xf32>
        %swap3A_483 = arith.index_cast %scan3A_296 : i32 to index
        %swap3A_484 = arith.constant 16 : index
        %swap3A_485 = tpu.vector_load %arg29[%swap3A_483, %swap3A_484] {strides = array<i32>} : memref<32x128xf32, #tpu.memory_space<vmem>>, vector<1x16xf32>,
        %swap3A_486 = vector.shape_cast %swap3A_485 : vector<1x16xf32> to vector<16xf32>
        %swap3A_487 = vector.shape_cast %select_n3A_482 : vector<16xf32> to vector<1x16xf32>
        tpu.vector_store %arg29[%swap3A_483, %swap3A_484], %swap3A_487 {strides = array<i32>} : memref<32x128xf32, #tpu.memory_space<vmem>>, vector<1x16xf32>,
        %get3A_488 = arith.index_cast %scan3A_296 : i32 to index
        %get3A_489 = arith.constant 16 : index
        %get3A_490 = tpu.vector_load %arg27[%get3A_488, %get3A_489] {strides = array<i32>} : memref<32x128xf32, #tpu.memory_space<vmem>>, vector<1x16xf32>,
        %get3A_491 = vector.shape_cast %get3A_490 : vector<1x16xf32> to vector<16xf32>
        %mul3A_492 = arith.mulf %exp3A, %get3A_491 : vector<16xf32>
        %swap3A_493 = arith.index_cast %scan3A_296 : i32 to index
        %swap3A_494 = arith.constant 16 : index
        %swap3A_495 = tpu.vector_load %arg30[%swap3A_493, %swap3A_494] {strides = array<i32>} : memref<32x128xf32, #tpu.memory_space<vmem>>, vector<1x16xf32>,
        %swap3A_496 = vector.shape_cast %swap3A_495 : vector<1x16xf32> to vector<16xf32>
        %swap3A_497 = vector.shape_cast %mul3A_492 : vector<16xf32> to vector<1x16xf32>
        tpu.vector_store %arg30[%swap3A_493, %swap3A_494], %swap3A_497 {strides = array<i32>} : memref<32x128xf32, #tpu.memory_space<vmem>>, vector<1x16xf32>,
        %eq3A_498 = arith.constant 2 : i32
        %eq3A_499 = arith.cmpi eq, %and3A_305, %eq3A_498 : i32
        %select_n3A_500 = arith.select %eq3A_499, %exp3A, %broadcast_in_dim3A_462 : vector<16xf32>
        %swap3A_501 = arith.index_cast %scan3A_296 : i32 to index
        %swap3A_502 = arith.constant 32 : index
        %swap3A_503 = tpu.vector_load %arg29[%swap3A_501, %swap3A_502] {strides = array<i32>} : memref<32x128xf32, #tpu.memory_space<vmem>>, vector<1x16xf32>,
        %swap3A_504 = vector.shape_cast %swap3A_503 : vector<1x16xf32> to vector<16xf32>
        %swap3A_505 = vector.shape_cast %select_n3A_500 : vector<16xf32> to vector<1x16xf32>
        tpu.vector_store %arg29[%swap3A_501, %swap3A_502], %swap3A_505 {strides = array<i32>} : memref<32x128xf32, #tpu.memory_space<vmem>>, vector<1x16xf32>,
        %get3A_506 = arith.index_cast %scan3A_296 : i32 to index
        %get3A_507 = arith.constant 32 : index
        %get3A_508 = tpu.vector_load %arg27[%get3A_506, %get3A_507] {strides = array<i32>} : memref<32x128xf32, #tpu.memory_space<vmem>>, vector<1x16xf32>,
        %get3A_509 = vector.shape_cast %get3A_508 : vector<1x16xf32> to vector<16xf32>
        %mul3A_510 = arith.mulf %exp3A, %get3A_509 : vector<16xf32>
        %swap3A_511 = arith.index_cast %scan3A_296 : i32 to index
        %swap3A_512 = arith.constant 32 : index
        %swap3A_513 = tpu.vector_load %arg30[%swap3A_511, %swap3A_512] {strides = array<i32>} : memref<32x128xf32, #tpu.memory_space<vmem>>, vector<1x16xf32>,
        %swap3A_514 = vector.shape_cast %swap3A_513 : vector<1x16xf32> to vector<16xf32>
        %swap3A_515 = vector.shape_cast %mul3A_510 : vector<16xf32> to vector<1x16xf32>
        tpu.vector_store %arg30[%swap3A_511, %swap3A_512], %swap3A_515 {strides = array<i32>} : memref<32x128xf32, #tpu.memory_space<vmem>>, vector<1x16xf32>,
        %eq3A_516 = arith.constant 3 : i32
        %eq3A_517 = arith.cmpi eq, %and3A_305, %eq3A_516 : i32
        %select_n3A_518 = arith.select %eq3A_517, %exp3A, %broadcast_in_dim3A_462 : vector<16xf32>
        %swap3A_519 = arith.index_cast %scan3A_296 : i32 to index
        %swap3A_520 = arith.constant 48 : index
        %swap3A_521 = tpu.vector_load %arg29[%swap3A_519, %swap3A_520] {strides = array<i32>} : memref<32x128xf32, #tpu.memory_space<vmem>>, vector<1x16xf32>,
        %swap3A_522 = vector.shape_cast %swap3A_521 : vector<1x16xf32> to vector<16xf32>
        %swap3A_523 = vector.shape_cast %select_n3A_518 : vector<16xf32> to vector<1x16xf32>
        tpu.vector_store %arg29[%swap3A_519, %swap3A_520], %swap3A_523 {strides = array<i32>} : memref<32x128xf32, #tpu.memory_space<vmem>>, vector<1x16xf32>,
        %get3A_524 = arith.index_cast %scan3A_296 : i32 to index
        %get3A_525 = arith.constant 48 : index
        %get3A_526 = tpu.vector_load %arg27[%get3A_524, %get3A_525] {strides = array<i32>} : memref<32x128xf32, #tpu.memory_space<vmem>>, vector<1x16xf32>,
        %get3A_527 = vector.shape_cast %get3A_526 : vector<1x16xf32> to vector<16xf32>
        %mul3A_528 = arith.mulf %exp3A, %get3A_527 : vector<16xf32>
        %swap3A_529 = arith.index_cast %scan3A_296 : i32 to index
        %swap3A_530 = arith.constant 48 : index
        %swap3A_531 = tpu.vector_load %arg30[%swap3A_529, %swap3A_530] {strides = array<i32>} : memref<32x128xf32, #tpu.memory_space<vmem>>, vector<1x16xf32>,
        %swap3A_532 = vector.shape_cast %swap3A_531 : vector<1x16xf32> to vector<16xf32>
        %swap3A_533 = vector.shape_cast %mul3A_528 : vector<16xf32> to vector<1x16xf32>
        tpu.vector_store %arg30[%swap3A_529, %swap3A_530], %swap3A_533 {strides = array<i32>} : memref<32x128xf32, #tpu.memory_space<vmem>>, vector<1x16xf32>,
        %eq3A_534 = arith.constant 4 : i32
        %eq3A_535 = arith.cmpi eq, %and3A_305, %eq3A_534 : i32
        %select_n3A_536 = arith.select %eq3A_535, %exp3A, %broadcast_in_dim3A_462 : vector<16xf32>
        %swap3A_537 = arith.index_cast %scan3A_296 : i32 to index
        %swap3A_538 = arith.constant 64 : index
        %swap3A_539 = tpu.vector_load %arg29[%swap3A_537, %swap3A_538] {strides = array<i32>} : memref<32x128xf32, #tpu.memory_space<vmem>>, vector<1x16xf32>,
        %swap3A_540 = vector.shape_cast %swap3A_539 : vector<1x16xf32> to vector<16xf32>
        %swap3A_541 = vector.shape_cast %select_n3A_536 : vector<16xf32> to vector<1x16xf32>
        tpu.vector_store %arg29[%swap3A_537, %swap3A_538], %swap3A_541 {strides = array<i32>} : memref<32x128xf32, #tpu.memory_space<vmem>>, vector<1x16xf32>,
        %get3A_542 = arith.index_cast %scan3A_296 : i32 to index
        %get3A_543 = arith.constant 64 : index
        %get3A_544 = tpu.vector_load %arg27[%get3A_542, %get3A_543] {strides = array<i32>} : memref<32x128xf32, #tpu.memory_space<vmem>>, vector<1x16xf32>,
        %get3A_545 = vector.shape_cast %get3A_544 : vector<1x16xf32> to vector<16xf32>
        %mul3A_546 = arith.mulf %exp3A, %get3A_545 : vector<16xf32>
        %swap3A_547 = arith.index_cast %scan3A_296 : i32 to index
        %swap3A_548 = arith.constant 64 : index
        %swap3A_549 = tpu.vector_load %arg30[%swap3A_547, %swap3A_548] {strides = array<i32>} : memref<32x128xf32, #tpu.memory_space<vmem>>, vector<1x16xf32>,
        %swap3A_550 = vector.shape_cast %swap3A_549 : vector<1x16xf32> to vector<16xf32>
        %swap3A_551 = vector.shape_cast %mul3A_546 : vector<16xf32> to vector<1x16xf32>
        tpu.vector_store %arg30[%swap3A_547, %swap3A_548], %swap3A_551 {strides = array<i32>} : memref<32x128xf32, #tpu.memory_space<vmem>>, vector<1x16xf32>,
        %eq3A_552 = arith.constant 5 : i32
        %eq3A_553 = arith.cmpi eq, %and3A_305, %eq3A_552 : i32
        %select_n3A_554 = arith.select %eq3A_553, %exp3A, %broadcast_in_dim3A_462 : vector<16xf32>
        %swap3A_555 = arith.index_cast %scan3A_296 : i32 to index
        %swap3A_556 = arith.constant 80 : index
        %swap3A_557 = tpu.vector_load %arg29[%swap3A_555, %swap3A_556] {strides = array<i32>} : memref<32x128xf32, #tpu.memory_space<vmem>>, vector<1x16xf32>,
        %swap3A_558 = vector.shape_cast %swap3A_557 : vector<1x16xf32> to vector<16xf32>
        %swap3A_559 = vector.shape_cast %select_n3A_554 : vector<16xf32> to vector<1x16xf32>
        tpu.vector_store %arg29[%swap3A_555, %swap3A_556], %swap3A_559 {strides = array<i32>} : memref<32x128xf32, #tpu.memory_space<vmem>>, vector<1x16xf32>,
        %get3A_560 = arith.index_cast %scan3A_296 : i32 to index
        %get3A_561 = arith.constant 80 : index
        %get3A_562 = tpu.vector_load %arg27[%get3A_560, %get3A_561] {strides = array<i32>} : memref<32x128xf32, #tpu.memory_space<vmem>>, vector<1x16xf32>,
        %get3A_563 = vector.shape_cast %get3A_562 : vector<1x16xf32> to vector<16xf32>
        %mul3A_564 = arith.mulf %exp3A, %get3A_563 : vector<16xf32>
        %swap3A_565 = arith.index_cast %scan3A_296 : i32 to index
        %swap3A_566 = arith.constant 80 : index
        %swap3A_567 = tpu.vector_load %arg30[%swap3A_565, %swap3A_566] {strides = array<i32>} : memref<32x128xf32, #tpu.memory_space<vmem>>, vector<1x16xf32>,
        %swap3A_568 = vector.shape_cast %swap3A_567 : vector<1x16xf32> to vector<16xf32>
        %swap3A_569 = vector.shape_cast %mul3A_564 : vector<16xf32> to vector<1x16xf32>
        tpu.vector_store %arg30[%swap3A_565, %swap3A_566], %swap3A_569 {strides = array<i32>} : memref<32x128xf32, #tpu.memory_space<vmem>>, vector<1x16xf32>,
        %eq3A_570 = arith.constant 6 : i32
        %eq3A_571 = arith.cmpi eq, %and3A_305, %eq3A_570 : i32
        %select_n3A_572 = arith.select %eq3A_571, %exp3A, %broadcast_in_dim3A_462 : vector<16xf32>
        %swap3A_573 = arith.index_cast %scan3A_296 : i32 to index
        %swap3A_574 = arith.constant 96 : index
        %swap3A_575 = tpu.vector_load %arg29[%swap3A_573, %swap3A_574] {strides = array<i32>} : memref<32x128xf32, #tpu.memory_space<vmem>>, vector<1x16xf32>,
        %swap3A_576 = vector.shape_cast %swap3A_575 : vector<1x16xf32> to vector<16xf32>
        %swap3A_577 = vector.shape_cast %select_n3A_572 : vector<16xf32> to vector<1x16xf32>
        tpu.vector_store %arg29[%swap3A_573, %swap3A_574], %swap3A_577 {strides = array<i32>} : memref<32x128xf32, #tpu.memory_space<vmem>>, vector<1x16xf32>,
        %get3A_578 = arith.index_cast %scan3A_296 : i32 to index
        %get3A_579 = arith.constant 96 : index
        %get3A_580 = tpu.vector_load %arg27[%get3A_578, %get3A_579] {strides = array<i32>} : memref<32x128xf32, #tpu.memory_space<vmem>>, vector<1x16xf32>,
        %get3A_581 = vector.shape_cast %get3A_580 : vector<1x16xf32> to vector<16xf32>
        %mul3A_582 = arith.mulf %exp3A, %get3A_581 : vector<16xf32>
        %swap3A_583 = arith.index_cast %scan3A_296 : i32 to index
        %swap3A_584 = arith.constant 96 : index
        %swap3A_585 = tpu.vector_load %arg30[%swap3A_583, %swap3A_584] {strides = array<i32>} : memref<32x128xf32, #tpu.memory_space<vmem>>, vector<1x16xf32>,
        %swap3A_586 = vector.shape_cast %swap3A_585 : vector<1x16xf32> to vector<16xf32>
        %swap3A_587 = vector.shape_cast %mul3A_582 : vector<16xf32> to vector<1x16xf32>
        tpu.vector_store %arg30[%swap3A_583, %swap3A_584], %swap3A_587 {strides = array<i32>} : memref<32x128xf32, #tpu.memory_space<vmem>>, vector<1x16xf32>,
        %eq3A_588 = arith.constant 7 : i32
        %eq3A_589 = arith.cmpi eq, %and3A_305, %eq3A_588 : i32
        %select_n3A_590 = arith.select %eq3A_589, %exp3A, %broadcast_in_dim3A_462 : vector<16xf32>
        %swap3A_591 = arith.index_cast %scan3A_296 : i32 to index
        %swap3A_592 = arith.constant 112 : index
        %swap3A_593 = tpu.vector_load %arg29[%swap3A_591, %swap3A_592] {strides = array<i32>} : memref<32x128xf32, #tpu.memory_space<vmem>>, vector<1x16xf32>,
        %swap3A_594 = vector.shape_cast %swap3A_593 : vector<1x16xf32> to vector<16xf32>
        %swap3A_595 = vector.shape_cast %select_n3A_590 : vector<16xf32> to vector<1x16xf32>
        tpu.vector_store %arg29[%swap3A_591, %swap3A_592], %swap3A_595 {strides = array<i32>} : memref<32x128xf32, #tpu.memory_space<vmem>>, vector<1x16xf32>,
        %get3A_596 = arith.index_cast %scan3A_296 : i32 to index
        %get3A_597 = arith.constant 112 : index
        %get3A_598 = tpu.vector_load %arg27[%get3A_596, %get3A_597] {strides = array<i32>} : memref<32x128xf32, #tpu.memory_space<vmem>>, vector<1x16xf32>,
        %get3A_599 = vector.shape_cast %get3A_598 : vector<1x16xf32> to vector<16xf32>
        %mul3A_600 = arith.mulf %exp3A, %get3A_599 : vector<16xf32>
        %swap3A_601 = arith.index_cast %scan3A_296 : i32 to index
        %swap3A_602 = arith.constant 112 : index
        %swap3A_603 = tpu.vector_load %arg30[%swap3A_601, %swap3A_602] {strides = array<i32>} : memref<32x128xf32, #tpu.memory_space<vmem>>, vector<1x16xf32>,
        %swap3A_604 = vector.shape_cast %swap3A_603 : vector<1x16xf32> to vector<16xf32>
        %swap3A_605 = vector.shape_cast %mul3A_600 : vector<16xf32> to vector<1x16xf32>
        tpu.vector_store %arg30[%swap3A_601, %swap3A_602], %swap3A_605 {strides = array<i32>} : memref<32x128xf32, #tpu.memory_space<vmem>>, vector<1x16xf32>,
      }
      %scan3A_169 = arith.constant 32 : i32
      %mul3A_170 = arith.constant 32 : i32
      %mul3A_171 = arith.muli %add3A_88, %mul3A_170 : i32
      %dma_wait3A_172 = tpu.memref_slice %arg5[%mul3A_171] : memref<320000xi32, #tpu.memory_space<hbm>> -> memref<32xi32, #tpu.memory_space<hbm>>
      %dma_wait3A_173 = tpu.memref_slice %arg5[%mul3A_171] : memref<320000xi32, #tpu.memory_space<hbm>> -> memref<32xi32, #tpu.memory_space<hbm>>
      tpu.wait_dma2 semaphore(%arg34 : memref<!tpu.dma_semaphore, #tpu.memory_space<semaphore_mem>>) src(%dma_wait3A_173 : memref<32xi32, #tpu.memory_space<hbm>>) dst(%arg13 : memref<32xi32, #tpu.memory_space<vmem>>)
      %dma_wait3A_174 = tpu.memref_slice %arg6[%mul3A_171] : memref<320000xi32, #tpu.memory_space<hbm>> -> memref<32xi32, #tpu.memory_space<hbm>>
      %dma_wait3A_175 = tpu.memref_slice %arg6[%mul3A_171] : memref<320000xi32, #tpu.memory_space<hbm>> -> memref<32xi32, #tpu.memory_space<hbm>>
      tpu.wait_dma2 semaphore(%arg34 : memref<!tpu.dma_semaphore, #tpu.memory_space<semaphore_mem>>) src(%dma_wait3A_175 : memref<32xi32, #tpu.memory_space<hbm>>) dst(%arg15 : memref<32xi32, #tpu.memory_space<vmem>>)
      %dma_wait3A_176 = arith.constant 0 : i32
      %dma_wait3A_177 = tpu.memref_slice %arg17[%dma_wait3A_176] : memref<48xf32, #tpu.memory_space<vmem>> -> memref<32xf32, #tpu.memory_space<vmem>>
      %dma_wait3A_178 = tpu.memref_slice %arg7[%mul3A_171] : memref<320000xf32, #tpu.memory_space<hbm>> -> memref<32xf32, #tpu.memory_space<hbm>>
      %dma_wait3A_179 = arith.constant 0 : i32
      %dma_wait3A_180 = tpu.memref_slice %arg17[%dma_wait3A_179] : memref<48xf32, #tpu.memory_space<vmem>> -> memref<32xf32, #tpu.memory_space<vmem>>
      %dma_wait3A_181 = tpu.memref_slice %arg7[%mul3A_171] : memref<320000xf32, #tpu.memory_space<hbm>> -> memref<32xf32, #tpu.memory_space<hbm>>
      tpu.wait_dma2 semaphore(%arg34 : memref<!tpu.dma_semaphore, #tpu.memory_space<semaphore_mem>>) src(%dma_wait3A_181 : memref<32xf32, #tpu.memory_space<hbm>>) dst(%dma_wait3A_180 : memref<32xf32, #tpu.memory_space<vmem>>)
      %dma_wait3A_182 = arith.constant 0 : i32
      %dma_wait3A_183 = arith.constant 0 : i32
      %dma_wait3A_184 = tpu.memref_slice %arg19[%dma_wait3A_182, %dma_wait3A_183] : memref<8x48xf32, #tpu.memory_space<vmem>> -> memref<8x32xf32, #tpu.memory_space<vmem>>
      %dma_wait3A_185 = arith.constant 0 : i32
      %dma_wait3A_186 = tpu.memref_slice %arg8[%dma_wait3A_185, %mul3A_171] : memref<8x320000xf32, #tpu.memory_space<hbm>> -> memref<8x32xf32, #tpu.memory_space<hbm>>
      %dma_wait3A_187 = arith.constant 0 : i32
      %dma_wait3A_188 = arith.constant 0 : i32
      %dma_wait3A_189 = tpu.memref_slice %arg19[%dma_wait3A_187, %dma_wait3A_188] : memref<8x48xf32, #tpu.memory_space<vmem>> -> memref<8x32xf32, #tpu.memory_space<vmem>>
      %dma_wait3A_190 = arith.constant 0 : i32
      %dma_wait3A_191 = tpu.memref_slice %arg8[%dma_wait3A_190, %mul3A_171] : memref<8x320000xf32, #tpu.memory_space<hbm>> -> memref<8x32xf32, #tpu.memory_space<hbm>>
      tpu.wait_dma2 semaphore(%arg34 : memref<!tpu.dma_semaphore, #tpu.memory_space<semaphore_mem>>) src(%dma_wait3A_191 : memref<8x32xf32, #tpu.memory_space<hbm>>) dst(%dma_wait3A_189 : memref<8x32xf32, #tpu.memory_space<vmem>>)
      %dma_start3A_192 = arith.constant 0 : i32
      %dma_start3A_193 = arith.constant 0 : i32
      %dma_start3A_194 = tpu.memref_slice %arg2[%dma_start3A_192, %dma_start3A_193] : memref<10000x128xf32, #tpu.memory_space<hbm>> -> memref<10000x128xf32, #tpu.memory_space<hbm>>
      tpu.enqueue_indirect_dma source(%dma_start3A_194 : memref<10000x128xf32, #tpu.memory_space<hbm>>) target(%arg24 : memref<32x128xf32, #tpu.memory_space<vmem>>) offsets(%arg15 : memref<32xi32, #tpu.memory_space<vmem>>) semaphore(%arg36 : memref<!tpu.dma_semaphore, #tpu.memory_space<semaphore_mem>>)
      %dma_start3A_195 = arith.constant 0 : i32
      %dma_start3A_196 = arith.constant 0 : i32
      %dma_start3A_197 = tpu.memref_slice %arg3[%dma_start3A_195, %dma_start3A_196] : memref<10000x128xf32, #tpu.memory_space<hbm>> -> memref<10000x128xf32, #tpu.memory_space<hbm>>
      tpu.enqueue_indirect_dma source(%dma_start3A_197 : memref<10000x128xf32, #tpu.memory_space<hbm>>) target(%arg26 : memref<32x128xf32, #tpu.memory_space<vmem>>) offsets(%arg13 : memref<32xi32, #tpu.memory_space<vmem>>) semaphore(%arg38 : memref<!tpu.dma_semaphore, #tpu.memory_space<semaphore_mem>>)
      %dma_start3A_198 = arith.constant 0 : i32
      %dma_start3A_199 = arith.constant 0 : i32
      %dma_start3A_200 = tpu.memref_slice %arg4[%dma_start3A_198, %dma_start3A_199] : memref<10000x128xf32, #tpu.memory_space<hbm>> -> memref<10000x128xf32, #tpu.memory_space<hbm>>
      tpu.enqueue_indirect_dma source(%dma_start3A_200 : memref<10000x128xf32, #tpu.memory_space<hbm>>) target(%arg28 : memref<32x128xf32, #tpu.memory_space<vmem>>) offsets(%arg13 : memref<32xi32, #tpu.memory_space<vmem>>) semaphore(%arg40 : memref<!tpu.dma_semaphore, #tpu.memory_space<semaphore_mem>>)
      %dma_start3A_201 = arith.constant 0 : i32
      %dma_start3A_202 = arith.constant 0 : i32
      %dma_start3A_203 = tpu.memref_slice %arg31[%dma_start3A_201, %dma_start3A_202] : memref<1280x128xf32, #tpu.memory_space<vmem_shared>> -> memref<1280x128xf32, #tpu.memory_space<vmem_shared>>
      tpu.enqueue_indirect_dma source(%arg29 : memref<32x128xf32, #tpu.memory_space<vmem>>) target(%dma_start3A_203 : memref<1280x128xf32, #tpu.memory_space<vmem_shared>>) offsets(%arg21 : memref<32xi32, #tpu.memory_space<vmem>>) semaphore(%arg41 : memref<!tpu.dma_semaphore, #tpu.memory_space<semaphore_mem>>) {add = true}
      %dma_start3A_204 = arith.constant 0 : i32
      %dma_start3A_205 = arith.constant 0 : i32
      %dma_start3A_206 = tpu.memref_slice %arg32[%dma_start3A_204, %dma_start3A_205] : memref<10000x128xf32, #tpu.memory_space<vmem_shared>> -> memref<10000x128xf32, #tpu.memory_space<vmem_shared>>
      tpu.enqueue_indirect_dma source(%arg30 : memref<32x128xf32, #tpu.memory_space<vmem>>) target(%dma_start3A_206 : memref<10000x128xf32, #tpu.memory_space<vmem_shared>>) offsets(%arg20 : memref<32xi32, #tpu.memory_space<vmem>>) semaphore(%arg42 : memref<!tpu.dma_semaphore, #tpu.memory_space<semaphore_mem>>) {add = true}
      %mul3A_207 = arith.constant 2 : i32
      %mul3A_208 = arith.muli %mul3A_207, %scan3A_79 : i32
      %add3A_209 = arith.constant 1 : i32
      %add3A_210 = arith.addi %mul3A_208, %add3A_209 : i32
      %add3A_211 = arith.constant 1 : i32
      %add3A_212 = arith.addi %add3A_210, %add3A_211 : i32
      %mul3A_213 = arith.constant 32 : i32
      %mul3A_214 = arith.muli %add3A_212, %mul3A_213 : i32
      %add3A_215 = arith.addi %add3A, %mul3A_214 : i32
      %dma_wait3A_216 = arith.constant 0 : i32
      %dma_wait3A_217 = arith.constant 0 : i32
      %dma_wait3A_218 = tpu.memref_slice %arg31[%dma_wait3A_216, %dma_wait3A_217] : memref<1280x128xf32, #tpu.memory_space<vmem_shared>> -> memref<1280x128xf32, #tpu.memory_space<vmem_shared>>
      tpu.wait_indirect_dma semaphore(%arg41 : memref<!tpu.dma_semaphore, #tpu.memory_space<semaphore_mem>>) src(%arg29 : memref<32x128xf32, #tpu.memory_space<vmem>>) dst(%dma_wait3A_218 : memref<1280x128xf32, #tpu.memory_space<vmem_shared>>)
      %dma_wait3A_219 = arith.constant 0 : i32
      %dma_wait3A_220 = arith.constant 0 : i32
      %dma_wait3A_221 = tpu.memref_slice %arg32[%dma_wait3A_219, %dma_wait3A_220] : memref<10000x128xf32, #tpu.memory_space<vmem_shared>> -> memref<10000x128xf32, #tpu.memory_space<vmem_shared>>
      tpu.wait_indirect_dma semaphore(%arg42 : memref<!tpu.dma_semaphore, #tpu.memory_space<semaphore_mem>>) src(%arg30 : memref<32x128xf32, #tpu.memory_space<vmem>>) dst(%dma_wait3A_221 : memref<10000x128xf32, #tpu.memory_space<vmem_shared>>)
      %lt3A_222 = arith.constant 155 : i32
      %lt3A_223 = arith.cmpi slt, %scan3A_79, %lt3A_222 : i32
      %convert_element_type3A_224 = arith.extui %lt3A_223 : i1 to i32
      %cond3A_225 = arith.constant 0 : i32
      %cond3A_226 = arith.cmpi ne, %convert_element_type3A_224, %cond3A_225 : i32
      scf.if %cond3A_226 {
        %mul3A_296 = arith.constant 32 : i32
        %mul3A_297 = arith.muli %add3A_215, %mul3A_296 : i32
        %dma_start3A_298 = tpu.memref_slice %arg5[%mul3A_297] : memref<320000xi32, #tpu.memory_space<hbm>> -> memref<32xi32, #tpu.memory_space<hbm>>
        %dma_start3A_299 = tpu.memref_slice %arg5[%mul3A_297] : memref<320000xi32, #tpu.memory_space<hbm>> -> memref<32xi32, #tpu.memory_space<hbm>>
        tpu.enqueue_dma source(%dma_start3A_299 : memref<32xi32, #tpu.memory_space<hbm>>) target(%arg12 : memref<32xi32, #tpu.memory_space<vmem>>) target_semaphore(%arg33 : memref<!tpu.dma_semaphore, #tpu.memory_space<semaphore_mem>>)
        %dma_start3A_300 = tpu.memref_slice %arg6[%mul3A_297] : memref<320000xi32, #tpu.memory_space<hbm>> -> memref<32xi32, #tpu.memory_space<hbm>>
        %dma_start3A_301 = tpu.memref_slice %arg6[%mul3A_297] : memref<320000xi32, #tpu.memory_space<hbm>> -> memref<32xi32, #tpu.memory_space<hbm>>
        tpu.enqueue_dma source(%dma_start3A_301 : memref<32xi32, #tpu.memory_space<hbm>>) target(%arg14 : memref<32xi32, #tpu.memory_space<vmem>>) target_semaphore(%arg33 : memref<!tpu.dma_semaphore, #tpu.memory_space<semaphore_mem>>)
        %dma_start3A_302 = arith.constant 0 : i32
        %dma_start3A_303 = tpu.memref_slice %arg16[%dma_start3A_302] : memref<48xf32, #tpu.memory_space<vmem>> -> memref<32xf32, #tpu.memory_space<vmem>>
        %dma_start3A_304 = tpu.memref_slice %arg7[%mul3A_297] : memref<320000xf32, #tpu.memory_space<hbm>> -> memref<32xf32, #tpu.memory_space<hbm>>
        %dma_start3A_305 = arith.constant 0 : i32
        %dma_start3A_306 = tpu.memref_slice %arg16[%dma_start3A_305] : memref<48xf32, #tpu.memory_space<vmem>> -> memref<32xf32, #tpu.memory_space<vmem>>
        %dma_start3A_307 = tpu.memref_slice %arg7[%mul3A_297] : memref<320000xf32, #tpu.memory_space<hbm>> -> memref<32xf32, #tpu.memory_space<hbm>>
        tpu.enqueue_dma source(%dma_start3A_307 : memref<32xf32, #tpu.memory_space<hbm>>) target(%dma_start3A_306 : memref<32xf32, #tpu.memory_space<vmem>>) target_semaphore(%arg33 : memref<!tpu.dma_semaphore, #tpu.memory_space<semaphore_mem>>)
        %dma_start3A_308 = arith.constant 0 : i32
        %dma_start3A_309 = arith.constant 0 : i32
        %dma_start3A_310 = tpu.memref_slice %arg18[%dma_start3A_308, %dma_start3A_309] : memref<8x48xf32, #tpu.memory_space<vmem>> -> memref<8x32xf32, #tpu.memory_space<vmem>>
        %dma_start3A_311 = arith.constant 0 : i32
        %dma_start3A_312 = tpu.memref_slice %arg8[%dma_start3A_311, %mul3A_297] : memref<8x320000xf32, #tpu.memory_space<hbm>> -> memref<8x32xf32, #tpu.memory_space<hbm>>
        %dma_start3A_313 = arith.constant 0 : i32
        %dma_start3A_314 = arith.constant 0 : i32
        %dma_start3A_315 = tpu.memref_slice %arg18[%dma_start3A_313, %dma_start3A_314] : memref<8x48xf32, #tpu.memory_space<vmem>> -> memref<8x32xf32, #tpu.memory_space<vmem>>
        %dma_start3A_316 = arith.constant 0 : i32
        %dma_start3A_317 = tpu.memref_slice %arg8[%dma_start3A_316, %mul3A_297] : memref<8x320000xf32, #tpu.memory_space<hbm>> -> memref<8x32xf32, #tpu.memory_space<hbm>>
        tpu.enqueue_dma source(%dma_start3A_317 : memref<8x32xf32, #tpu.memory_space<hbm>>) target(%dma_start3A_315 : memref<8x32xf32, #tpu.memory_space<vmem>>) target_semaphore(%arg33 : memref<!tpu.dma_semaphore, #tpu.memory_space<semaphore_mem>>)
      } else {
      }
      %dma_wait3A_227 = arith.constant 0 : i32
      %dma_wait3A_228 = arith.constant 0 : i32
      %dma_wait3A_229 = tpu.memref_slice %arg2[%dma_wait3A_227, %dma_wait3A_228] : memref<10000x128xf32, #tpu.memory_space<hbm>> -> memref<10000x128xf32, #tpu.memory_space<hbm>>
      tpu.wait_indirect_dma semaphore(%arg36 : memref<!tpu.dma_semaphore, #tpu.memory_space<semaphore_mem>>) src(%dma_wait3A_229 : memref<10000x128xf32, #tpu.memory_space<hbm>>) dst(%arg24 : memref<32x128xf32, #tpu.memory_space<vmem>>)
      %dma_wait3A_230 = arith.constant 0 : i32
      %dma_wait3A_231 = arith.constant 0 : i32
      %dma_wait3A_232 = tpu.memref_slice %arg3[%dma_wait3A_230, %dma_wait3A_231] : memref<10000x128xf32, #tpu.memory_space<hbm>> -> memref<10000x128xf32, #tpu.memory_space<hbm>>
      tpu.wait_indirect_dma semaphore(%arg38 : memref<!tpu.dma_semaphore, #tpu.memory_space<semaphore_mem>>) src(%dma_wait3A_232 : memref<10000x128xf32, #tpu.memory_space<hbm>>) dst(%arg26 : memref<32x128xf32, #tpu.memory_space<vmem>>)
      %dma_wait3A_233 = arith.constant 0 : i32
      %dma_wait3A_234 = arith.constant 0 : i32
      %dma_wait3A_235 = tpu.memref_slice %arg4[%dma_wait3A_233, %dma_wait3A_234] : memref<10000x128xf32, #tpu.memory_space<hbm>> -> memref<10000x128xf32, #tpu.memory_space<hbm>>
      tpu.wait_indirect_dma semaphore(%arg40 : memref<!tpu.dma_semaphore, #tpu.memory_space<semaphore_mem>>) src(%dma_wait3A_235 : memref<10000x128xf32, #tpu.memory_space<hbm>>) dst(%arg28 : memref<32x128xf32, #tpu.memory_space<vmem>>)
      %get3A_236 = arith.constant 0 : index
      %get3A_237 = tpu.vector_load %arg15[%get3A_236] {strides = array<i32>} : memref<32xi32, #tpu.memory_space<vmem>>, vector<16xi32>,
      %get3A_238 = vector.shape_cast %get3A_237 : vector<16xi32> to vector<16xi32>
      %swap3A_239 = arith.constant 0 : index
      %swap3A_240 = tpu.vector_load %arg20[%swap3A_239] {strides = array<i32>} : memref<32xi32, #tpu.memory_space<vmem>>, vector<16xi32>,
      %swap3A_241 = vector.shape_cast %swap3A_240 : vector<16xi32> to vector<16xi32>
      %swap3A_242 = vector.shape_cast %get3A_238 : vector<16xi32> to vector<16xi32>
      tpu.vector_store %arg20[%swap3A_239], %swap3A_242 {strides = array<i32>} : memref<32xi32, #tpu.memory_space<vmem>>, vector<16xi32>,
      %shift_right_logical3A_243 = arith.constant 3 : i32
      %shift_right_logical3A_244 = vector.broadcast %shift_right_logical3A_243 : i32 to vector<16xi32>
      %shift_right_logical3A_245 = arith.shrui %get3A_238, %shift_right_logical3A_244 : vector<16xi32>
      %swap3A_246 = arith.constant 0 : index
      %swap3A_247 = tpu.vector_load %arg21[%swap3A_246] {strides = array<i32>} : memref<32xi32, #tpu.memory_space<vmem>>, vector<16xi32>,
      %swap3A_248 = vector.shape_cast %swap3A_247 : vector<16xi32> to vector<16xi32>
      %swap3A_249 = vector.shape_cast %shift_right_logical3A_245 : vector<16xi32> to vector<16xi32>
      tpu.vector_store %arg21[%swap3A_246], %swap3A_249 {strides = array<i32>} : memref<32xi32, #tpu.memory_space<vmem>>, vector<16xi32>,
      %swap3A_250 = arith.constant 0 : index
      %swap3A_251 = tpu.vector_load %arg22[%swap3A_250] {strides = array<i32>} : memref<48xi32, #tpu.memory_space<vmem>>, vector<16xi32>,
      %swap3A_252 = vector.shape_cast %swap3A_251 : vector<16xi32> to vector<16xi32>
      %swap3A_253 = vector.shape_cast %get3A_238 : vector<16xi32> to vector<16xi32>
      tpu.vector_store %arg22[%swap3A_250], %swap3A_253 {strides = array<i32>} : memref<48xi32, #tpu.memory_space<vmem>>, vector<16xi32>,
      %get3A_254 = arith.constant 16 : index
      %get3A_255 = tpu.vector_load %arg15[%get3A_254] {strides = array<i32>} : memref<32xi32, #tpu.memory_space<vmem>>, vector<16xi32>,
      %get3A_256 = vector.shape_cast %get3A_255 : vector<16xi32> to vector<16xi32>
      %swap3A_257 = arith.constant 16 : index
      %swap3A_258 = tpu.vector_load %arg20[%swap3A_257] {strides = array<i32>} : memref<32xi32, #tpu.memory_space<vmem>>, vector<16xi32>,
      %swap3A_259 = vector.shape_cast %swap3A_258 : vector<16xi32> to vector<16xi32>
      %swap3A_260 = vector.shape_cast %get3A_256 : vector<16xi32> to vector<16xi32>
      tpu.vector_store %arg20[%swap3A_257], %swap3A_260 {strides = array<i32>} : memref<32xi32, #tpu.memory_space<vmem>>, vector<16xi32>,
      %shift_right_logical3A_261 = arith.constant 3 : i32
      %shift_right_logical3A_262 = vector.broadcast %shift_right_logical3A_261 : i32 to vector<16xi32>
      %shift_right_logical3A_263 = arith.shrui %get3A_256, %shift_right_logical3A_262 : vector<16xi32>
      %swap3A_264 = arith.constant 16 : index
      %swap3A_265 = tpu.vector_load %arg21[%swap3A_264] {strides = array<i32>} : memref<32xi32, #tpu.memory_space<vmem>>, vector<16xi32>,
      %swap3A_266 = vector.shape_cast %swap3A_265 : vector<16xi32> to vector<16xi32>
      %swap3A_267 = vector.shape_cast %shift_right_logical3A_263 : vector<16xi32> to vector<16xi32>
      tpu.vector_store %arg21[%swap3A_264], %swap3A_267 {strides = array<i32>} : memref<32xi32, #tpu.memory_space<vmem>>, vector<16xi32>,
      %swap3A_268 = arith.constant 16 : index
      %swap3A_269 = tpu.vector_load %arg22[%swap3A_268] {strides = array<i32>} : memref<48xi32, #tpu.memory_space<vmem>>, vector<16xi32>,
      %swap3A_270 = vector.shape_cast %swap3A_269 : vector<16xi32> to vector<16xi32>
      %swap3A_271 = vector.shape_cast %get3A_256 : vector<16xi32> to vector<16xi32>
      tpu.vector_store %arg22[%swap3A_268], %swap3A_271 {strides = array<i32>} : memref<48xi32, #tpu.memory_space<vmem>>, vector<16xi32>,
      %get3A_272 = arith.constant 16 : index
      %get3A_273 = tpu.vector_load %arg15[%get3A_272] {strides = array<i32>} : memref<32xi32, #tpu.memory_space<vmem>>, vector<16xi32>,
      %get3A_274 = vector.shape_cast %get3A_273 : vector<16xi32> to vector<16xi32>
      %swap3A_275 = arith.constant 32 : index
      %swap3A_276 = tpu.vector_load %arg22[%swap3A_275] {strides = array<i32>} : memref<48xi32, #tpu.memory_space<vmem>>, vector<16xi32>,
      %swap3A_277 = vector.shape_cast %swap3A_276 : vector<16xi32> to vector<16xi32>
      %swap3A_278 = vector.shape_cast %get3A_274 : vector<16xi32> to vector<16xi32>
      tpu.vector_store %arg22[%swap3A_275], %swap3A_278 {strides = array<i32>} : memref<48xi32, #tpu.memory_space<vmem>>, vector<16xi32>,
      %scan3A_279 = arith.constant 0 : i32
      %scan3A_280 = arith.constant 0 : i32
      %scan3A_281 = arith.constant 32 : i32
      %scan3A_282 = arith.addi %scan3A_280, %scan3A_281 : i32
      %scan3A_283 = arith.constant 1 : i32
      scf.for %scan3A_296 = %scan3A_280 to %scan3A_282 step %scan3A_283  : i32 {
        %get3A_297 = arith.index_cast %scan3A_296 : i32 to index
        %get3A_298 = tpu.vector_load %arg17[%get3A_297] {strides = array<i32>} : memref<48xf32, #tpu.memory_space<vmem>>, vector<16xf32>,
        %get3A_299 = vector.shape_cast %get3A_298 : vector<16xf32> to vector<16xf32>
        %slice3A = vector.extract_strided_slice %get3A_299 {offsets = [0], sizes = [1], strides = [1]} : vector<16xf32> to vector<1xf32>
        %squeeze3A = vector.extract %slice3A[0] : f32 from vector<1xf32>
        %get3A_300 = arith.index_cast %scan3A_296 : i32 to index
        %get3A_301 = tpu.vector_load %arg22[%get3A_300] {strides = array<i32>} : memref<48xi32, #tpu.memory_space<vmem>>, vector<16xi32>,
        %get3A_302 = vector.shape_cast %get3A_301 : vector<16xi32> to vector<16xi32>
        %slice3A_303 = vector.extract_strided_slice %get3A_302 {offsets = [0], sizes = [1], strides = [1]} : vector<16xi32> to vector<1xi32>
        %squeeze3A_304 = vector.extract %slice3A_303[0] : i32 from vector<1xi32>
        %and3A = arith.constant 7 : i32
        %and3A_305 = arith.andi %squeeze3A_304, %and3A : i32
        %broadcast_in_dim3A = arith.constant 0.000000e+00 : f32
        %broadcast_in_dim3A_306 = vector.broadcast %broadcast_in_dim3A : f32 to vector<16xf32>
        %get3A_307 = arith.index_cast %scan3A_296 : i32 to index
        %get3A_308 = arith.constant 0 : index
        %get3A_309 = tpu.vector_load %arg24[%get3A_307, %get3A_308] {strides = array<i32>} : memref<32x128xf32, #tpu.memory_space<vmem>>, vector<1x16xf32>,
        %get3A_310 = vector.shape_cast %get3A_309 : vector<1x16xf32> to vector<16xf32>
        %get3A_311 = arith.index_cast %scan3A_296 : i32 to index
        %get3A_312 = arith.constant 0 : index
        %get3A_313 = tpu.vector_load %arg26[%get3A_311, %get3A_312] {strides = array<i32>} : memref<32x128xf32, #tpu.memory_space<vmem>>, vector<1x16xf32>,
        %get3A_314 = vector.shape_cast %get3A_313 : vector<1x16xf32> to vector<16xf32>
        %get3A_315 = arith.constant 0 : i32
        %get3A_316 = arith.index_cast %get3A_315 : i32 to index
        %get3A_317 = arith.index_cast %scan3A_296 : i32 to index
        %get3A_318 = tpu.vector_load %arg19[%get3A_316, %get3A_317] {strides = array<i32>} : memref<8x48xf32, #tpu.memory_space<vmem>>, vector<1x16xf32>,
        %get3A_319 = vector.shape_cast %get3A_318 : vector<1x16xf32> to vector<16xf32>
        %slice3A_320 = vector.extract_strided_slice %get3A_319 {offsets = [0], sizes = [1], strides = [1]} : vector<16xf32> to vector<1xf32>
        %squeeze3A_321 = vector.extract %slice3A_320[0] : f32 from vector<1xf32>
        %add3A_322 = vector.broadcast %squeeze3A_321 : f32 to vector<16xf32>
        %add3A_323 = arith.addf %get3A_314, %add3A_322 : vector<16xf32>
        %mul3A_324 = arith.mulf %get3A_310, %add3A_323 : vector<16xf32>
        %add3A_325 = arith.addf %broadcast_in_dim3A_306, %mul3A_324 : vector<16xf32>
        %get3A_326 = arith.index_cast %scan3A_296 : i32 to index
        %get3A_327 = arith.constant 16 : index
        %get3A_328 = tpu.vector_load %arg24[%get3A_326, %get3A_327] {strides = array<i32>} : memref<32x128xf32, #tpu.memory_space<vmem>>, vector<1x16xf32>,
        %get3A_329 = vector.shape_cast %get3A_328 : vector<1x16xf32> to vector<16xf32>
        %get3A_330 = arith.index_cast %scan3A_296 : i32 to index
        %get3A_331 = arith.constant 16 : index
        %get3A_332 = tpu.vector_load %arg26[%get3A_330, %get3A_331] {strides = array<i32>} : memref<32x128xf32, #tpu.memory_space<vmem>>, vector<1x16xf32>,
        %get3A_333 = vector.shape_cast %get3A_332 : vector<1x16xf32> to vector<16xf32>
        %get3A_334 = arith.constant 1 : i32
        %get3A_335 = arith.index_cast %get3A_334 : i32 to index
        %get3A_336 = arith.index_cast %scan3A_296 : i32 to index
        %get3A_337 = tpu.vector_load %arg19[%get3A_335, %get3A_336] {strides = array<i32>} : memref<8x48xf32, #tpu.memory_space<vmem>>, vector<1x16xf32>,
        %get3A_338 = vector.shape_cast %get3A_337 : vector<1x16xf32> to vector<16xf32>
        %slice3A_339 = vector.extract_strided_slice %get3A_338 {offsets = [0], sizes = [1], strides = [1]} : vector<16xf32> to vector<1xf32>
        %squeeze3A_340 = vector.extract %slice3A_339[0] : f32 from vector<1xf32>
        %add3A_341 = vector.broadcast %squeeze3A_340 : f32 to vector<16xf32>
        %add3A_342 = arith.addf %get3A_333, %add3A_341 : vector<16xf32>
        %mul3A_343 = arith.mulf %get3A_329, %add3A_342 : vector<16xf32>
        %add3A_344 = arith.addf %add3A_325, %mul3A_343 : vector<16xf32>
        %get3A_345 = arith.index_cast %scan3A_296 : i32 to index
        %get3A_346 = arith.constant 32 : index
        %get3A_347 = tpu.vector_load %arg24[%get3A_345, %get3A_346] {strides = array<i32>} : memref<32x128xf32, #tpu.memory_space<vmem>>, vector<1x16xf32>,
        %get3A_348 = vector.shape_cast %get3A_347 : vector<1x16xf32> to vector<16xf32>
        %get3A_349 = arith.index_cast %scan3A_296 : i32 to index
        %get3A_350 = arith.constant 32 : index
        %get3A_351 = tpu.vector_load %arg26[%get3A_349, %get3A_350] {strides = array<i32>} : memref<32x128xf32, #tpu.memory_space<vmem>>, vector<1x16xf32>,
        %get3A_352 = vector.shape_cast %get3A_351 : vector<1x16xf32> to vector<16xf32>
        %get3A_353 = arith.constant 2 : i32
        %get3A_354 = arith.index_cast %get3A_353 : i32 to index
        %get3A_355 = arith.index_cast %scan3A_296 : i32 to index
        %get3A_356 = tpu.vector_load %arg19[%get3A_354, %get3A_355] {strides = array<i32>} : memref<8x48xf32, #tpu.memory_space<vmem>>, vector<1x16xf32>,
        %get3A_357 = vector.shape_cast %get3A_356 : vector<1x16xf32> to vector<16xf32>
        %slice3A_358 = vector.extract_strided_slice %get3A_357 {offsets = [0], sizes = [1], strides = [1]} : vector<16xf32> to vector<1xf32>
        %squeeze3A_359 = vector.extract %slice3A_358[0] : f32 from vector<1xf32>
        %add3A_360 = vector.broadcast %squeeze3A_359 : f32 to vector<16xf32>
        %add3A_361 = arith.addf %get3A_352, %add3A_360 : vector<16xf32>
        %mul3A_362 = arith.mulf %get3A_348, %add3A_361 : vector<16xf32>
        %add3A_363 = arith.addf %add3A_344, %mul3A_362 : vector<16xf32>
        %get3A_364 = arith.index_cast %scan3A_296 : i32 to index
        %get3A_365 = arith.constant 48 : index
        %get3A_366 = tpu.vector_load %arg24[%get3A_364, %get3A_365] {strides = array<i32>} : memref<32x128xf32, #tpu.memory_space<vmem>>, vector<1x16xf32>,
        %get3A_367 = vector.shape_cast %get3A_366 : vector<1x16xf32> to vector<16xf32>
        %get3A_368 = arith.index_cast %scan3A_296 : i32 to index
        %get3A_369 = arith.constant 48 : index
        %get3A_370 = tpu.vector_load %arg26[%get3A_368, %get3A_369] {strides = array<i32>} : memref<32x128xf32, #tpu.memory_space<vmem>>, vector<1x16xf32>,
        %get3A_371 = vector.shape_cast %get3A_370 : vector<1x16xf32> to vector<16xf32>
        %get3A_372 = arith.constant 3 : i32
        %get3A_373 = arith.index_cast %get3A_372 : i32 to index
        %get3A_374 = arith.index_cast %scan3A_296 : i32 to index
        %get3A_375 = tpu.vector_load %arg19[%get3A_373, %get3A_374] {strides = array<i32>} : memref<8x48xf32, #tpu.memory_space<vmem>>, vector<1x16xf32>,
        %get3A_376 = vector.shape_cast %get3A_375 : vector<1x16xf32> to vector<16xf32>
        %slice3A_377 = vector.extract_strided_slice %get3A_376 {offsets = [0], sizes = [1], strides = [1]} : vector<16xf32> to vector<1xf32>
        %squeeze3A_378 = vector.extract %slice3A_377[0] : f32 from vector<1xf32>
        %add3A_379 = vector.broadcast %squeeze3A_378 : f32 to vector<16xf32>
        %add3A_380 = arith.addf %get3A_371, %add3A_379 : vector<16xf32>
        %mul3A_381 = arith.mulf %get3A_367, %add3A_380 : vector<16xf32>
        %add3A_382 = arith.addf %add3A_363, %mul3A_381 : vector<16xf32>
        %get3A_383 = arith.index_cast %scan3A_296 : i32 to index
        %get3A_384 = arith.constant 64 : index
        %get3A_385 = tpu.vector_load %arg24[%get3A_383, %get3A_384] {strides = array<i32>} : memref<32x128xf32, #tpu.memory_space<vmem>>, vector<1x16xf32>,
        %get3A_386 = vector.shape_cast %get3A_385 : vector<1x16xf32> to vector<16xf32>
        %get3A_387 = arith.index_cast %scan3A_296 : i32 to index
        %get3A_388 = arith.constant 64 : index
        %get3A_389 = tpu.vector_load %arg26[%get3A_387, %get3A_388] {strides = array<i32>} : memref<32x128xf32, #tpu.memory_space<vmem>>, vector<1x16xf32>,
        %get3A_390 = vector.shape_cast %get3A_389 : vector<1x16xf32> to vector<16xf32>
        %get3A_391 = arith.constant 4 : i32
        %get3A_392 = arith.index_cast %get3A_391 : i32 to index
        %get3A_393 = arith.index_cast %scan3A_296 : i32 to index
        %get3A_394 = tpu.vector_load %arg19[%get3A_392, %get3A_393] {strides = array<i32>} : memref<8x48xf32, #tpu.memory_space<vmem>>, vector<1x16xf32>,
        %get3A_395 = vector.shape_cast %get3A_394 : vector<1x16xf32> to vector<16xf32>
        %slice3A_396 = vector.extract_strided_slice %get3A_395 {offsets = [0], sizes = [1], strides = [1]} : vector<16xf32> to vector<1xf32>
        %squeeze3A_397 = vector.extract %slice3A_396[0] : f32 from vector<1xf32>
        %add3A_398 = vector.broadcast %squeeze3A_397 : f32 to vector<16xf32>
        %add3A_399 = arith.addf %get3A_390, %add3A_398 : vector<16xf32>
        %mul3A_400 = arith.mulf %get3A_386, %add3A_399 : vector<16xf32>
        %add3A_401 = arith.addf %add3A_382, %mul3A_400 : vector<16xf32>
        %get3A_402 = arith.index_cast %scan3A_296 : i32 to index
        %get3A_403 = arith.constant 80 : index
        %get3A_404 = tpu.vector_load %arg24[%get3A_402, %get3A_403] {strides = array<i32>} : memref<32x128xf32, #tpu.memory_space<vmem>>, vector<1x16xf32>,
        %get3A_405 = vector.shape_cast %get3A_404 : vector<1x16xf32> to vector<16xf32>
        %get3A_406 = arith.index_cast %scan3A_296 : i32 to index
        %get3A_407 = arith.constant 80 : index
        %get3A_408 = tpu.vector_load %arg26[%get3A_406, %get3A_407] {strides = array<i32>} : memref<32x128xf32, #tpu.memory_space<vmem>>, vector<1x16xf32>,
        %get3A_409 = vector.shape_cast %get3A_408 : vector<1x16xf32> to vector<16xf32>
        %get3A_410 = arith.constant 5 : i32
        %get3A_411 = arith.index_cast %get3A_410 : i32 to index
        %get3A_412 = arith.index_cast %scan3A_296 : i32 to index
        %get3A_413 = tpu.vector_load %arg19[%get3A_411, %get3A_412] {strides = array<i32>} : memref<8x48xf32, #tpu.memory_space<vmem>>, vector<1x16xf32>,
        %get3A_414 = vector.shape_cast %get3A_413 : vector<1x16xf32> to vector<16xf32>
        %slice3A_415 = vector.extract_strided_slice %get3A_414 {offsets = [0], sizes = [1], strides = [1]} : vector<16xf32> to vector<1xf32>
        %squeeze3A_416 = vector.extract %slice3A_415[0] : f32 from vector<1xf32>
        %add3A_417 = vector.broadcast %squeeze3A_416 : f32 to vector<16xf32>
        %add3A_418 = arith.addf %get3A_409, %add3A_417 : vector<16xf32>
        %mul3A_419 = arith.mulf %get3A_405, %add3A_418 : vector<16xf32>
        %add3A_420 = arith.addf %add3A_401, %mul3A_419 : vector<16xf32>
        %get3A_421 = arith.index_cast %scan3A_296 : i32 to index
        %get3A_422 = arith.constant 96 : index
        %get3A_423 = tpu.vector_load %arg24[%get3A_421, %get3A_422] {strides = array<i32>} : memref<32x128xf32, #tpu.memory_space<vmem>>, vector<1x16xf32>,
        %get3A_424 = vector.shape_cast %get3A_423 : vector<1x16xf32> to vector<16xf32>
        %get3A_425 = arith.index_cast %scan3A_296 : i32 to index
        %get3A_426 = arith.constant 96 : index
        %get3A_427 = tpu.vector_load %arg26[%get3A_425, %get3A_426] {strides = array<i32>} : memref<32x128xf32, #tpu.memory_space<vmem>>, vector<1x16xf32>,
        %get3A_428 = vector.shape_cast %get3A_427 : vector<1x16xf32> to vector<16xf32>
        %get3A_429 = arith.constant 6 : i32
        %get3A_430 = arith.index_cast %get3A_429 : i32 to index
        %get3A_431 = arith.index_cast %scan3A_296 : i32 to index
        %get3A_432 = tpu.vector_load %arg19[%get3A_430, %get3A_431] {strides = array<i32>} : memref<8x48xf32, #tpu.memory_space<vmem>>, vector<1x16xf32>,
        %get3A_433 = vector.shape_cast %get3A_432 : vector<1x16xf32> to vector<16xf32>
        %slice3A_434 = vector.extract_strided_slice %get3A_433 {offsets = [0], sizes = [1], strides = [1]} : vector<16xf32> to vector<1xf32>
        %squeeze3A_435 = vector.extract %slice3A_434[0] : f32 from vector<1xf32>
        %add3A_436 = vector.broadcast %squeeze3A_435 : f32 to vector<16xf32>
        %add3A_437 = arith.addf %get3A_428, %add3A_436 : vector<16xf32>
        %mul3A_438 = arith.mulf %get3A_424, %add3A_437 : vector<16xf32>
        %add3A_439 = arith.addf %add3A_420, %mul3A_438 : vector<16xf32>
        %get3A_440 = arith.index_cast %scan3A_296 : i32 to index
        %get3A_441 = arith.constant 112 : index
        %get3A_442 = tpu.vector_load %arg24[%get3A_440, %get3A_441] {strides = array<i32>} : memref<32x128xf32, #tpu.memory_space<vmem>>, vector<1x16xf32>,
        %get3A_443 = vector.shape_cast %get3A_442 : vector<1x16xf32> to vector<16xf32>
        %get3A_444 = arith.index_cast %scan3A_296 : i32 to index
        %get3A_445 = arith.constant 112 : index
        %get3A_446 = tpu.vector_load %arg26[%get3A_444, %get3A_445] {strides = array<i32>} : memref<32x128xf32, #tpu.memory_space<vmem>>, vector<1x16xf32>,
        %get3A_447 = vector.shape_cast %get3A_446 : vector<1x16xf32> to vector<16xf32>
        %get3A_448 = arith.constant 7 : i32
        %get3A_449 = arith.index_cast %get3A_448 : i32 to index
        %get3A_450 = arith.index_cast %scan3A_296 : i32 to index
        %get3A_451 = tpu.vector_load %arg19[%get3A_449, %get3A_450] {strides = array<i32>} : memref<8x48xf32, #tpu.memory_space<vmem>>, vector<1x16xf32>,
        %get3A_452 = vector.shape_cast %get3A_451 : vector<1x16xf32> to vector<16xf32>
        %slice3A_453 = vector.extract_strided_slice %get3A_452 {offsets = [0], sizes = [1], strides = [1]} : vector<16xf32> to vector<1xf32>
        %squeeze3A_454 = vector.extract %slice3A_453[0] : f32 from vector<1xf32>
        %add3A_455 = vector.broadcast %squeeze3A_454 : f32 to vector<16xf32>
        %add3A_456 = arith.addf %get3A_447, %add3A_455 : vector<16xf32>
        %mul3A_457 = arith.mulf %get3A_443, %add3A_456 : vector<16xf32>
        %add3A_458 = arith.addf %add3A_439, %mul3A_457 : vector<16xf32>
        %mul3A_459 = vector.broadcast %squeeze3A : f32 to vector<16xf32>
        %mul3A_460 = arith.mulf %add3A_458, %mul3A_459 : vector<16xf32>
        %exp3A = math.exp %mul3A_460 : vector<16xf32>
        %broadcast_in_dim3A_461 = arith.constant 0.000000e+00 : f32
        %broadcast_in_dim3A_462 = vector.broadcast %broadcast_in_dim3A_461 : f32 to vector<16xf32>
        %eq3A_463 = arith.constant 0 : i32
        %eq3A_464 = arith.cmpi eq, %and3A_305, %eq3A_463 : i32
        %select_n3A = arith.select %eq3A_464, %exp3A, %broadcast_in_dim3A_462 : vector<16xf32>
        %swap3A_465 = arith.index_cast %scan3A_296 : i32 to index
        %swap3A_466 = arith.constant 0 : index
        %swap3A_467 = tpu.vector_load %arg29[%swap3A_465, %swap3A_466] {strides = array<i32>} : memref<32x128xf32, #tpu.memory_space<vmem>>, vector<1x16xf32>,
        %swap3A_468 = vector.shape_cast %swap3A_467 : vector<1x16xf32> to vector<16xf32>
        %swap3A_469 = vector.shape_cast %select_n3A : vector<16xf32> to vector<1x16xf32>
        tpu.vector_store %arg29[%swap3A_465, %swap3A_466], %swap3A_469 {strides = array<i32>} : memref<32x128xf32, #tpu.memory_space<vmem>>, vector<1x16xf32>,
        %get3A_470 = arith.index_cast %scan3A_296 : i32 to index
        %get3A_471 = arith.constant 0 : index
        %get3A_472 = tpu.vector_load %arg28[%get3A_470, %get3A_471] {strides = array<i32>} : memref<32x128xf32, #tpu.memory_space<vmem>>, vector<1x16xf32>,
        %get3A_473 = vector.shape_cast %get3A_472 : vector<1x16xf32> to vector<16xf32>
        %mul3A_474 = arith.mulf %exp3A, %get3A_473 : vector<16xf32>
        %swap3A_475 = arith.index_cast %scan3A_296 : i32 to index
        %swap3A_476 = arith.constant 0 : index
        %swap3A_477 = tpu.vector_load %arg30[%swap3A_475, %swap3A_476] {strides = array<i32>} : memref<32x128xf32, #tpu.memory_space<vmem>>, vector<1x16xf32>,
        %swap3A_478 = vector.shape_cast %swap3A_477 : vector<1x16xf32> to vector<16xf32>
        %swap3A_479 = vector.shape_cast %mul3A_474 : vector<16xf32> to vector<1x16xf32>
        tpu.vector_store %arg30[%swap3A_475, %swap3A_476], %swap3A_479 {strides = array<i32>} : memref<32x128xf32, #tpu.memory_space<vmem>>, vector<1x16xf32>,
        %eq3A_480 = arith.constant 1 : i32
        %eq3A_481 = arith.cmpi eq, %and3A_305, %eq3A_480 : i32
        %select_n3A_482 = arith.select %eq3A_481, %exp3A, %broadcast_in_dim3A_462 : vector<16xf32>
        %swap3A_483 = arith.index_cast %scan3A_296 : i32 to index
        %swap3A_484 = arith.constant 16 : index
        %swap3A_485 = tpu.vector_load %arg29[%swap3A_483, %swap3A_484] {strides = array<i32>} : memref<32x128xf32, #tpu.memory_space<vmem>>, vector<1x16xf32>,
        %swap3A_486 = vector.shape_cast %swap3A_485 : vector<1x16xf32> to vector<16xf32>
        %swap3A_487 = vector.shape_cast %select_n3A_482 : vector<16xf32> to vector<1x16xf32>
        tpu.vector_store %arg29[%swap3A_483, %swap3A_484], %swap3A_487 {strides = array<i32>} : memref<32x128xf32, #tpu.memory_space<vmem>>, vector<1x16xf32>,
        %get3A_488 = arith.index_cast %scan3A_296 : i32 to index
        %get3A_489 = arith.constant 16 : index
        %get3A_490 = tpu.vector_load %arg28[%get3A_488, %get3A_489] {strides = array<i32>} : memref<32x128xf32, #tpu.memory_space<vmem>>, vector<1x16xf32>,
        %get3A_491 = vector.shape_cast %get3A_490 : vector<1x16xf32> to vector<16xf32>
        %mul3A_492 = arith.mulf %exp3A, %get3A_491 : vector<16xf32>
        %swap3A_493 = arith.index_cast %scan3A_296 : i32 to index
        %swap3A_494 = arith.constant 16 : index
        %swap3A_495 = tpu.vector_load %arg30[%swap3A_493, %swap3A_494] {strides = array<i32>} : memref<32x128xf32, #tpu.memory_space<vmem>>, vector<1x16xf32>,
        %swap3A_496 = vector.shape_cast %swap3A_495 : vector<1x16xf32> to vector<16xf32>
        %swap3A_497 = vector.shape_cast %mul3A_492 : vector<16xf32> to vector<1x16xf32>
        tpu.vector_store %arg30[%swap3A_493, %swap3A_494], %swap3A_497 {strides = array<i32>} : memref<32x128xf32, #tpu.memory_space<vmem>>, vector<1x16xf32>,
        %eq3A_498 = arith.constant 2 : i32
        %eq3A_499 = arith.cmpi eq, %and3A_305, %eq3A_498 : i32
        %select_n3A_500 = arith.select %eq3A_499, %exp3A, %broadcast_in_dim3A_462 : vector<16xf32>
        %swap3A_501 = arith.index_cast %scan3A_296 : i32 to index
        %swap3A_502 = arith.constant 32 : index
        %swap3A_503 = tpu.vector_load %arg29[%swap3A_501, %swap3A_502] {strides = array<i32>} : memref<32x128xf32, #tpu.memory_space<vmem>>, vector<1x16xf32>,
        %swap3A_504 = vector.shape_cast %swap3A_503 : vector<1x16xf32> to vector<16xf32>
        %swap3A_505 = vector.shape_cast %select_n3A_500 : vector<16xf32> to vector<1x16xf32>
        tpu.vector_store %arg29[%swap3A_501, %swap3A_502], %swap3A_505 {strides = array<i32>} : memref<32x128xf32, #tpu.memory_space<vmem>>, vector<1x16xf32>,
        %get3A_506 = arith.index_cast %scan3A_296 : i32 to index
        %get3A_507 = arith.constant 32 : index
        %get3A_508 = tpu.vector_load %arg28[%get3A_506, %get3A_507] {strides = array<i32>} : memref<32x128xf32, #tpu.memory_space<vmem>>, vector<1x16xf32>,
        %get3A_509 = vector.shape_cast %get3A_508 : vector<1x16xf32> to vector<16xf32>
        %mul3A_510 = arith.mulf %exp3A, %get3A_509 : vector<16xf32>
        %swap3A_511 = arith.index_cast %scan3A_296 : i32 to index
        %swap3A_512 = arith.constant 32 : index
        %swap3A_513 = tpu.vector_load %arg30[%swap3A_511, %swap3A_512] {strides = array<i32>} : memref<32x128xf32, #tpu.memory_space<vmem>>, vector<1x16xf32>,
        %swap3A_514 = vector.shape_cast %swap3A_513 : vector<1x16xf32> to vector<16xf32>
        %swap3A_515 = vector.shape_cast %mul3A_510 : vector<16xf32> to vector<1x16xf32>
        tpu.vector_store %arg30[%swap3A_511, %swap3A_512], %swap3A_515 {strides = array<i32>} : memref<32x128xf32, #tpu.memory_space<vmem>>, vector<1x16xf32>,
        %eq3A_516 = arith.constant 3 : i32
        %eq3A_517 = arith.cmpi eq, %and3A_305, %eq3A_516 : i32
        %select_n3A_518 = arith.select %eq3A_517, %exp3A, %broadcast_in_dim3A_462 : vector<16xf32>
        %swap3A_519 = arith.index_cast %scan3A_296 : i32 to index
        %swap3A_520 = arith.constant 48 : index
        %swap3A_521 = tpu.vector_load %arg29[%swap3A_519, %swap3A_520] {strides = array<i32>} : memref<32x128xf32, #tpu.memory_space<vmem>>, vector<1x16xf32>,
        %swap3A_522 = vector.shape_cast %swap3A_521 : vector<1x16xf32> to vector<16xf32>
        %swap3A_523 = vector.shape_cast %select_n3A_518 : vector<16xf32> to vector<1x16xf32>
        tpu.vector_store %arg29[%swap3A_519, %swap3A_520], %swap3A_523 {strides = array<i32>} : memref<32x128xf32, #tpu.memory_space<vmem>>, vector<1x16xf32>,
        %get3A_524 = arith.index_cast %scan3A_296 : i32 to index
        %get3A_525 = arith.constant 48 : index
        %get3A_526 = tpu.vector_load %arg28[%get3A_524, %get3A_525] {strides = array<i32>} : memref<32x128xf32, #tpu.memory_space<vmem>>, vector<1x16xf32>,
        %get3A_527 = vector.shape_cast %get3A_526 : vector<1x16xf32> to vector<16xf32>
        %mul3A_528 = arith.mulf %exp3A, %get3A_527 : vector<16xf32>
        %swap3A_529 = arith.index_cast %scan3A_296 : i32 to index
        %swap3A_530 = arith.constant 48 : index
        %swap3A_531 = tpu.vector_load %arg30[%swap3A_529, %swap3A_530] {strides = array<i32>} : memref<32x128xf32, #tpu.memory_space<vmem>>, vector<1x16xf32>,
        %swap3A_532 = vector.shape_cast %swap3A_531 : vector<1x16xf32> to vector<16xf32>
        %swap3A_533 = vector.shape_cast %mul3A_528 : vector<16xf32> to vector<1x16xf32>
        tpu.vector_store %arg30[%swap3A_529, %swap3A_530], %swap3A_533 {strides = array<i32>} : memref<32x128xf32, #tpu.memory_space<vmem>>, vector<1x16xf32>,
        %eq3A_534 = arith.constant 4 : i32
        %eq3A_535 = arith.cmpi eq, %and3A_305, %eq3A_534 : i32
        %select_n3A_536 = arith.select %eq3A_535, %exp3A, %broadcast_in_dim3A_462 : vector<16xf32>
        %swap3A_537 = arith.index_cast %scan3A_296 : i32 to index
        %swap3A_538 = arith.constant 64 : index
        %swap3A_539 = tpu.vector_load %arg29[%swap3A_537, %swap3A_538] {strides = array<i32>} : memref<32x128xf32, #tpu.memory_space<vmem>>, vector<1x16xf32>,
        %swap3A_540 = vector.shape_cast %swap3A_539 : vector<1x16xf32> to vector<16xf32>
        %swap3A_541 = vector.shape_cast %select_n3A_536 : vector<16xf32> to vector<1x16xf32>
        tpu.vector_store %arg29[%swap3A_537, %swap3A_538], %swap3A_541 {strides = array<i32>} : memref<32x128xf32, #tpu.memory_space<vmem>>, vector<1x16xf32>,
        %get3A_542 = arith.index_cast %scan3A_296 : i32 to index
        %get3A_543 = arith.constant 64 : index
        %get3A_544 = tpu.vector_load %arg28[%get3A_542, %get3A_543] {strides = array<i32>} : memref<32x128xf32, #tpu.memory_space<vmem>>, vector<1x16xf32>,
        %get3A_545 = vector.shape_cast %get3A_544 : vector<1x16xf32> to vector<16xf32>
        %mul3A_546 = arith.mulf %exp3A, %get3A_545 : vector<16xf32>
        %swap3A_547 = arith.index_cast %scan3A_296 : i32 to index
        %swap3A_548 = arith.constant 64 : index
        %swap3A_549 = tpu.vector_load %arg30[%swap3A_547, %swap3A_548] {strides = array<i32>} : memref<32x128xf32, #tpu.memory_space<vmem>>, vector<1x16xf32>,
        %swap3A_550 = vector.shape_cast %swap3A_549 : vector<1x16xf32> to vector<16xf32>
        %swap3A_551 = vector.shape_cast %mul3A_546 : vector<16xf32> to vector<1x16xf32>
        tpu.vector_store %arg30[%swap3A_547, %swap3A_548], %swap3A_551 {strides = array<i32>} : memref<32x128xf32, #tpu.memory_space<vmem>>, vector<1x16xf32>,
        %eq3A_552 = arith.constant 5 : i32
        %eq3A_553 = arith.cmpi eq, %and3A_305, %eq3A_552 : i32
        %select_n3A_554 = arith.select %eq3A_553, %exp3A, %broadcast_in_dim3A_462 : vector<16xf32>
        %swap3A_555 = arith.index_cast %scan3A_296 : i32 to index
        %swap3A_556 = arith.constant 80 : index
        %swap3A_557 = tpu.vector_load %arg29[%swap3A_555, %swap3A_556] {strides = array<i32>} : memref<32x128xf32, #tpu.memory_space<vmem>>, vector<1x16xf32>,
        %swap3A_558 = vector.shape_cast %swap3A_557 : vector<1x16xf32> to vector<16xf32>
        %swap3A_559 = vector.shape_cast %select_n3A_554 : vector<16xf32> to vector<1x16xf32>
        tpu.vector_store %arg29[%swap3A_555, %swap3A_556], %swap3A_559 {strides = array<i32>} : memref<32x128xf32, #tpu.memory_space<vmem>>, vector<1x16xf32>,
        %get3A_560 = arith.index_cast %scan3A_296 : i32 to index
        %get3A_561 = arith.constant 80 : index
        %get3A_562 = tpu.vector_load %arg28[%get3A_560, %get3A_561] {strides = array<i32>} : memref<32x128xf32, #tpu.memory_space<vmem>>, vector<1x16xf32>,
        %get3A_563 = vector.shape_cast %get3A_562 : vector<1x16xf32> to vector<16xf32>
        %mul3A_564 = arith.mulf %exp3A, %get3A_563 : vector<16xf32>
        %swap3A_565 = arith.index_cast %scan3A_296 : i32 to index
        %swap3A_566 = arith.constant 80 : index
        %swap3A_567 = tpu.vector_load %arg30[%swap3A_565, %swap3A_566] {strides = array<i32>} : memref<32x128xf32, #tpu.memory_space<vmem>>, vector<1x16xf32>,
        %swap3A_568 = vector.shape_cast %swap3A_567 : vector<1x16xf32> to vector<16xf32>
        %swap3A_569 = vector.shape_cast %mul3A_564 : vector<16xf32> to vector<1x16xf32>
        tpu.vector_store %arg30[%swap3A_565, %swap3A_566], %swap3A_569 {strides = array<i32>} : memref<32x128xf32, #tpu.memory_space<vmem>>, vector<1x16xf32>,
        %eq3A_570 = arith.constant 6 : i32
        %eq3A_571 = arith.cmpi eq, %and3A_305, %eq3A_570 : i32
        %select_n3A_572 = arith.select %eq3A_571, %exp3A, %broadcast_in_dim3A_462 : vector<16xf32>
        %swap3A_573 = arith.index_cast %scan3A_296 : i32 to index
        %swap3A_574 = arith.constant 96 : index
        %swap3A_575 = tpu.vector_load %arg29[%swap3A_573, %swap3A_574] {strides = array<i32>} : memref<32x128xf32, #tpu.memory_space<vmem>>, vector<1x16xf32>,
        %swap3A_576 = vector.shape_cast %swap3A_575 : vector<1x16xf32> to vector<16xf32>
        %swap3A_577 = vector.shape_cast %select_n3A_572 : vector<16xf32> to vector<1x16xf32>
        tpu.vector_store %arg29[%swap3A_573, %swap3A_574], %swap3A_577 {strides = array<i32>} : memref<32x128xf32, #tpu.memory_space<vmem>>, vector<1x16xf32>,
        %get3A_578 = arith.index_cast %scan3A_296 : i32 to index
        %get3A_579 = arith.constant 96 : index
        %get3A_580 = tpu.vector_load %arg28[%get3A_578, %get3A_579] {strides = array<i32>} : memref<32x128xf32, #tpu.memory_space<vmem>>, vector<1x16xf32>,
        %get3A_581 = vector.shape_cast %get3A_580 : vector<1x16xf32> to vector<16xf32>
        %mul3A_582 = arith.mulf %exp3A, %get3A_581 : vector<16xf32>
        %swap3A_583 = arith.index_cast %scan3A_296 : i32 to index
        %swap3A_584 = arith.constant 96 : index
        %swap3A_585 = tpu.vector_load %arg30[%swap3A_583, %swap3A_584] {strides = array<i32>} : memref<32x128xf32, #tpu.memory_space<vmem>>, vector<1x16xf32>,
        %swap3A_586 = vector.shape_cast %swap3A_585 : vector<1x16xf32> to vector<16xf32>
        %swap3A_587 = vector.shape_cast %mul3A_582 : vector<16xf32> to vector<1x16xf32>
        tpu.vector_store %arg30[%swap3A_583, %swap3A_584], %swap3A_587 {strides = array<i32>} : memref<32x128xf32, #tpu.memory_space<vmem>>, vector<1x16xf32>,
        %eq3A_588 = arith.constant 7 : i32
        %eq3A_589 = arith.cmpi eq, %and3A_305, %eq3A_588 : i32
        %select_n3A_590 = arith.select %eq3A_589, %exp3A, %broadcast_in_dim3A_462 : vector<16xf32>
        %swap3A_591 = arith.index_cast %scan3A_296 : i32 to index
        %swap3A_592 = arith.constant 112 : index
        %swap3A_593 = tpu.vector_load %arg29[%swap3A_591, %swap3A_592] {strides = array<i32>} : memref<32x128xf32, #tpu.memory_space<vmem>>, vector<1x16xf32>,
        %swap3A_594 = vector.shape_cast %swap3A_593 : vector<1x16xf32> to vector<16xf32>
        %swap3A_595 = vector.shape_cast %select_n3A_590 : vector<16xf32> to vector<1x16xf32>
        tpu.vector_store %arg29[%swap3A_591, %swap3A_592], %swap3A_595 {strides = array<i32>} : memref<32x128xf32, #tpu.memory_space<vmem>>, vector<1x16xf32>,
        %get3A_596 = arith.index_cast %scan3A_296 : i32 to index
        %get3A_597 = arith.constant 112 : index
        %get3A_598 = tpu.vector_load %arg28[%get3A_596, %get3A_597] {strides = array<i32>} : memref<32x128xf32, #tpu.memory_space<vmem>>, vector<1x16xf32>,
        %get3A_599 = vector.shape_cast %get3A_598 : vector<1x16xf32> to vector<16xf32>
        %mul3A_600 = arith.mulf %exp3A, %get3A_599 : vector<16xf32>
        %swap3A_601 = arith.index_cast %scan3A_296 : i32 to index
        %swap3A_602 = arith.constant 112 : index
        %swap3A_603 = tpu.vector_load %arg30[%swap3A_601, %swap3A_602] {strides = array<i32>} : memref<32x128xf32, #tpu.memory_space<vmem>>, vector<1x16xf32>,
        %swap3A_604 = vector.shape_cast %swap3A_603 : vector<1x16xf32> to vector<16xf32>
        %swap3A_605 = vector.shape_cast %mul3A_600 : vector<16xf32> to vector<1x16xf32>
        tpu.vector_store %arg30[%swap3A_601, %swap3A_602], %swap3A_605 {strides = array<i32>} : memref<32x128xf32, #tpu.memory_space<vmem>>, vector<1x16xf32>,
      }
      %scan3A_284 = arith.constant 32 : i32
      %lt3A_285 = arith.constant 155 : i32
      %lt3A_286 = arith.cmpi slt, %scan3A_79, %lt3A_285 : i32
      %convert_element_type3A_287 = arith.extui %lt3A_286 : i1 to i32
      %cond3A_288 = arith.constant 0 : i32
      %cond3A_289 = arith.cmpi ne, %convert_element_type3A_287, %cond3A_288 : i32
      scf.if %cond3A_289 {
        %mul3A_296 = arith.constant 32 : i32
        %mul3A_297 = arith.muli %add3A_215, %mul3A_296 : i32
        %dma_wait3A_298 = tpu.memref_slice %arg5[%mul3A_297] : memref<320000xi32, #tpu.memory_space<hbm>> -> memref<32xi32, #tpu.memory_space<hbm>>
        %dma_wait3A_299 = tpu.memref_slice %arg5[%mul3A_297] : memref<320000xi32, #tpu.memory_space<hbm>> -> memref<32xi32, #tpu.memory_space<hbm>>
        tpu.wait_dma2 semaphore(%arg33 : memref<!tpu.dma_semaphore, #tpu.memory_space<semaphore_mem>>) src(%dma_wait3A_299 : memref<32xi32, #tpu.memory_space<hbm>>) dst(%arg12 : memref<32xi32, #tpu.memory_space<vmem>>)
        %dma_wait3A_300 = tpu.memref_slice %arg6[%mul3A_297] : memref<320000xi32, #tpu.memory_space<hbm>> -> memref<32xi32, #tpu.memory_space<hbm>>
        %dma_wait3A_301 = tpu.memref_slice %arg6[%mul3A_297] : memref<320000xi32, #tpu.memory_space<hbm>> -> memref<32xi32, #tpu.memory_space<hbm>>
        tpu.wait_dma2 semaphore(%arg33 : memref<!tpu.dma_semaphore, #tpu.memory_space<semaphore_mem>>) src(%dma_wait3A_301 : memref<32xi32, #tpu.memory_space<hbm>>) dst(%arg14 : memref<32xi32, #tpu.memory_space<vmem>>)
        %dma_wait3A_302 = arith.constant 0 : i32
        %dma_wait3A_303 = tpu.memref_slice %arg16[%dma_wait3A_302] : memref<48xf32, #tpu.memory_space<vmem>> -> memref<32xf32, #tpu.memory_space<vmem>>
        %dma_wait3A_304 = tpu.memref_slice %arg7[%mul3A_297] : memref<320000xf32, #tpu.memory_space<hbm>> -> memref<32xf32, #tpu.memory_space<hbm>>
        %dma_wait3A_305 = arith.constant 0 : i32
        %dma_wait3A_306 = tpu.memref_slice %arg16[%dma_wait3A_305] : memref<48xf32, #tpu.memory_space<vmem>> -> memref<32xf32, #tpu.memory_space<vmem>>
        %dma_wait3A_307 = tpu.memref_slice %arg7[%mul3A_297] : memref<320000xf32, #tpu.memory_space<hbm>> -> memref<32xf32, #tpu.memory_space<hbm>>
        tpu.wait_dma2 semaphore(%arg33 : memref<!tpu.dma_semaphore, #tpu.memory_space<semaphore_mem>>) src(%dma_wait3A_307 : memref<32xf32, #tpu.memory_space<hbm>>) dst(%dma_wait3A_306 : memref<32xf32, #tpu.memory_space<vmem>>)
        %dma_wait3A_308 = arith.constant 0 : i32
        %dma_wait3A_309 = arith.constant 0 : i32
        %dma_wait3A_310 = tpu.memref_slice %arg18[%dma_wait3A_308, %dma_wait3A_309] : memref<8x48xf32, #tpu.memory_space<vmem>> -> memref<8x32xf32, #tpu.memory_space<vmem>>
        %dma_wait3A_311 = arith.constant 0 : i32
        %dma_wait3A_312 = tpu.memref_slice %arg8[%dma_wait3A_311, %mul3A_297] : memref<8x320000xf32, #tpu.memory_space<hbm>> -> memref<8x32xf32, #tpu.memory_space<hbm>>
        %dma_wait3A_313 = arith.constant 0 : i32
        %dma_wait3A_314 = arith.constant 0 : i32
        %dma_wait3A_315 = tpu.memref_slice %arg18[%dma_wait3A_313, %dma_wait3A_314] : memref<8x48xf32, #tpu.memory_space<vmem>> -> memref<8x32xf32, #tpu.memory_space<vmem>>
        %dma_wait3A_316 = arith.constant 0 : i32
        %dma_wait3A_317 = tpu.memref_slice %arg8[%dma_wait3A_316, %mul3A_297] : memref<8x320000xf32, #tpu.memory_space<hbm>> -> memref<8x32xf32, #tpu.memory_space<hbm>>
        tpu.wait_dma2 semaphore(%arg33 : memref<!tpu.dma_semaphore, #tpu.memory_space<semaphore_mem>>) src(%dma_wait3A_317 : memref<8x32xf32, #tpu.memory_space<hbm>>) dst(%dma_wait3A_315 : memref<8x32xf32, #tpu.memory_space<vmem>>)
        %dma_start3A_318 = arith.constant 0 : i32
        %dma_start3A_319 = arith.constant 0 : i32
        %dma_start3A_320 = tpu.memref_slice %arg2[%dma_start3A_318, %dma_start3A_319] : memref<10000x128xf32, #tpu.memory_space<hbm>> -> memref<10000x128xf32, #tpu.memory_space<hbm>>
        tpu.enqueue_indirect_dma source(%dma_start3A_320 : memref<10000x128xf32, #tpu.memory_space<hbm>>) target(%arg23 : memref<32x128xf32, #tpu.memory_space<vmem>>) offsets(%arg14 : memref<32xi32, #tpu.memory_space<vmem>>) semaphore(%arg35 : memref<!tpu.dma_semaphore, #tpu.memory_space<semaphore_mem>>)
        %dma_start3A_321 = arith.constant 0 : i32
        %dma_start3A_322 = arith.constant 0 : i32
        %dma_start3A_323 = tpu.memref_slice %arg3[%dma_start3A_321, %dma_start3A_322] : memref<10000x128xf32, #tpu.memory_space<hbm>> -> memref<10000x128xf32, #tpu.memory_space<hbm>>
        tpu.enqueue_indirect_dma source(%dma_start3A_323 : memref<10000x128xf32, #tpu.memory_space<hbm>>) target(%arg25 : memref<32x128xf32, #tpu.memory_space<vmem>>) offsets(%arg12 : memref<32xi32, #tpu.memory_space<vmem>>) semaphore(%arg37 : memref<!tpu.dma_semaphore, #tpu.memory_space<semaphore_mem>>)
        %dma_start3A_324 = arith.constant 0 : i32
        %dma_start3A_325 = arith.constant 0 : i32
        %dma_start3A_326 = tpu.memref_slice %arg4[%dma_start3A_324, %dma_start3A_325] : memref<10000x128xf32, #tpu.memory_space<hbm>> -> memref<10000x128xf32, #tpu.memory_space<hbm>>
        tpu.enqueue_indirect_dma source(%dma_start3A_326 : memref<10000x128xf32, #tpu.memory_space<hbm>>) target(%arg27 : memref<32x128xf32, #tpu.memory_space<vmem>>) offsets(%arg12 : memref<32xi32, #tpu.memory_space<vmem>>) semaphore(%arg39 : memref<!tpu.dma_semaphore, #tpu.memory_space<semaphore_mem>>)
      } else {
      }
      %dma_start3A_290 = arith.constant 0 : i32
      %dma_start3A_291 = arith.constant 0 : i32
      %dma_start3A_292 = tpu.memref_slice %arg31[%dma_start3A_290, %dma_start3A_291] : memref<1280x128xf32, #tpu.memory_space<vmem_shared>> -> memref<1280x128xf32, #tpu.memory_space<vmem_shared>>
      tpu.enqueue_indirect_dma source(%arg29 : memref<32x128xf32, #tpu.memory_space<vmem>>) target(%dma_start3A_292 : memref<1280x128xf32, #tpu.memory_space<vmem_shared>>) offsets(%arg21 : memref<32xi32, #tpu.memory_space<vmem>>) semaphore(%arg41 : memref<!tpu.dma_semaphore, #tpu.memory_space<semaphore_mem>>) {add = true}
      %dma_start3A_293 = arith.constant 0 : i32
      %dma_start3A_294 = arith.constant 0 : i32
      %dma_start3A_295 = tpu.memref_slice %arg32[%dma_start3A_293, %dma_start3A_294] : memref<10000x128xf32, #tpu.memory_space<vmem_shared>> -> memref<10000x128xf32, #tpu.memory_space<vmem_shared>>
      tpu.enqueue_indirect_dma source(%arg30 : memref<32x128xf32, #tpu.memory_space<vmem>>) target(%dma_start3A_295 : memref<10000x128xf32, #tpu.memory_space<vmem_shared>>) offsets(%arg20 : memref<32xi32, #tpu.memory_space<vmem>>) semaphore(%arg42 : memref<!tpu.dma_semaphore, #tpu.memory_space<semaphore_mem>>) {add = true}
    }
    %scan3A_62 = arith.constant 156 : i32
    %dma_wait3A_63 = arith.constant 0 : i32
    %dma_wait3A_64 = arith.constant 0 : i32
    %dma_wait3A_65 = tpu.memref_slice %arg31[%dma_wait3A_63, %dma_wait3A_64] : memref<1280x128xf32, #tpu.memory_space<vmem_shared>> -> memref<1280x128xf32, #tpu.memory_space<vmem_shared>>
    tpu.wait_indirect_dma semaphore(%arg41 : memref<!tpu.dma_semaphore, #tpu.memory_space<semaphore_mem>>) src(%arg29 : memref<32x128xf32, #tpu.memory_space<vmem>>) dst(%dma_wait3A_65 : memref<1280x128xf32, #tpu.memory_space<vmem_shared>>)
    %dma_wait3A_66 = arith.constant 0 : i32
    %dma_wait3A_67 = arith.constant 0 : i32
    %dma_wait3A_68 = tpu.memref_slice %arg32[%dma_wait3A_66, %dma_wait3A_67] : memref<10000x128xf32, #tpu.memory_space<vmem_shared>> -> memref<10000x128xf32, #tpu.memory_space<vmem_shared>>
    tpu.wait_indirect_dma semaphore(%arg42 : memref<!tpu.dma_semaphore, #tpu.memory_space<semaphore_mem>>) src(%arg30 : memref<32x128xf32, #tpu.memory_space<vmem>>) dst(%dma_wait3A_68 : memref<10000x128xf32, #tpu.memory_space<vmem_shared>>)
    %lt3A = arith.constant 16 : i32
    %lt3A_69 = arith.cmpi slt, %add3A, %lt3A : i32
    %convert_element_type3A_70 = arith.extui %lt3A_69 : i1 to i32
    %cond3A_71 = arith.constant 0 : i32
    %cond3A_72 = arith.cmpi ne, %convert_element_type3A_70, %cond3A_71 : i32
    scf.if %cond3A_72 {
      %add3A_79 = arith.constant 9984 : i32
      %add3A_80 = arith.addi %add3A_79, %add3A : i32
      %mul3A_81 = arith.constant 32 : i32
      %mul3A_82 = arith.muli %add3A_80, %mul3A_81 : i32
      %dma_start3A_83 = tpu.memref_slice %arg5[%mul3A_82] : memref<320000xi32, #tpu.memory_space<hbm>> -> memref<32xi32, #tpu.memory_space<hbm>>
      %dma_start3A_84 = tpu.memref_slice %arg5[%mul3A_82] : memref<320000xi32, #tpu.memory_space<hbm>> -> memref<32xi32, #tpu.memory_space<hbm>>
      tpu.enqueue_dma source(%dma_start3A_84 : memref<32xi32, #tpu.memory_space<hbm>>) target(%arg12 : memref<32xi32, #tpu.memory_space<vmem>>) target_semaphore(%arg33 : memref<!tpu.dma_semaphore, #tpu.memory_space<semaphore_mem>>)
      %dma_start3A_85 = tpu.memref_slice %arg6[%mul3A_82] : memref<320000xi32, #tpu.memory_space<hbm>> -> memref<32xi32, #tpu.memory_space<hbm>>
      %dma_start3A_86 = tpu.memref_slice %arg6[%mul3A_82] : memref<320000xi32, #tpu.memory_space<hbm>> -> memref<32xi32, #tpu.memory_space<hbm>>
      tpu.enqueue_dma source(%dma_start3A_86 : memref<32xi32, #tpu.memory_space<hbm>>) target(%arg14 : memref<32xi32, #tpu.memory_space<vmem>>) target_semaphore(%arg33 : memref<!tpu.dma_semaphore, #tpu.memory_space<semaphore_mem>>)
      %dma_start3A_87 = arith.constant 0 : i32
      %dma_start3A_88 = tpu.memref_slice %arg16[%dma_start3A_87] : memref<48xf32, #tpu.memory_space<vmem>> -> memref<32xf32, #tpu.memory_space<vmem>>
      %dma_start3A_89 = tpu.memref_slice %arg7[%mul3A_82] : memref<320000xf32, #tpu.memory_space<hbm>> -> memref<32xf32, #tpu.memory_space<hbm>>
      %dma_start3A_90 = arith.constant 0 : i32
      %dma_start3A_91 = tpu.memref_slice %arg16[%dma_start3A_90] : memref<48xf32, #tpu.memory_space<vmem>> -> memref<32xf32, #tpu.memory_space<vmem>>
      %dma_start3A_92 = tpu.memref_slice %arg7[%mul3A_82] : memref<320000xf32, #tpu.memory_space<hbm>> -> memref<32xf32, #tpu.memory_space<hbm>>
      tpu.enqueue_dma source(%dma_start3A_92 : memref<32xf32, #tpu.memory_space<hbm>>) target(%dma_start3A_91 : memref<32xf32, #tpu.memory_space<vmem>>) target_semaphore(%arg33 : memref<!tpu.dma_semaphore, #tpu.memory_space<semaphore_mem>>)
      %dma_start3A_93 = arith.constant 0 : i32
      %dma_start3A_94 = arith.constant 0 : i32
      %dma_start3A_95 = tpu.memref_slice %arg18[%dma_start3A_93, %dma_start3A_94] : memref<8x48xf32, #tpu.memory_space<vmem>> -> memref<8x32xf32, #tpu.memory_space<vmem>>
      %dma_start3A_96 = arith.constant 0 : i32
      %dma_start3A_97 = tpu.memref_slice %arg8[%dma_start3A_96, %mul3A_82] : memref<8x320000xf32, #tpu.memory_space<hbm>> -> memref<8x32xf32, #tpu.memory_space<hbm>>
      %dma_start3A_98 = arith.constant 0 : i32
      %dma_start3A_99 = arith.constant 0 : i32
      %dma_start3A_100 = tpu.memref_slice %arg18[%dma_start3A_98, %dma_start3A_99] : memref<8x48xf32, #tpu.memory_space<vmem>> -> memref<8x32xf32, #tpu.memory_space<vmem>>
      %dma_start3A_101 = arith.constant 0 : i32
      %dma_start3A_102 = tpu.memref_slice %arg8[%dma_start3A_101, %mul3A_82] : memref<8x320000xf32, #tpu.memory_space<hbm>> -> memref<8x32xf32, #tpu.memory_space<hbm>>
      tpu.enqueue_dma source(%dma_start3A_102 : memref<8x32xf32, #tpu.memory_space<hbm>>) target(%dma_start3A_100 : memref<8x32xf32, #tpu.memory_space<vmem>>) target_semaphore(%arg33 : memref<!tpu.dma_semaphore, #tpu.memory_space<semaphore_mem>>)
      %mul3A_103 = arith.constant 32 : i32
      %mul3A_104 = arith.muli %add3A_80, %mul3A_103 : i32
      %dma_wait3A_105 = tpu.memref_slice %arg5[%mul3A_104] : memref<320000xi32, #tpu.memory_space<hbm>> -> memref<32xi32, #tpu.memory_space<hbm>>
      %dma_wait3A_106 = tpu.memref_slice %arg5[%mul3A_104] : memref<320000xi32, #tpu.memory_space<hbm>> -> memref<32xi32, #tpu.memory_space<hbm>>
      tpu.wait_dma2 semaphore(%arg33 : memref<!tpu.dma_semaphore, #tpu.memory_space<semaphore_mem>>) src(%dma_wait3A_106 : memref<32xi32, #tpu.memory_space<hbm>>) dst(%arg12 : memref<32xi32, #tpu.memory_space<vmem>>)
      %dma_wait3A_107 = tpu.memref_slice %arg6[%mul3A_104] : memref<320000xi32, #tpu.memory_space<hbm>> -> memref<32xi32, #tpu.memory_space<hbm>>
      %dma_wait3A_108 = tpu.memref_slice %arg6[%mul3A_104] : memref<320000xi32, #tpu.memory_space<hbm>> -> memref<32xi32, #tpu.memory_space<hbm>>
      tpu.wait_dma2 semaphore(%arg33 : memref<!tpu.dma_semaphore, #tpu.memory_space<semaphore_mem>>) src(%dma_wait3A_108 : memref<32xi32, #tpu.memory_space<hbm>>) dst(%arg14 : memref<32xi32, #tpu.memory_space<vmem>>)
      %dma_wait3A_109 = arith.constant 0 : i32
      %dma_wait3A_110 = tpu.memref_slice %arg16[%dma_wait3A_109] : memref<48xf32, #tpu.memory_space<vmem>> -> memref<32xf32, #tpu.memory_space<vmem>>
      %dma_wait3A_111 = tpu.memref_slice %arg7[%mul3A_104] : memref<320000xf32, #tpu.memory_space<hbm>> -> memref<32xf32, #tpu.memory_space<hbm>>
      %dma_wait3A_112 = arith.constant 0 : i32
      %dma_wait3A_113 = tpu.memref_slice %arg16[%dma_wait3A_112] : memref<48xf32, #tpu.memory_space<vmem>> -> memref<32xf32, #tpu.memory_space<vmem>>
      %dma_wait3A_114 = tpu.memref_slice %arg7[%mul3A_104] : memref<320000xf32, #tpu.memory_space<hbm>> -> memref<32xf32, #tpu.memory_space<hbm>>
      tpu.wait_dma2 semaphore(%arg33 : memref<!tpu.dma_semaphore, #tpu.memory_space<semaphore_mem>>) src(%dma_wait3A_114 : memref<32xf32, #tpu.memory_space<hbm>>) dst(%dma_wait3A_113 : memref<32xf32, #tpu.memory_space<vmem>>)
      %dma_wait3A_115 = arith.constant 0 : i32
      %dma_wait3A_116 = arith.constant 0 : i32
      %dma_wait3A_117 = tpu.memref_slice %arg18[%dma_wait3A_115, %dma_wait3A_116] : memref<8x48xf32, #tpu.memory_space<vmem>> -> memref<8x32xf32, #tpu.memory_space<vmem>>
      %dma_wait3A_118 = arith.constant 0 : i32
      %dma_wait3A_119 = tpu.memref_slice %arg8[%dma_wait3A_118, %mul3A_104] : memref<8x320000xf32, #tpu.memory_space<hbm>> -> memref<8x32xf32, #tpu.memory_space<hbm>>
      %dma_wait3A_120 = arith.constant 0 : i32
      %dma_wait3A_121 = arith.constant 0 : i32
      %dma_wait3A_122 = tpu.memref_slice %arg18[%dma_wait3A_120, %dma_wait3A_121] : memref<8x48xf32, #tpu.memory_space<vmem>> -> memref<8x32xf32, #tpu.memory_space<vmem>>
      %dma_wait3A_123 = arith.constant 0 : i32
      %dma_wait3A_124 = tpu.memref_slice %arg8[%dma_wait3A_123, %mul3A_104] : memref<8x320000xf32, #tpu.memory_space<hbm>> -> memref<8x32xf32, #tpu.memory_space<hbm>>
      tpu.wait_dma2 semaphore(%arg33 : memref<!tpu.dma_semaphore, #tpu.memory_space<semaphore_mem>>) src(%dma_wait3A_124 : memref<8x32xf32, #tpu.memory_space<hbm>>) dst(%dma_wait3A_122 : memref<8x32xf32, #tpu.memory_space<vmem>>)
      %dma_start3A_125 = arith.constant 0 : i32
      %dma_start3A_126 = arith.constant 0 : i32
      %dma_start3A_127 = tpu.memref_slice %arg2[%dma_start3A_125, %dma_start3A_126] : memref<10000x128xf32, #tpu.memory_space<hbm>> -> memref<10000x128xf32, #tpu.memory_space<hbm>>
      tpu.enqueue_indirect_dma source(%dma_start3A_127 : memref<10000x128xf32, #tpu.memory_space<hbm>>) target(%arg23 : memref<32x128xf32, #tpu.memory_space<vmem>>) offsets(%arg14 : memref<32xi32, #tpu.memory_space<vmem>>) semaphore(%arg35 : memref<!tpu.dma_semaphore, #tpu.memory_space<semaphore_mem>>)
      %dma_start3A_128 = arith.constant 0 : i32
      %dma_start3A_129 = arith.constant 0 : i32
      %dma_start3A_130 = tpu.memref_slice %arg3[%dma_start3A_128, %dma_start3A_129] : memref<10000x128xf32, #tpu.memory_space<hbm>> -> memref<10000x128xf32, #tpu.memory_space<hbm>>
      tpu.enqueue_indirect_dma source(%dma_start3A_130 : memref<10000x128xf32, #tpu.memory_space<hbm>>) target(%arg25 : memref<32x128xf32, #tpu.memory_space<vmem>>) offsets(%arg12 : memref<32xi32, #tpu.memory_space<vmem>>) semaphore(%arg37 : memref<!tpu.dma_semaphore, #tpu.memory_space<semaphore_mem>>)
      %dma_start3A_131 = arith.constant 0 : i32
      %dma_start3A_132 = arith.constant 0 : i32
      %dma_start3A_133 = tpu.memref_slice %arg4[%dma_start3A_131, %dma_start3A_132] : memref<10000x128xf32, #tpu.memory_space<hbm>> -> memref<10000x128xf32, #tpu.memory_space<hbm>>
      tpu.enqueue_indirect_dma source(%dma_start3A_133 : memref<10000x128xf32, #tpu.memory_space<hbm>>) target(%arg27 : memref<32x128xf32, #tpu.memory_space<vmem>>) offsets(%arg12 : memref<32xi32, #tpu.memory_space<vmem>>) semaphore(%arg39 : memref<!tpu.dma_semaphore, #tpu.memory_space<semaphore_mem>>)
      %dma_wait3A_134 = arith.constant 0 : i32
      %dma_wait3A_135 = arith.constant 0 : i32
      %dma_wait3A_136 = tpu.memref_slice %arg2[%dma_wait3A_134, %dma_wait3A_135] : memref<10000x128xf32, #tpu.memory_space<hbm>> -> memref<10000x128xf32, #tpu.memory_space<hbm>>
      tpu.wait_indirect_dma semaphore(%arg35 : memref<!tpu.dma_semaphore, #tpu.memory_space<semaphore_mem>>) src(%dma_wait3A_136 : memref<10000x128xf32, #tpu.memory_space<hbm>>) dst(%arg23 : memref<32x128xf32, #tpu.memory_space<vmem>>)
      %dma_wait3A_137 = arith.constant 0 : i32
      %dma_wait3A_138 = arith.constant 0 : i32
      %dma_wait3A_139 = tpu.memref_slice %arg3[%dma_wait3A_137, %dma_wait3A_138] : memref<10000x128xf32, #tpu.memory_space<hbm>> -> memref<10000x128xf32, #tpu.memory_space<hbm>>
      tpu.wait_indirect_dma semaphore(%arg37 : memref<!tpu.dma_semaphore, #tpu.memory_space<semaphore_mem>>) src(%dma_wait3A_139 : memref<10000x128xf32, #tpu.memory_space<hbm>>) dst(%arg25 : memref<32x128xf32, #tpu.memory_space<vmem>>)
      %dma_wait3A_140 = arith.constant 0 : i32
      %dma_wait3A_141 = arith.constant 0 : i32
      %dma_wait3A_142 = tpu.memref_slice %arg4[%dma_wait3A_140, %dma_wait3A_141] : memref<10000x128xf32, #tpu.memory_space<hbm>> -> memref<10000x128xf32, #tpu.memory_space<hbm>>
      tpu.wait_indirect_dma semaphore(%arg39 : memref<!tpu.dma_semaphore, #tpu.memory_space<semaphore_mem>>) src(%dma_wait3A_142 : memref<10000x128xf32, #tpu.memory_space<hbm>>) dst(%arg27 : memref<32x128xf32, #tpu.memory_space<vmem>>)
      %get3A = arith.constant 0 : index
      %get3A_143 = tpu.vector_load %arg14[%get3A] {strides = array<i32>} : memref<32xi32, #tpu.memory_space<vmem>>, vector<16xi32>,
      %get3A_144 = vector.shape_cast %get3A_143 : vector<16xi32> to vector<16xi32>
      %swap3A = arith.constant 0 : index
      %swap3A_145 = tpu.vector_load %arg20[%swap3A] {strides = array<i32>} : memref<32xi32, #tpu.memory_space<vmem>>, vector<16xi32>,
      %swap3A_146 = vector.shape_cast %swap3A_145 : vector<16xi32> to vector<16xi32>
      %swap3A_147 = vector.shape_cast %get3A_144 : vector<16xi32> to vector<16xi32>
      tpu.vector_store %arg20[%swap3A], %swap3A_147 {strides = array<i32>} : memref<32xi32, #tpu.memory_space<vmem>>, vector<16xi32>,
      %shift_right_logical3A = arith.constant 3 : i32
      %shift_right_logical3A_148 = vector.broadcast %shift_right_logical3A : i32 to vector<16xi32>
      %shift_right_logical3A_149 = arith.shrui %get3A_144, %shift_right_logical3A_148 : vector<16xi32>
      %swap3A_150 = arith.constant 0 : index
      %swap3A_151 = tpu.vector_load %arg21[%swap3A_150] {strides = array<i32>} : memref<32xi32, #tpu.memory_space<vmem>>, vector<16xi32>,
      %swap3A_152 = vector.shape_cast %swap3A_151 : vector<16xi32> to vector<16xi32>
      %swap3A_153 = vector.shape_cast %shift_right_logical3A_149 : vector<16xi32> to vector<16xi32>
      tpu.vector_store %arg21[%swap3A_150], %swap3A_153 {strides = array<i32>} : memref<32xi32, #tpu.memory_space<vmem>>, vector<16xi32>,
      %swap3A_154 = arith.constant 0 : index
      %swap3A_155 = tpu.vector_load %arg22[%swap3A_154] {strides = array<i32>} : memref<48xi32, #tpu.memory_space<vmem>>, vector<16xi32>,
      %swap3A_156 = vector.shape_cast %swap3A_155 : vector<16xi32> to vector<16xi32>
      %swap3A_157 = vector.shape_cast %get3A_144 : vector<16xi32> to vector<16xi32>
      tpu.vector_store %arg22[%swap3A_154], %swap3A_157 {strides = array<i32>} : memref<48xi32, #tpu.memory_space<vmem>>, vector<16xi32>,
      %get3A_158 = arith.constant 16 : index
      %get3A_159 = tpu.vector_load %arg14[%get3A_158] {strides = array<i32>} : memref<32xi32, #tpu.memory_space<vmem>>, vector<16xi32>,
      %get3A_160 = vector.shape_cast %get3A_159 : vector<16xi32> to vector<16xi32>
      %swap3A_161 = arith.constant 16 : index
      %swap3A_162 = tpu.vector_load %arg20[%swap3A_161] {strides = array<i32>} : memref<32xi32, #tpu.memory_space<vmem>>, vector<16xi32>,
      %swap3A_163 = vector.shape_cast %swap3A_162 : vector<16xi32> to vector<16xi32>
      %swap3A_164 = vector.shape_cast %get3A_160 : vector<16xi32> to vector<16xi32>
      tpu.vector_store %arg20[%swap3A_161], %swap3A_164 {strides = array<i32>} : memref<32xi32, #tpu.memory_space<vmem>>, vector<16xi32>,
      %shift_right_logical3A_165 = arith.constant 3 : i32
      %shift_right_logical3A_166 = vector.broadcast %shift_right_logical3A_165 : i32 to vector<16xi32>
      %shift_right_logical3A_167 = arith.shrui %get3A_160, %shift_right_logical3A_166 : vector<16xi32>
      %swap3A_168 = arith.constant 16 : index
      %swap3A_169 = tpu.vector_load %arg21[%swap3A_168] {strides = array<i32>} : memref<32xi32, #tpu.memory_space<vmem>>, vector<16xi32>,
      %swap3A_170 = vector.shape_cast %swap3A_169 : vector<16xi32> to vector<16xi32>
      %swap3A_171 = vector.shape_cast %shift_right_logical3A_167 : vector<16xi32> to vector<16xi32>
      tpu.vector_store %arg21[%swap3A_168], %swap3A_171 {strides = array<i32>} : memref<32xi32, #tpu.memory_space<vmem>>, vector<16xi32>,
      %swap3A_172 = arith.constant 16 : index
      %swap3A_173 = tpu.vector_load %arg22[%swap3A_172] {strides = array<i32>} : memref<48xi32, #tpu.memory_space<vmem>>, vector<16xi32>,
      %swap3A_174 = vector.shape_cast %swap3A_173 : vector<16xi32> to vector<16xi32>
      %swap3A_175 = vector.shape_cast %get3A_160 : vector<16xi32> to vector<16xi32>
      tpu.vector_store %arg22[%swap3A_172], %swap3A_175 {strides = array<i32>} : memref<48xi32, #tpu.memory_space<vmem>>, vector<16xi32>,
      %get3A_176 = arith.constant 16 : index
      %get3A_177 = tpu.vector_load %arg14[%get3A_176] {strides = array<i32>} : memref<32xi32, #tpu.memory_space<vmem>>, vector<16xi32>,
      %get3A_178 = vector.shape_cast %get3A_177 : vector<16xi32> to vector<16xi32>
      %swap3A_179 = arith.constant 32 : index
      %swap3A_180 = tpu.vector_load %arg22[%swap3A_179] {strides = array<i32>} : memref<48xi32, #tpu.memory_space<vmem>>, vector<16xi32>,
      %swap3A_181 = vector.shape_cast %swap3A_180 : vector<16xi32> to vector<16xi32>
      %swap3A_182 = vector.shape_cast %get3A_178 : vector<16xi32> to vector<16xi32>
      tpu.vector_store %arg22[%swap3A_179], %swap3A_182 {strides = array<i32>} : memref<48xi32, #tpu.memory_space<vmem>>, vector<16xi32>,
      %scan3A_183 = arith.constant 0 : i32
      %scan3A_184 = arith.constant 0 : i32
      %scan3A_185 = arith.constant 32 : i32
      %scan3A_186 = arith.addi %scan3A_184, %scan3A_185 : i32
      %scan3A_187 = arith.constant 1 : i32
      scf.for %scan3A_189 = %scan3A_184 to %scan3A_186 step %scan3A_187  : i32 {
        %get3A_190 = arith.index_cast %scan3A_189 : i32 to index
        %get3A_191 = tpu.vector_load %arg16[%get3A_190] {strides = array<i32>} : memref<48xf32, #tpu.memory_space<vmem>>, vector<16xf32>,
        %get3A_192 = vector.shape_cast %get3A_191 : vector<16xf32> to vector<16xf32>
        %slice3A = vector.extract_strided_slice %get3A_192 {offsets = [0], sizes = [1], strides = [1]} : vector<16xf32> to vector<1xf32>
        %squeeze3A = vector.extract %slice3A[0] : f32 from vector<1xf32>
        %get3A_193 = arith.index_cast %scan3A_189 : i32 to index
        %get3A_194 = tpu.vector_load %arg22[%get3A_193] {strides = array<i32>} : memref<48xi32, #tpu.memory_space<vmem>>, vector<16xi32>,
        %get3A_195 = vector.shape_cast %get3A_194 : vector<16xi32> to vector<16xi32>
        %slice3A_196 = vector.extract_strided_slice %get3A_195 {offsets = [0], sizes = [1], strides = [1]} : vector<16xi32> to vector<1xi32>
        %squeeze3A_197 = vector.extract %slice3A_196[0] : i32 from vector<1xi32>
        %and3A = arith.constant 7 : i32
        %and3A_198 = arith.andi %squeeze3A_197, %and3A : i32
        %broadcast_in_dim3A = arith.constant 0.000000e+00 : f32
        %broadcast_in_dim3A_199 = vector.broadcast %broadcast_in_dim3A : f32 to vector<16xf32>
        %get3A_200 = arith.index_cast %scan3A_189 : i32 to index
        %get3A_201 = arith.constant 0 : index
        %get3A_202 = tpu.vector_load %arg23[%get3A_200, %get3A_201] {strides = array<i32>} : memref<32x128xf32, #tpu.memory_space<vmem>>, vector<1x16xf32>,
        %get3A_203 = vector.shape_cast %get3A_202 : vector<1x16xf32> to vector<16xf32>
        %get3A_204 = arith.index_cast %scan3A_189 : i32 to index
        %get3A_205 = arith.constant 0 : index
        %get3A_206 = tpu.vector_load %arg25[%get3A_204, %get3A_205] {strides = array<i32>} : memref<32x128xf32, #tpu.memory_space<vmem>>, vector<1x16xf32>,
        %get3A_207 = vector.shape_cast %get3A_206 : vector<1x16xf32> to vector<16xf32>
        %get3A_208 = arith.constant 0 : i32
        %get3A_209 = arith.index_cast %get3A_208 : i32 to index
        %get3A_210 = arith.index_cast %scan3A_189 : i32 to index
        %get3A_211 = tpu.vector_load %arg18[%get3A_209, %get3A_210] {strides = array<i32>} : memref<8x48xf32, #tpu.memory_space<vmem>>, vector<1x16xf32>,
        %get3A_212 = vector.shape_cast %get3A_211 : vector<1x16xf32> to vector<16xf32>
        %slice3A_213 = vector.extract_strided_slice %get3A_212 {offsets = [0], sizes = [1], strides = [1]} : vector<16xf32> to vector<1xf32>
        %squeeze3A_214 = vector.extract %slice3A_213[0] : f32 from vector<1xf32>
        %add3A_215 = vector.broadcast %squeeze3A_214 : f32 to vector<16xf32>
        %add3A_216 = arith.addf %get3A_207, %add3A_215 : vector<16xf32>
        %mul3A_217 = arith.mulf %get3A_203, %add3A_216 : vector<16xf32>
        %add3A_218 = arith.addf %broadcast_in_dim3A_199, %mul3A_217 : vector<16xf32>
        %get3A_219 = arith.index_cast %scan3A_189 : i32 to index
        %get3A_220 = arith.constant 16 : index
        %get3A_221 = tpu.vector_load %arg23[%get3A_219, %get3A_220] {strides = array<i32>} : memref<32x128xf32, #tpu.memory_space<vmem>>, vector<1x16xf32>,
        %get3A_222 = vector.shape_cast %get3A_221 : vector<1x16xf32> to vector<16xf32>
        %get3A_223 = arith.index_cast %scan3A_189 : i32 to index
        %get3A_224 = arith.constant 16 : index
        %get3A_225 = tpu.vector_load %arg25[%get3A_223, %get3A_224] {strides = array<i32>} : memref<32x128xf32, #tpu.memory_space<vmem>>, vector<1x16xf32>,
        %get3A_226 = vector.shape_cast %get3A_225 : vector<1x16xf32> to vector<16xf32>
        %get3A_227 = arith.constant 1 : i32
        %get3A_228 = arith.index_cast %get3A_227 : i32 to index
        %get3A_229 = arith.index_cast %scan3A_189 : i32 to index
        %get3A_230 = tpu.vector_load %arg18[%get3A_228, %get3A_229] {strides = array<i32>} : memref<8x48xf32, #tpu.memory_space<vmem>>, vector<1x16xf32>,
        %get3A_231 = vector.shape_cast %get3A_230 : vector<1x16xf32> to vector<16xf32>
        %slice3A_232 = vector.extract_strided_slice %get3A_231 {offsets = [0], sizes = [1], strides = [1]} : vector<16xf32> to vector<1xf32>
        %squeeze3A_233 = vector.extract %slice3A_232[0] : f32 from vector<1xf32>
        %add3A_234 = vector.broadcast %squeeze3A_233 : f32 to vector<16xf32>
        %add3A_235 = arith.addf %get3A_226, %add3A_234 : vector<16xf32>
        %mul3A_236 = arith.mulf %get3A_222, %add3A_235 : vector<16xf32>
        %add3A_237 = arith.addf %add3A_218, %mul3A_236 : vector<16xf32>
        %get3A_238 = arith.index_cast %scan3A_189 : i32 to index
        %get3A_239 = arith.constant 32 : index
        %get3A_240 = tpu.vector_load %arg23[%get3A_238, %get3A_239] {strides = array<i32>} : memref<32x128xf32, #tpu.memory_space<vmem>>, vector<1x16xf32>,
        %get3A_241 = vector.shape_cast %get3A_240 : vector<1x16xf32> to vector<16xf32>
        %get3A_242 = arith.index_cast %scan3A_189 : i32 to index
        %get3A_243 = arith.constant 32 : index
        %get3A_244 = tpu.vector_load %arg25[%get3A_242, %get3A_243] {strides = array<i32>} : memref<32x128xf32, #tpu.memory_space<vmem>>, vector<1x16xf32>,
        %get3A_245 = vector.shape_cast %get3A_244 : vector<1x16xf32> to vector<16xf32>
        %get3A_246 = arith.constant 2 : i32
        %get3A_247 = arith.index_cast %get3A_246 : i32 to index
        %get3A_248 = arith.index_cast %scan3A_189 : i32 to index
        %get3A_249 = tpu.vector_load %arg18[%get3A_247, %get3A_248] {strides = array<i32>} : memref<8x48xf32, #tpu.memory_space<vmem>>, vector<1x16xf32>,
        %get3A_250 = vector.shape_cast %get3A_249 : vector<1x16xf32> to vector<16xf32>
        %slice3A_251 = vector.extract_strided_slice %get3A_250 {offsets = [0], sizes = [1], strides = [1]} : vector<16xf32> to vector<1xf32>
        %squeeze3A_252 = vector.extract %slice3A_251[0] : f32 from vector<1xf32>
        %add3A_253 = vector.broadcast %squeeze3A_252 : f32 to vector<16xf32>
        %add3A_254 = arith.addf %get3A_245, %add3A_253 : vector<16xf32>
        %mul3A_255 = arith.mulf %get3A_241, %add3A_254 : vector<16xf32>
        %add3A_256 = arith.addf %add3A_237, %mul3A_255 : vector<16xf32>
        %get3A_257 = arith.index_cast %scan3A_189 : i32 to index
        %get3A_258 = arith.constant 48 : index
        %get3A_259 = tpu.vector_load %arg23[%get3A_257, %get3A_258] {strides = array<i32>} : memref<32x128xf32, #tpu.memory_space<vmem>>, vector<1x16xf32>,
        %get3A_260 = vector.shape_cast %get3A_259 : vector<1x16xf32> to vector<16xf32>
        %get3A_261 = arith.index_cast %scan3A_189 : i32 to index
        %get3A_262 = arith.constant 48 : index
        %get3A_263 = tpu.vector_load %arg25[%get3A_261, %get3A_262] {strides = array<i32>} : memref<32x128xf32, #tpu.memory_space<vmem>>, vector<1x16xf32>,
        %get3A_264 = vector.shape_cast %get3A_263 : vector<1x16xf32> to vector<16xf32>
        %get3A_265 = arith.constant 3 : i32
        %get3A_266 = arith.index_cast %get3A_265 : i32 to index
        %get3A_267 = arith.index_cast %scan3A_189 : i32 to index
        %get3A_268 = tpu.vector_load %arg18[%get3A_266, %get3A_267] {strides = array<i32>} : memref<8x48xf32, #tpu.memory_space<vmem>>, vector<1x16xf32>,
        %get3A_269 = vector.shape_cast %get3A_268 : vector<1x16xf32> to vector<16xf32>
        %slice3A_270 = vector.extract_strided_slice %get3A_269 {offsets = [0], sizes = [1], strides = [1]} : vector<16xf32> to vector<1xf32>
        %squeeze3A_271 = vector.extract %slice3A_270[0] : f32 from vector<1xf32>
        %add3A_272 = vector.broadcast %squeeze3A_271 : f32 to vector<16xf32>
        %add3A_273 = arith.addf %get3A_264, %add3A_272 : vector<16xf32>
        %mul3A_274 = arith.mulf %get3A_260, %add3A_273 : vector<16xf32>
        %add3A_275 = arith.addf %add3A_256, %mul3A_274 : vector<16xf32>
        %get3A_276 = arith.index_cast %scan3A_189 : i32 to index
        %get3A_277 = arith.constant 64 : index
        %get3A_278 = tpu.vector_load %arg23[%get3A_276, %get3A_277] {strides = array<i32>} : memref<32x128xf32, #tpu.memory_space<vmem>>, vector<1x16xf32>,
        %get3A_279 = vector.shape_cast %get3A_278 : vector<1x16xf32> to vector<16xf32>
        %get3A_280 = arith.index_cast %scan3A_189 : i32 to index
        %get3A_281 = arith.constant 64 : index
        %get3A_282 = tpu.vector_load %arg25[%get3A_280, %get3A_281] {strides = array<i32>} : memref<32x128xf32, #tpu.memory_space<vmem>>, vector<1x16xf32>,
        %get3A_283 = vector.shape_cast %get3A_282 : vector<1x16xf32> to vector<16xf32>
        %get3A_284 = arith.constant 4 : i32
        %get3A_285 = arith.index_cast %get3A_284 : i32 to index
        %get3A_286 = arith.index_cast %scan3A_189 : i32 to index
        %get3A_287 = tpu.vector_load %arg18[%get3A_285, %get3A_286] {strides = array<i32>} : memref<8x48xf32, #tpu.memory_space<vmem>>, vector<1x16xf32>,
        %get3A_288 = vector.shape_cast %get3A_287 : vector<1x16xf32> to vector<16xf32>
        %slice3A_289 = vector.extract_strided_slice %get3A_288 {offsets = [0], sizes = [1], strides = [1]} : vector<16xf32> to vector<1xf32>
        %squeeze3A_290 = vector.extract %slice3A_289[0] : f32 from vector<1xf32>
        %add3A_291 = vector.broadcast %squeeze3A_290 : f32 to vector<16xf32>
        %add3A_292 = arith.addf %get3A_283, %add3A_291 : vector<16xf32>
        %mul3A_293 = arith.mulf %get3A_279, %add3A_292 : vector<16xf32>
        %add3A_294 = arith.addf %add3A_275, %mul3A_293 : vector<16xf32>
        %get3A_295 = arith.index_cast %scan3A_189 : i32 to index
        %get3A_296 = arith.constant 80 : index
        %get3A_297 = tpu.vector_load %arg23[%get3A_295, %get3A_296] {strides = array<i32>} : memref<32x128xf32, #tpu.memory_space<vmem>>, vector<1x16xf32>,
        %get3A_298 = vector.shape_cast %get3A_297 : vector<1x16xf32> to vector<16xf32>
        %get3A_299 = arith.index_cast %scan3A_189 : i32 to index
        %get3A_300 = arith.constant 80 : index
        %get3A_301 = tpu.vector_load %arg25[%get3A_299, %get3A_300] {strides = array<i32>} : memref<32x128xf32, #tpu.memory_space<vmem>>, vector<1x16xf32>,
        %get3A_302 = vector.shape_cast %get3A_301 : vector<1x16xf32> to vector<16xf32>
        %get3A_303 = arith.constant 5 : i32
        %get3A_304 = arith.index_cast %get3A_303 : i32 to index
        %get3A_305 = arith.index_cast %scan3A_189 : i32 to index
        %get3A_306 = tpu.vector_load %arg18[%get3A_304, %get3A_305] {strides = array<i32>} : memref<8x48xf32, #tpu.memory_space<vmem>>, vector<1x16xf32>,
        %get3A_307 = vector.shape_cast %get3A_306 : vector<1x16xf32> to vector<16xf32>
        %slice3A_308 = vector.extract_strided_slice %get3A_307 {offsets = [0], sizes = [1], strides = [1]} : vector<16xf32> to vector<1xf32>
        %squeeze3A_309 = vector.extract %slice3A_308[0] : f32 from vector<1xf32>
        %add3A_310 = vector.broadcast %squeeze3A_309 : f32 to vector<16xf32>
        %add3A_311 = arith.addf %get3A_302, %add3A_310 : vector<16xf32>
        %mul3A_312 = arith.mulf %get3A_298, %add3A_311 : vector<16xf32>
        %add3A_313 = arith.addf %add3A_294, %mul3A_312 : vector<16xf32>
        %get3A_314 = arith.index_cast %scan3A_189 : i32 to index
        %get3A_315 = arith.constant 96 : index
        %get3A_316 = tpu.vector_load %arg23[%get3A_314, %get3A_315] {strides = array<i32>} : memref<32x128xf32, #tpu.memory_space<vmem>>, vector<1x16xf32>,
        %get3A_317 = vector.shape_cast %get3A_316 : vector<1x16xf32> to vector<16xf32>
        %get3A_318 = arith.index_cast %scan3A_189 : i32 to index
        %get3A_319 = arith.constant 96 : index
        %get3A_320 = tpu.vector_load %arg25[%get3A_318, %get3A_319] {strides = array<i32>} : memref<32x128xf32, #tpu.memory_space<vmem>>, vector<1x16xf32>,
        %get3A_321 = vector.shape_cast %get3A_320 : vector<1x16xf32> to vector<16xf32>
        %get3A_322 = arith.constant 6 : i32
        %get3A_323 = arith.index_cast %get3A_322 : i32 to index
        %get3A_324 = arith.index_cast %scan3A_189 : i32 to index
        %get3A_325 = tpu.vector_load %arg18[%get3A_323, %get3A_324] {strides = array<i32>} : memref<8x48xf32, #tpu.memory_space<vmem>>, vector<1x16xf32>,
        %get3A_326 = vector.shape_cast %get3A_325 : vector<1x16xf32> to vector<16xf32>
        %slice3A_327 = vector.extract_strided_slice %get3A_326 {offsets = [0], sizes = [1], strides = [1]} : vector<16xf32> to vector<1xf32>
        %squeeze3A_328 = vector.extract %slice3A_327[0] : f32 from vector<1xf32>
        %add3A_329 = vector.broadcast %squeeze3A_328 : f32 to vector<16xf32>
        %add3A_330 = arith.addf %get3A_321, %add3A_329 : vector<16xf32>
        %mul3A_331 = arith.mulf %get3A_317, %add3A_330 : vector<16xf32>
        %add3A_332 = arith.addf %add3A_313, %mul3A_331 : vector<16xf32>
        %get3A_333 = arith.index_cast %scan3A_189 : i32 to index
        %get3A_334 = arith.constant 112 : index
        %get3A_335 = tpu.vector_load %arg23[%get3A_333, %get3A_334] {strides = array<i32>} : memref<32x128xf32, #tpu.memory_space<vmem>>, vector<1x16xf32>,
        %get3A_336 = vector.shape_cast %get3A_335 : vector<1x16xf32> to vector<16xf32>
        %get3A_337 = arith.index_cast %scan3A_189 : i32 to index
        %get3A_338 = arith.constant 112 : index
        %get3A_339 = tpu.vector_load %arg25[%get3A_337, %get3A_338] {strides = array<i32>} : memref<32x128xf32, #tpu.memory_space<vmem>>, vector<1x16xf32>,
        %get3A_340 = vector.shape_cast %get3A_339 : vector<1x16xf32> to vector<16xf32>
        %get3A_341 = arith.constant 7 : i32
        %get3A_342 = arith.index_cast %get3A_341 : i32 to index
        %get3A_343 = arith.index_cast %scan3A_189 : i32 to index
        %get3A_344 = tpu.vector_load %arg18[%get3A_342, %get3A_343] {strides = array<i32>} : memref<8x48xf32, #tpu.memory_space<vmem>>, vector<1x16xf32>,
        %get3A_345 = vector.shape_cast %get3A_344 : vector<1x16xf32> to vector<16xf32>
        %slice3A_346 = vector.extract_strided_slice %get3A_345 {offsets = [0], sizes = [1], strides = [1]} : vector<16xf32> to vector<1xf32>
        %squeeze3A_347 = vector.extract %slice3A_346[0] : f32 from vector<1xf32>
        %add3A_348 = vector.broadcast %squeeze3A_347 : f32 to vector<16xf32>
        %add3A_349 = arith.addf %get3A_340, %add3A_348 : vector<16xf32>
        %mul3A_350 = arith.mulf %get3A_336, %add3A_349 : vector<16xf32>
        %add3A_351 = arith.addf %add3A_332, %mul3A_350 : vector<16xf32>
        %mul3A_352 = vector.broadcast %squeeze3A : f32 to vector<16xf32>
        %mul3A_353 = arith.mulf %add3A_351, %mul3A_352 : vector<16xf32>
        %exp3A = math.exp %mul3A_353 : vector<16xf32>
        %broadcast_in_dim3A_354 = arith.constant 0.000000e+00 : f32
        %broadcast_in_dim3A_355 = vector.broadcast %broadcast_in_dim3A_354 : f32 to vector<16xf32>
        %eq3A_356 = arith.constant 0 : i32
        %eq3A_357 = arith.cmpi eq, %and3A_198, %eq3A_356 : i32
        %select_n3A = arith.select %eq3A_357, %exp3A, %broadcast_in_dim3A_355 : vector<16xf32>
        %swap3A_358 = arith.index_cast %scan3A_189 : i32 to index
        %swap3A_359 = arith.constant 0 : index
        %swap3A_360 = tpu.vector_load %arg29[%swap3A_358, %swap3A_359] {strides = array<i32>} : memref<32x128xf32, #tpu.memory_space<vmem>>, vector<1x16xf32>,
        %swap3A_361 = vector.shape_cast %swap3A_360 : vector<1x16xf32> to vector<16xf32>
        %swap3A_362 = vector.shape_cast %select_n3A : vector<16xf32> to vector<1x16xf32>
        tpu.vector_store %arg29[%swap3A_358, %swap3A_359], %swap3A_362 {strides = array<i32>} : memref<32x128xf32, #tpu.memory_space<vmem>>, vector<1x16xf32>,
        %get3A_363 = arith.index_cast %scan3A_189 : i32 to index
        %get3A_364 = arith.constant 0 : index
        %get3A_365 = tpu.vector_load %arg27[%get3A_363, %get3A_364] {strides = array<i32>} : memref<32x128xf32, #tpu.memory_space<vmem>>, vector<1x16xf32>,
        %get3A_366 = vector.shape_cast %get3A_365 : vector<1x16xf32> to vector<16xf32>
        %mul3A_367 = arith.mulf %exp3A, %get3A_366 : vector<16xf32>
        %swap3A_368 = arith.index_cast %scan3A_189 : i32 to index
        %swap3A_369 = arith.constant 0 : index
        %swap3A_370 = tpu.vector_load %arg30[%swap3A_368, %swap3A_369] {strides = array<i32>} : memref<32x128xf32, #tpu.memory_space<vmem>>, vector<1x16xf32>,
        %swap3A_371 = vector.shape_cast %swap3A_370 : vector<1x16xf32> to vector<16xf32>
        %swap3A_372 = vector.shape_cast %mul3A_367 : vector<16xf32> to vector<1x16xf32>
        tpu.vector_store %arg30[%swap3A_368, %swap3A_369], %swap3A_372 {strides = array<i32>} : memref<32x128xf32, #tpu.memory_space<vmem>>, vector<1x16xf32>,
        %eq3A_373 = arith.constant 1 : i32
        %eq3A_374 = arith.cmpi eq, %and3A_198, %eq3A_373 : i32
        %select_n3A_375 = arith.select %eq3A_374, %exp3A, %broadcast_in_dim3A_355 : vector<16xf32>
        %swap3A_376 = arith.index_cast %scan3A_189 : i32 to index
        %swap3A_377 = arith.constant 16 : index
        %swap3A_378 = tpu.vector_load %arg29[%swap3A_376, %swap3A_377] {strides = array<i32>} : memref<32x128xf32, #tpu.memory_space<vmem>>, vector<1x16xf32>,
        %swap3A_379 = vector.shape_cast %swap3A_378 : vector<1x16xf32> to vector<16xf32>
        %swap3A_380 = vector.shape_cast %select_n3A_375 : vector<16xf32> to vector<1x16xf32>
        tpu.vector_store %arg29[%swap3A_376, %swap3A_377], %swap3A_380 {strides = array<i32>} : memref<32x128xf32, #tpu.memory_space<vmem>>, vector<1x16xf32>,
        %get3A_381 = arith.index_cast %scan3A_189 : i32 to index
        %get3A_382 = arith.constant 16 : index
        %get3A_383 = tpu.vector_load %arg27[%get3A_381, %get3A_382] {strides = array<i32>} : memref<32x128xf32, #tpu.memory_space<vmem>>, vector<1x16xf32>,
        %get3A_384 = vector.shape_cast %get3A_383 : vector<1x16xf32> to vector<16xf32>
        %mul3A_385 = arith.mulf %exp3A, %get3A_384 : vector<16xf32>
        %swap3A_386 = arith.index_cast %scan3A_189 : i32 to index
        %swap3A_387 = arith.constant 16 : index
        %swap3A_388 = tpu.vector_load %arg30[%swap3A_386, %swap3A_387] {strides = array<i32>} : memref<32x128xf32, #tpu.memory_space<vmem>>, vector<1x16xf32>,
        %swap3A_389 = vector.shape_cast %swap3A_388 : vector<1x16xf32> to vector<16xf32>
        %swap3A_390 = vector.shape_cast %mul3A_385 : vector<16xf32> to vector<1x16xf32>
        tpu.vector_store %arg30[%swap3A_386, %swap3A_387], %swap3A_390 {strides = array<i32>} : memref<32x128xf32, #tpu.memory_space<vmem>>, vector<1x16xf32>,
        %eq3A_391 = arith.constant 2 : i32
        %eq3A_392 = arith.cmpi eq, %and3A_198, %eq3A_391 : i32
        %select_n3A_393 = arith.select %eq3A_392, %exp3A, %broadcast_in_dim3A_355 : vector<16xf32>
        %swap3A_394 = arith.index_cast %scan3A_189 : i32 to index
        %swap3A_395 = arith.constant 32 : index
        %swap3A_396 = tpu.vector_load %arg29[%swap3A_394, %swap3A_395] {strides = array<i32>} : memref<32x128xf32, #tpu.memory_space<vmem>>, vector<1x16xf32>,
        %swap3A_397 = vector.shape_cast %swap3A_396 : vector<1x16xf32> to vector<16xf32>
        %swap3A_398 = vector.shape_cast %select_n3A_393 : vector<16xf32> to vector<1x16xf32>
        tpu.vector_store %arg29[%swap3A_394, %swap3A_395], %swap3A_398 {strides = array<i32>} : memref<32x128xf32, #tpu.memory_space<vmem>>, vector<1x16xf32>,
        %get3A_399 = arith.index_cast %scan3A_189 : i32 to index
        %get3A_400 = arith.constant 32 : index
        %get3A_401 = tpu.vector_load %arg27[%get3A_399, %get3A_400] {strides = array<i32>} : memref<32x128xf32, #tpu.memory_space<vmem>>, vector<1x16xf32>,
        %get3A_402 = vector.shape_cast %get3A_401 : vector<1x16xf32> to vector<16xf32>
        %mul3A_403 = arith.mulf %exp3A, %get3A_402 : vector<16xf32>
        %swap3A_404 = arith.index_cast %scan3A_189 : i32 to index
        %swap3A_405 = arith.constant 32 : index
        %swap3A_406 = tpu.vector_load %arg30[%swap3A_404, %swap3A_405] {strides = array<i32>} : memref<32x128xf32, #tpu.memory_space<vmem>>, vector<1x16xf32>,
        %swap3A_407 = vector.shape_cast %swap3A_406 : vector<1x16xf32> to vector<16xf32>
        %swap3A_408 = vector.shape_cast %mul3A_403 : vector<16xf32> to vector<1x16xf32>
        tpu.vector_store %arg30[%swap3A_404, %swap3A_405], %swap3A_408 {strides = array<i32>} : memref<32x128xf32, #tpu.memory_space<vmem>>, vector<1x16xf32>,
        %eq3A_409 = arith.constant 3 : i32
        %eq3A_410 = arith.cmpi eq, %and3A_198, %eq3A_409 : i32
        %select_n3A_411 = arith.select %eq3A_410, %exp3A, %broadcast_in_dim3A_355 : vector<16xf32>
        %swap3A_412 = arith.index_cast %scan3A_189 : i32 to index
        %swap3A_413 = arith.constant 48 : index
        %swap3A_414 = tpu.vector_load %arg29[%swap3A_412, %swap3A_413] {strides = array<i32>} : memref<32x128xf32, #tpu.memory_space<vmem>>, vector<1x16xf32>,
        %swap3A_415 = vector.shape_cast %swap3A_414 : vector<1x16xf32> to vector<16xf32>
        %swap3A_416 = vector.shape_cast %select_n3A_411 : vector<16xf32> to vector<1x16xf32>
        tpu.vector_store %arg29[%swap3A_412, %swap3A_413], %swap3A_416 {strides = array<i32>} : memref<32x128xf32, #tpu.memory_space<vmem>>, vector<1x16xf32>,
        %get3A_417 = arith.index_cast %scan3A_189 : i32 to index
        %get3A_418 = arith.constant 48 : index
        %get3A_419 = tpu.vector_load %arg27[%get3A_417, %get3A_418] {strides = array<i32>} : memref<32x128xf32, #tpu.memory_space<vmem>>, vector<1x16xf32>,
        %get3A_420 = vector.shape_cast %get3A_419 : vector<1x16xf32> to vector<16xf32>
        %mul3A_421 = arith.mulf %exp3A, %get3A_420 : vector<16xf32>
        %swap3A_422 = arith.index_cast %scan3A_189 : i32 to index
        %swap3A_423 = arith.constant 48 : index
        %swap3A_424 = tpu.vector_load %arg30[%swap3A_422, %swap3A_423] {strides = array<i32>} : memref<32x128xf32, #tpu.memory_space<vmem>>, vector<1x16xf32>,
        %swap3A_425 = vector.shape_cast %swap3A_424 : vector<1x16xf32> to vector<16xf32>
        %swap3A_426 = vector.shape_cast %mul3A_421 : vector<16xf32> to vector<1x16xf32>
        tpu.vector_store %arg30[%swap3A_422, %swap3A_423], %swap3A_426 {strides = array<i32>} : memref<32x128xf32, #tpu.memory_space<vmem>>, vector<1x16xf32>,
        %eq3A_427 = arith.constant 4 : i32
        %eq3A_428 = arith.cmpi eq, %and3A_198, %eq3A_427 : i32
        %select_n3A_429 = arith.select %eq3A_428, %exp3A, %broadcast_in_dim3A_355 : vector<16xf32>
        %swap3A_430 = arith.index_cast %scan3A_189 : i32 to index
        %swap3A_431 = arith.constant 64 : index
        %swap3A_432 = tpu.vector_load %arg29[%swap3A_430, %swap3A_431] {strides = array<i32>} : memref<32x128xf32, #tpu.memory_space<vmem>>, vector<1x16xf32>,
        %swap3A_433 = vector.shape_cast %swap3A_432 : vector<1x16xf32> to vector<16xf32>
        %swap3A_434 = vector.shape_cast %select_n3A_429 : vector<16xf32> to vector<1x16xf32>
        tpu.vector_store %arg29[%swap3A_430, %swap3A_431], %swap3A_434 {strides = array<i32>} : memref<32x128xf32, #tpu.memory_space<vmem>>, vector<1x16xf32>,
        %get3A_435 = arith.index_cast %scan3A_189 : i32 to index
        %get3A_436 = arith.constant 64 : index
        %get3A_437 = tpu.vector_load %arg27[%get3A_435, %get3A_436] {strides = array<i32>} : memref<32x128xf32, #tpu.memory_space<vmem>>, vector<1x16xf32>,
        %get3A_438 = vector.shape_cast %get3A_437 : vector<1x16xf32> to vector<16xf32>
        %mul3A_439 = arith.mulf %exp3A, %get3A_438 : vector<16xf32>
        %swap3A_440 = arith.index_cast %scan3A_189 : i32 to index
        %swap3A_441 = arith.constant 64 : index
        %swap3A_442 = tpu.vector_load %arg30[%swap3A_440, %swap3A_441] {strides = array<i32>} : memref<32x128xf32, #tpu.memory_space<vmem>>, vector<1x16xf32>,
        %swap3A_443 = vector.shape_cast %swap3A_442 : vector<1x16xf32> to vector<16xf32>
        %swap3A_444 = vector.shape_cast %mul3A_439 : vector<16xf32> to vector<1x16xf32>
        tpu.vector_store %arg30[%swap3A_440, %swap3A_441], %swap3A_444 {strides = array<i32>} : memref<32x128xf32, #tpu.memory_space<vmem>>, vector<1x16xf32>,
        %eq3A_445 = arith.constant 5 : i32
        %eq3A_446 = arith.cmpi eq, %and3A_198, %eq3A_445 : i32
        %select_n3A_447 = arith.select %eq3A_446, %exp3A, %broadcast_in_dim3A_355 : vector<16xf32>
        %swap3A_448 = arith.index_cast %scan3A_189 : i32 to index
        %swap3A_449 = arith.constant 80 : index
        %swap3A_450 = tpu.vector_load %arg29[%swap3A_448, %swap3A_449] {strides = array<i32>} : memref<32x128xf32, #tpu.memory_space<vmem>>, vector<1x16xf32>,
        %swap3A_451 = vector.shape_cast %swap3A_450 : vector<1x16xf32> to vector<16xf32>
        %swap3A_452 = vector.shape_cast %select_n3A_447 : vector<16xf32> to vector<1x16xf32>
        tpu.vector_store %arg29[%swap3A_448, %swap3A_449], %swap3A_452 {strides = array<i32>} : memref<32x128xf32, #tpu.memory_space<vmem>>, vector<1x16xf32>,
        %get3A_453 = arith.index_cast %scan3A_189 : i32 to index
        %get3A_454 = arith.constant 80 : index
        %get3A_455 = tpu.vector_load %arg27[%get3A_453, %get3A_454] {strides = array<i32>} : memref<32x128xf32, #tpu.memory_space<vmem>>, vector<1x16xf32>,
        %get3A_456 = vector.shape_cast %get3A_455 : vector<1x16xf32> to vector<16xf32>
        %mul3A_457 = arith.mulf %exp3A, %get3A_456 : vector<16xf32>
        %swap3A_458 = arith.index_cast %scan3A_189 : i32 to index
        %swap3A_459 = arith.constant 80 : index
        %swap3A_460 = tpu.vector_load %arg30[%swap3A_458, %swap3A_459] {strides = array<i32>} : memref<32x128xf32, #tpu.memory_space<vmem>>, vector<1x16xf32>,
        %swap3A_461 = vector.shape_cast %swap3A_460 : vector<1x16xf32> to vector<16xf32>
        %swap3A_462 = vector.shape_cast %mul3A_457 : vector<16xf32> to vector<1x16xf32>
        tpu.vector_store %arg30[%swap3A_458, %swap3A_459], %swap3A_462 {strides = array<i32>} : memref<32x128xf32, #tpu.memory_space<vmem>>, vector<1x16xf32>,
        %eq3A_463 = arith.constant 6 : i32
        %eq3A_464 = arith.cmpi eq, %and3A_198, %eq3A_463 : i32
        %select_n3A_465 = arith.select %eq3A_464, %exp3A, %broadcast_in_dim3A_355 : vector<16xf32>
        %swap3A_466 = arith.index_cast %scan3A_189 : i32 to index
        %swap3A_467 = arith.constant 96 : index
        %swap3A_468 = tpu.vector_load %arg29[%swap3A_466, %swap3A_467] {strides = array<i32>} : memref<32x128xf32, #tpu.memory_space<vmem>>, vector<1x16xf32>,
        %swap3A_469 = vector.shape_cast %swap3A_468 : vector<1x16xf32> to vector<16xf32>
        %swap3A_470 = vector.shape_cast %select_n3A_465 : vector<16xf32> to vector<1x16xf32>
        tpu.vector_store %arg29[%swap3A_466, %swap3A_467], %swap3A_470 {strides = array<i32>} : memref<32x128xf32, #tpu.memory_space<vmem>>, vector<1x16xf32>,
        %get3A_471 = arith.index_cast %scan3A_189 : i32 to index
        %get3A_472 = arith.constant 96 : index
        %get3A_473 = tpu.vector_load %arg27[%get3A_471, %get3A_472] {strides = array<i32>} : memref<32x128xf32, #tpu.memory_space<vmem>>, vector<1x16xf32>,
        %get3A_474 = vector.shape_cast %get3A_473 : vector<1x16xf32> to vector<16xf32>
        %mul3A_475 = arith.mulf %exp3A, %get3A_474 : vector<16xf32>
        %swap3A_476 = arith.index_cast %scan3A_189 : i32 to index
        %swap3A_477 = arith.constant 96 : index
        %swap3A_478 = tpu.vector_load %arg30[%swap3A_476, %swap3A_477] {strides = array<i32>} : memref<32x128xf32, #tpu.memory_space<vmem>>, vector<1x16xf32>,
        %swap3A_479 = vector.shape_cast %swap3A_478 : vector<1x16xf32> to vector<16xf32>
        %swap3A_480 = vector.shape_cast %mul3A_475 : vector<16xf32> to vector<1x16xf32>
        tpu.vector_store %arg30[%swap3A_476, %swap3A_477], %swap3A_480 {strides = array<i32>} : memref<32x128xf32, #tpu.memory_space<vmem>>, vector<1x16xf32>,
        %eq3A_481 = arith.constant 7 : i32
        %eq3A_482 = arith.cmpi eq, %and3A_198, %eq3A_481 : i32
        %select_n3A_483 = arith.select %eq3A_482, %exp3A, %broadcast_in_dim3A_355 : vector<16xf32>
        %swap3A_484 = arith.index_cast %scan3A_189 : i32 to index
        %swap3A_485 = arith.constant 112 : index
        %swap3A_486 = tpu.vector_load %arg29[%swap3A_484, %swap3A_485] {strides = array<i32>} : memref<32x128xf32, #tpu.memory_space<vmem>>, vector<1x16xf32>,
        %swap3A_487 = vector.shape_cast %swap3A_486 : vector<1x16xf32> to vector<16xf32>
        %swap3A_488 = vector.shape_cast %select_n3A_483 : vector<16xf32> to vector<1x16xf32>
        tpu.vector_store %arg29[%swap3A_484, %swap3A_485], %swap3A_488 {strides = array<i32>} : memref<32x128xf32, #tpu.memory_space<vmem>>, vector<1x16xf32>,
        %get3A_489 = arith.index_cast %scan3A_189 : i32 to index
        %get3A_490 = arith.constant 112 : index
        %get3A_491 = tpu.vector_load %arg27[%get3A_489, %get3A_490] {strides = array<i32>} : memref<32x128xf32, #tpu.memory_space<vmem>>, vector<1x16xf32>,
        %get3A_492 = vector.shape_cast %get3A_491 : vector<1x16xf32> to vector<16xf32>
        %mul3A_493 = arith.mulf %exp3A, %get3A_492 : vector<16xf32>
        %swap3A_494 = arith.index_cast %scan3A_189 : i32 to index
        %swap3A_495 = arith.constant 112 : index
        %swap3A_496 = tpu.vector_load %arg30[%swap3A_494, %swap3A_495] {strides = array<i32>} : memref<32x128xf32, #tpu.memory_space<vmem>>, vector<1x16xf32>,
        %swap3A_497 = vector.shape_cast %swap3A_496 : vector<1x16xf32> to vector<16xf32>
        %swap3A_498 = vector.shape_cast %mul3A_493 : vector<16xf32> to vector<1x16xf32>
        tpu.vector_store %arg30[%swap3A_494, %swap3A_495], %swap3A_498 {strides = array<i32>} : memref<32x128xf32, #tpu.memory_space<vmem>>, vector<1x16xf32>,
      }
      %scan3A_188 = arith.constant 32 : i32
      "tpu.region"() ({
        %run_scoped3A = tpu.sem_alloc : memref<!tpu.dma_semaphore, #tpu.memory_space<semaphore_mem>>
        %dma_start3A_189 = arith.constant 0 : i32
        %dma_start3A_190 = arith.constant 0 : i32
        %dma_start3A_191 = tpu.memref_slice %arg31[%dma_start3A_189, %dma_start3A_190] : memref<1280x128xf32, #tpu.memory_space<vmem_shared>> -> memref<1280x128xf32, #tpu.memory_space<vmem_shared>>
        tpu.enqueue_indirect_dma source(%arg29 : memref<32x128xf32, #tpu.memory_space<vmem>>) target(%dma_start3A_191 : memref<1280x128xf32, #tpu.memory_space<vmem_shared>>) offsets(%arg21 : memref<32xi32, #tpu.memory_space<vmem>>) semaphore(%run_scoped3A : memref<!tpu.dma_semaphore, #tpu.memory_space<semaphore_mem>>) {add = true}
        %dma_wait3A_192 = arith.constant 0 : i32
        %dma_wait3A_193 = arith.constant 0 : i32
        %dma_wait3A_194 = tpu.memref_slice %arg31[%dma_wait3A_192, %dma_wait3A_193] : memref<1280x128xf32, #tpu.memory_space<vmem_shared>> -> memref<1280x128xf32, #tpu.memory_space<vmem_shared>>
        tpu.wait_indirect_dma semaphore(%run_scoped3A : memref<!tpu.dma_semaphore, #tpu.memory_space<semaphore_mem>>) src(%arg29 : memref<32x128xf32, #tpu.memory_space<vmem>>) dst(%dma_wait3A_194 : memref<1280x128xf32, #tpu.memory_space<vmem_shared>>)
        tpu.yield
      }) : () -> ()
      "tpu.region"() ({
        %run_scoped3A = tpu.sem_alloc : memref<!tpu.dma_semaphore, #tpu.memory_space<semaphore_mem>>
        %dma_start3A_189 = arith.constant 0 : i32
        %dma_start3A_190 = arith.constant 0 : i32
        %dma_start3A_191 = tpu.memref_slice %arg32[%dma_start3A_189, %dma_start3A_190] : memref<10000x128xf32, #tpu.memory_space<vmem_shared>> -> memref<10000x128xf32, #tpu.memory_space<vmem_shared>>
        tpu.enqueue_indirect_dma source(%arg30 : memref<32x128xf32, #tpu.memory_space<vmem>>) target(%dma_start3A_191 : memref<10000x128xf32, #tpu.memory_space<vmem_shared>>) offsets(%arg20 : memref<32xi32, #tpu.memory_space<vmem>>) semaphore(%run_scoped3A : memref<!tpu.dma_semaphore, #tpu.memory_space<semaphore_mem>>) {add = true}
        %dma_wait3A_192 = arith.constant 0 : i32
        %dma_wait3A_193 = arith.constant 0 : i32
        %dma_wait3A_194 = tpu.memref_slice %arg32[%dma_wait3A_192, %dma_wait3A_193] : memref<10000x128xf32, #tpu.memory_space<vmem_shared>> -> memref<10000x128xf32, #tpu.memory_space<vmem_shared>>
        tpu.wait_indirect_dma semaphore(%run_scoped3A : memref<!tpu.dma_semaphore, #tpu.memory_space<semaphore_mem>>) src(%arg30 : memref<32x128xf32, #tpu.memory_space<vmem>>) dst(%dma_wait3A_194 : memref<10000x128xf32, #tpu.memory_space<vmem_shared>>)
        tpu.yield
      }) : () -> ()
    } else {
    }
    %barrier3A_73 = arith.constant 0 : index
    tpu.barrier barrier_id(%barrier3A_73)
    %eq3A_74 = arith.constant 0 : i32
    %eq3A_75 = arith.cmpi eq, %arg1, %eq3A_74 : i32
    %convert_element_type3A_76 = arith.extui %eq3A_75 : i1 to i32
    %cond3A_77 = arith.constant 0 : i32
    %cond3A_78 = arith.cmpi ne, %convert_element_type3A_76, %cond3A_77 : i32
    scf.if %cond3A_78 {
      "tpu.region"() ({
        %run_scoped3A = tpu.sem_alloc : memref<!tpu.dma_semaphore, #tpu.memory_space<semaphore_mem>>
        %dma_start3A_79 = arith.constant 0 : i32
        %dma_start3A_80 = arith.constant 0 : i32
        %dma_start3A_81 = tpu.memref_slice %arg10[%arg0, %dma_start3A_79, %dma_start3A_80] : memref<2x1280x128xf32, #tpu.memory_space<hbm>> -> memref<1x1280x128xf32, #tpu.memory_space<hbm>>
        %dma_start3A_82 = tpu.memref_squeeze %dma_start3A_81 : memref<1x1280x128xf32, #tpu.memory_space<hbm>> -> memref<1280x128xf32, #tpu.memory_space<hbm>>
        tpu.enqueue_dma source(%arg31 : memref<1280x128xf32, #tpu.memory_space<vmem_shared>>) target(%dma_start3A_82 : memref<1280x128xf32, #tpu.memory_space<hbm>>) target_semaphore(%run_scoped3A : memref<!tpu.dma_semaphore, #tpu.memory_space<semaphore_mem>>)
        %dma_wait3A_83 = arith.constant 0 : i32
        %dma_wait3A_84 = arith.constant 0 : i32
        %dma_wait3A_85 = tpu.memref_slice %arg10[%arg0, %dma_wait3A_83, %dma_wait3A_84] : memref<2x1280x128xf32, #tpu.memory_space<hbm>> -> memref<1x1280x128xf32, #tpu.memory_space<hbm>>
        %dma_wait3A_86 = tpu.memref_squeeze %dma_wait3A_85 : memref<1x1280x128xf32, #tpu.memory_space<hbm>> -> memref<1280x128xf32, #tpu.memory_space<hbm>>
        tpu.wait_dma2 semaphore(%run_scoped3A : memref<!tpu.dma_semaphore, #tpu.memory_space<semaphore_mem>>) src(%arg31 : memref<1280x128xf32, #tpu.memory_space<vmem_shared>>) dst(%dma_wait3A_86 : memref<1280x128xf32, #tpu.memory_space<hbm>>)
        tpu.yield
      }) : () -> ()
      "tpu.region"() ({
        %run_scoped3A = tpu.sem_alloc : memref<!tpu.dma_semaphore, #tpu.memory_space<semaphore_mem>>
        %dma_start3A_79 = arith.constant 0 : i32
        %dma_start3A_80 = arith.constant 0 : i32
        %dma_start3A_81 = tpu.memref_slice %arg11[%arg0, %dma_start3A_79, %dma_start3A_80] : memref<2x10000x128xf32, #tpu.memory_space<hbm>> -> memref<1x10000x128xf32, #tpu.memory_space<hbm>>
        %dma_start3A_82 = tpu.memref_squeeze %dma_start3A_81 : memref<1x10000x128xf32, #tpu.memory_space<hbm>> -> memref<10000x128xf32, #tpu.memory_space<hbm>>
        tpu.enqueue_dma source(%arg32 : memref<10000x128xf32, #tpu.memory_space<vmem_shared>>) target(%dma_start3A_82 : memref<10000x128xf32, #tpu.memory_space<hbm>>) target_semaphore(%run_scoped3A : memref<!tpu.dma_semaphore, #tpu.memory_space<semaphore_mem>>)
        %dma_wait3A_83 = arith.constant 0 : i32
        %dma_wait3A_84 = arith.constant 0 : i32
        %dma_wait3A_85 = tpu.memref_slice %arg11[%arg0, %dma_wait3A_83, %dma_wait3A_84] : memref<2x10000x128xf32, #tpu.memory_space<hbm>> -> memref<1x10000x128xf32, #tpu.memory_space<hbm>>
        %dma_wait3A_86 = tpu.memref_squeeze %dma_wait3A_85 : memref<1x10000x128xf32, #tpu.memory_space<hbm>> -> memref<10000x128xf32, #tpu.memory_space<hbm>>
        tpu.wait_dma2 semaphore(%run_scoped3A : memref<!tpu.dma_semaphore, #tpu.memory_space<semaphore_mem>>) src(%arg32 : memref<10000x128xf32, #tpu.memory_space<vmem_shared>>) dst(%dma_wait3A_86 : memref<10000x128xf32, #tpu.memory_space<hbm>>)
        tpu.yield
      }) : () -> ()
    } else {
    }
    return
  }
}

module attributes {stable_mosaic.version = 14 : i64} {
  func.func @_ep_body(%arg0: i32, %arg1: memref<3200x16xf32, #tpu.memory_space<vmem>>, %arg2: memref<16x8xf32, #tpu.memory_space<vmem>>, %arg3: memref<8x1xf32, #tpu.memory_space<vmem>>, %arg4: memref<8x3200xf32, #tpu.memory_space<vmem>>) attributes {dimension_semantics = [#tpu.dimension_semantics<arbitrary>], iteration_bounds = array<i64: 100>, scalar_prefetch = 0 : i64, scratch_operands = 0 : i64, tpu.core_type = #tpu.core_type<tc>, window_params = [{transform_indices = @transform_0, window_bounds = array<i64: 3200, 16>}, {pipeline_mode = #tpu.pipeline_mode<synchronous>, transform_indices = @transform_1, window_bounds = array<i64: 16, 8>}, {pipeline_mode = #tpu.pipeline_mode<synchronous>, transform_indices = @transform_2, window_bounds = array<i64: 8, 1>}, {transform_indices = @transform_3, window_bounds = array<i64: 8, 3200>}]} {
    %get3A = arith.constant 0 : index
    %get3A_0 = arith.constant 0 : index
    %get3A_1 = vector.load %arg2[%get3A, %get3A_0] : memref<16x8xf32, #tpu.memory_space<vmem>>, vector<16x8xf32>
    %get3A_2 = arith.constant 0 : index
    %get3A_3 = arith.constant 0 : index
    %get3A_4 = vector.load %arg1[%get3A_2, %get3A_3] : memref<3200x16xf32, #tpu.memory_space<vmem>>, vector<3200x16xf32>
    %dot_general3A = arith.constant dense<0.000000e+00> : vector<8x3200xf32>
    %dot_general3A_5 = tpu.matmul %get3A_1, %get3A_4, %dot_general3A {dimension_numbers = #tpu.dot_dimension_numbers<[0], [1], [1], [0], [0, 1, 1, 0], [], []>, transpose_lhs_hint = false} : vector<16x8xf32>, vector<3200x16xf32>, vector<8x3200xf32> -> vector<8x3200xf32>
    %get3A_6 = arith.constant 0 : index
    %get3A_7 = arith.constant 0 : index
    %get3A_8 = vector.load %arg3[%get3A_6, %get3A_7] : memref<8x1xf32, #tpu.memory_space<vmem>>, vector<8x1xf32>
    %add3A = vector.broadcast %get3A_8 : vector<8x1xf32> to vector<8x3200xf32>
    %add3A_9 = arith.addf %dot_general3A_5, %add3A : vector<8x3200xf32>
    %swap3A = arith.constant 0 : index
    %swap3A_10 = arith.constant 0 : index
    %swap3A_11 = vector.load %arg4[%swap3A, %swap3A_10] : memref<8x3200xf32, #tpu.memory_space<vmem>>, vector<8x3200xf32>
    tpu.vector_store %arg4[%swap3A, %swap3A_10], %add3A_9 {strides = array<i32>} : memref<8x3200xf32, #tpu.memory_space<vmem>>, vector<8x3200xf32>,
    return
  }
  func.func @transform_0(%arg0: i32) -> (i32, i32) {
    %c0_i32 = arith.constant 0 : i32
    %c0_i32_0 = arith.constant 0 : i32
    return %arg0, %c0_i32 : i32, i32
  }
  func.func @transform_1(%arg0: i32) -> (i32, i32) {
    %c0_i32 = arith.constant 0 : i32
    %c0_i32_0 = arith.constant 0 : i32
    %c0_i32_1 = arith.constant 0 : i32
    return %c0_i32, %c0_i32_0 : i32, i32
  }
  func.func @transform_2(%arg0: i32) -> (i32, i32) {
    %c0_i32 = arith.constant 0 : i32
    %c0_i32_0 = arith.constant 0 : i32
    %c0_i32_1 = arith.constant 0 : i32
    return %c0_i32, %c0_i32_0 : i32, i32
  }
  func.func @transform_3(%arg0: i32) -> (i32, i32) {
    %c0_i32 = arith.constant 0 : i32
    %c0_i32_0 = arith.constant 0 : i32
    return %c0_i32, %arg0 : i32, i32
  }
}

module attributes {stable_mosaic.version = 14 : i64} {
  func.func @_pre_body(%arg0: i32, %arg1: memref<1000x128xf32, #tpu.memory_space<vmem>>, %arg2: memref<128x128xf32, #tpu.memory_space<vmem>>, %arg3: memref<128x128xf32, #tpu.memory_space<vmem>>, %arg4: memref<128x128xf32, #tpu.memory_space<vmem>>, %arg5: memref<1x128xf32, #tpu.memory_space<vmem>>, %arg6: memref<1x128xf32, #tpu.memory_space<vmem>>, %arg7: memref<1x128xf32, #tpu.memory_space<vmem>>, %arg8: memref<1x128xf32, #tpu.memory_space<vmem>>, %arg9: memref<1x128xf32, #tpu.memory_space<vmem>>, %arg10: memref<1000x128xf32, #tpu.memory_space<vmem>>, %arg11: memref<1000x128xf32, #tpu.memory_space<vmem>>, %arg12: memref<1000x128xf32, #tpu.memory_space<vmem>>) attributes {dimension_semantics = [#tpu.dimension_semantics<arbitrary>], iteration_bounds = array<i64: 10>, scalar_prefetch = 0 : i64, scratch_operands = 0 : i64, tpu.core_type = #tpu.core_type<tc>, window_params = [{transform_indices = @transform_0, window_bounds = array<i64: 1000, 128>}, {pipeline_mode = #tpu.pipeline_mode<synchronous>, transform_indices = @transform_1, window_bounds = array<i64: 128, 128>}, {pipeline_mode = #tpu.pipeline_mode<synchronous>, transform_indices = @transform_2, window_bounds = array<i64: 128, 128>}, {pipeline_mode = #tpu.pipeline_mode<synchronous>, transform_indices = @transform_3, window_bounds = array<i64: 128, 128>}, {pipeline_mode = #tpu.pipeline_mode<synchronous>, transform_indices = @transform_4, window_bounds = array<i64: 1, 128>}, {pipeline_mode = #tpu.pipeline_mode<synchronous>, transform_indices = @transform_5, window_bounds = array<i64: 1, 128>}, {pipeline_mode = #tpu.pipeline_mode<synchronous>, transform_indices = @transform_6, window_bounds = array<i64: 1, 128>}, {pipeline_mode = #tpu.pipeline_mode<synchronous>, transform_indices = @transform_7, window_bounds = array<i64: 1, 128>}, {pipeline_mode = #tpu.pipeline_mode<synchronous>, transform_indices = @transform_8, window_bounds = array<i64: 1, 128>}, {transform_indices = @transform_9, window_bounds = array<i64: 1000, 128>}, {transform_indices = @transform_10, window_bounds = array<i64: 1000, 128>}, {transform_indices = @transform_11, window_bounds = array<i64: 1000, 128>}]} {
    %get3A = arith.constant 0 : index
    %get3A_0 = arith.constant 0 : index
    %get3A_1 = vector.load %arg1[%get3A, %get3A_0] : memref<1000x128xf32, #tpu.memory_space<vmem>>, vector<1000x128xf32>
    %reduce_sum3A = arith.constant dense<0.000000e+00> : vector<1000xf32>
    %reduce_sum3A_2 = vector.multi_reduction <add>, %get3A_1, %reduce_sum3A [1] : vector<1000x128xf32> to vector<1000xf32>
    %broadcast_in_dim3A = vector.shape_cast %reduce_sum3A_2 : vector<1000xf32> to vector<1000x1xf32>
    %div3A = arith.constant 1.280000e+02 : f32
    %div3A_3 = vector.broadcast %div3A : f32 to vector<1000x1xf32>
    %div3A_4 = arith.divf %broadcast_in_dim3A, %div3A_3 : vector<1000x1xf32>
    %sub3A = vector.broadcast %div3A_4 : vector<1000x1xf32> to vector<1000x128xf32>
    %sub3A_5 = arith.subf %get3A_1, %sub3A : vector<1000x128xf32>
    %mul3A = arith.mulf %sub3A_5, %sub3A_5 : vector<1000x128xf32>
    %reduce_sum3A_6 = arith.constant dense<0.000000e+00> : vector<1000xf32>
    %reduce_sum3A_7 = vector.multi_reduction <add>, %mul3A, %reduce_sum3A_6 [1] : vector<1000x128xf32> to vector<1000xf32>
    %broadcast_in_dim3A_8 = vector.shape_cast %reduce_sum3A_7 : vector<1000xf32> to vector<1000x1xf32>
    %div3A_9 = arith.constant 1.280000e+02 : f32
    %div3A_10 = vector.broadcast %div3A_9 : f32 to vector<1000x1xf32>
    %div3A_11 = arith.divf %broadcast_in_dim3A_8, %div3A_10 : vector<1000x1xf32>
    %add3A = arith.constant 9.99999974E-6 : f32
    %add3A_12 = vector.broadcast %add3A : f32 to vector<1000x1xf32>
    %add3A_13 = arith.addf %div3A_11, %add3A_12 : vector<1000x1xf32>
    %rsqrt3A = math.rsqrt %add3A_13 : vector<1000x1xf32>
    %mul3A_14 = vector.broadcast %rsqrt3A : vector<1000x1xf32> to vector<1000x128xf32>
    %mul3A_15 = arith.mulf %sub3A_5, %mul3A_14 : vector<1000x128xf32>
    %get3A_16 = arith.constant 0 : index
    %get3A_17 = arith.constant 0 : index
    %get3A_18 = vector.load %arg8[%get3A_16, %get3A_17] : memref<1x128xf32, #tpu.memory_space<vmem>>, vector<1x128xf32>
    %mul3A_19 = vector.broadcast %get3A_18 : vector<1x128xf32> to vector<1000x128xf32>
    %mul3A_20 = arith.mulf %mul3A_15, %mul3A_19 : vector<1000x128xf32>
    %get3A_21 = arith.constant 0 : index
    %get3A_22 = arith.constant 0 : index
    %get3A_23 = vector.load %arg9[%get3A_21, %get3A_22] : memref<1x128xf32, #tpu.memory_space<vmem>>, vector<1x128xf32>
    %add3A_24 = vector.broadcast %get3A_23 : vector<1x128xf32> to vector<1000x128xf32>
    %add3A_25 = arith.addf %mul3A_20, %add3A_24 : vector<1000x128xf32>
    %get3A_26 = arith.constant 0 : index
    %get3A_27 = arith.constant 0 : index
    %get3A_28 = vector.load %arg2[%get3A_26, %get3A_27] : memref<128x128xf32, #tpu.memory_space<vmem>>, vector<128x128xf32>
    %dot_general3A = arith.constant dense<0.000000e+00> : vector<1000x128xf32>
    %dot_general3A_29 = tpu.matmul %add3A_25, %get3A_28, %dot_general3A {dimension_numbers = #tpu.dot_dimension_numbers<[1], [0], [0], [1], [0, 0, 1, 1], [], []>, transpose_lhs_hint = false} : vector<1000x128xf32>, vector<128x128xf32>, vector<1000x128xf32> -> vector<1000x128xf32>
    %get3A_30 = arith.constant 0 : index
    %get3A_31 = arith.constant 0 : index
    %get3A_32 = vector.load %arg5[%get3A_30, %get3A_31] : memref<1x128xf32, #tpu.memory_space<vmem>>, vector<1x128xf32>
    %add3A_33 = vector.broadcast %get3A_32 : vector<1x128xf32> to vector<1000x128xf32>
    %add3A_34 = arith.addf %dot_general3A_29, %add3A_33 : vector<1000x128xf32>
    %swap3A = arith.constant 0 : index
    %swap3A_35 = arith.constant 0 : index
    %swap3A_36 = vector.load %arg10[%swap3A, %swap3A_35] : memref<1000x128xf32, #tpu.memory_space<vmem>>, vector<1000x128xf32>
    tpu.vector_store %arg10[%swap3A, %swap3A_35], %add3A_34 {strides = array<i32>} : memref<1000x128xf32, #tpu.memory_space<vmem>>, vector<1000x128xf32>,
    %get3A_37 = arith.constant 0 : index
    %get3A_38 = arith.constant 0 : index
    %get3A_39 = vector.load %arg3[%get3A_37, %get3A_38] : memref<128x128xf32, #tpu.memory_space<vmem>>, vector<128x128xf32>
    %dot_general3A_40 = arith.constant dense<0.000000e+00> : vector<1000x128xf32>
    %dot_general3A_41 = tpu.matmul %add3A_25, %get3A_39, %dot_general3A_40 {dimension_numbers = #tpu.dot_dimension_numbers<[1], [0], [0], [1], [0, 0, 1, 1], [], []>, transpose_lhs_hint = false} : vector<1000x128xf32>, vector<128x128xf32>, vector<1000x128xf32> -> vector<1000x128xf32>
    %get3A_42 = arith.constant 0 : index
    %get3A_43 = arith.constant 0 : index
    %get3A_44 = vector.load %arg6[%get3A_42, %get3A_43] : memref<1x128xf32, #tpu.memory_space<vmem>>, vector<1x128xf32>
    %add3A_45 = vector.broadcast %get3A_44 : vector<1x128xf32> to vector<1000x128xf32>
    %add3A_46 = arith.addf %dot_general3A_41, %add3A_45 : vector<1000x128xf32>
    %swap3A_47 = arith.constant 0 : index
    %swap3A_48 = arith.constant 0 : index
    %swap3A_49 = vector.load %arg11[%swap3A_47, %swap3A_48] : memref<1000x128xf32, #tpu.memory_space<vmem>>, vector<1000x128xf32>
    tpu.vector_store %arg11[%swap3A_47, %swap3A_48], %add3A_46 {strides = array<i32>} : memref<1000x128xf32, #tpu.memory_space<vmem>>, vector<1000x128xf32>,
    %get3A_50 = arith.constant 0 : index
    %get3A_51 = arith.constant 0 : index
    %get3A_52 = vector.load %arg4[%get3A_50, %get3A_51] : memref<128x128xf32, #tpu.memory_space<vmem>>, vector<128x128xf32>
    %dot_general3A_53 = arith.constant dense<0.000000e+00> : vector<1000x128xf32>
    %dot_general3A_54 = tpu.matmul %add3A_25, %get3A_52, %dot_general3A_53 {dimension_numbers = #tpu.dot_dimension_numbers<[1], [0], [0], [1], [0, 0, 1, 1], [], []>, transpose_lhs_hint = false} : vector<1000x128xf32>, vector<128x128xf32>, vector<1000x128xf32> -> vector<1000x128xf32>
    %get3A_55 = arith.constant 0 : index
    %get3A_56 = arith.constant 0 : index
    %get3A_57 = vector.load %arg7[%get3A_55, %get3A_56] : memref<1x128xf32, #tpu.memory_space<vmem>>, vector<1x128xf32>
    %add3A_58 = vector.broadcast %get3A_57 : vector<1x128xf32> to vector<1000x128xf32>
    %add3A_59 = arith.addf %dot_general3A_54, %add3A_58 : vector<1000x128xf32>
    %swap3A_60 = arith.constant 0 : index
    %swap3A_61 = arith.constant 0 : index
    %swap3A_62 = vector.load %arg12[%swap3A_60, %swap3A_61] : memref<1000x128xf32, #tpu.memory_space<vmem>>, vector<1000x128xf32>
    tpu.vector_store %arg12[%swap3A_60, %swap3A_61], %add3A_59 {strides = array<i32>} : memref<1000x128xf32, #tpu.memory_space<vmem>>, vector<1000x128xf32>,
    return
  }
  func.func @transform_0(%arg0: i32) -> (i32, i32) {
    %c0_i32 = arith.constant 0 : i32
    %c0_i32_0 = arith.constant 0 : i32
    return %arg0, %c0_i32 : i32, i32
  }
  func.func @transform_1(%arg0: i32) -> (i32, i32) {
    %c0_i32 = arith.constant 0 : i32
    %c0_i32_0 = arith.constant 0 : i32
    %c0_i32_1 = arith.constant 0 : i32
    return %c0_i32, %c0_i32_0 : i32, i32
  }
  func.func @transform_2(%arg0: i32) -> (i32, i32) {
    %c0_i32 = arith.constant 0 : i32
    %c0_i32_0 = arith.constant 0 : i32
    %c0_i32_1 = arith.constant 0 : i32
    return %c0_i32, %c0_i32_0 : i32, i32
  }
  func.func @transform_3(%arg0: i32) -> (i32, i32) {
    %c0_i32 = arith.constant 0 : i32
    %c0_i32_0 = arith.constant 0 : i32
    %c0_i32_1 = arith.constant 0 : i32
    return %c0_i32, %c0_i32_0 : i32, i32
  }
  func.func @transform_4(%arg0: i32) -> (i32, i32) {
    %c0_i32 = arith.constant 0 : i32
    %c0_i32_0 = arith.constant 0 : i32
    %c0_i32_1 = arith.constant 0 : i32
    return %c0_i32, %c0_i32_0 : i32, i32
  }
  func.func @transform_5(%arg0: i32) -> (i32, i32) {
    %c0_i32 = arith.constant 0 : i32
    %c0_i32_0 = arith.constant 0 : i32
    %c0_i32_1 = arith.constant 0 : i32
    return %c0_i32, %c0_i32_0 : i32, i32
  }
  func.func @transform_6(%arg0: i32) -> (i32, i32) {
    %c0_i32 = arith.constant 0 : i32
    %c0_i32_0 = arith.constant 0 : i32
    %c0_i32_1 = arith.constant 0 : i32
    return %c0_i32, %c0_i32_0 : i32, i32
  }
  func.func @transform_7(%arg0: i32) -> (i32, i32) {
    %c0_i32 = arith.constant 0 : i32
    %c0_i32_0 = arith.constant 0 : i32
    %c0_i32_1 = arith.constant 0 : i32
    return %c0_i32, %c0_i32_0 : i32, i32
  }
  func.func @transform_8(%arg0: i32) -> (i32, i32) {
    %c0_i32 = arith.constant 0 : i32
    %c0_i32_0 = arith.constant 0 : i32
    %c0_i32_1 = arith.constant 0 : i32
    return %c0_i32, %c0_i32_0 : i32, i32
  }
  func.func @transform_9(%arg0: i32) -> (i32, i32) {
    %c0_i32 = arith.constant 0 : i32
    %c0_i32_0 = arith.constant 0 : i32
    return %arg0, %c0_i32 : i32, i32
  }
  func.func @transform_10(%arg0: i32) -> (i32, i32) {
    %c0_i32 = arith.constant 0 : i32
    %c0_i32_0 = arith.constant 0 : i32
    return %arg0, %c0_i32 : i32, i32
  }
  func.func @transform_11(%arg0: i32) -> (i32, i32) {
    %c0_i32 = arith.constant 0 : i32
    %c0_i32_0 = arith.constant 0 : i32
    return %arg0, %c0_i32 : i32, i32
  }
}

module attributes {stable_mosaic.version = 14 : i64} {
  func.func @_post_body(%arg0: i32, %arg1: memref<1000x128xf32, #tpu.memory_space<vmem>>, %arg2: memref<2x1000x16xf32, #tpu.memory_space<vmem>>, %arg3: memref<2x1000x128xf32, #tpu.memory_space<vmem>>, %arg4: memref<128x128xf32, #tpu.memory_space<vmem>>, %arg5: memref<1x128xf32, #tpu.memory_space<vmem>>, %arg6: memref<1x128xf32, #tpu.memory_space<vmem>>, %arg7: memref<1x128xf32, #tpu.memory_space<vmem>>, %arg8: memref<128x512xf32, #tpu.memory_space<vmem>>, %arg9: memref<1x512xf32, #tpu.memory_space<vmem>>, %arg10: memref<512x128xf32, #tpu.memory_space<vmem>>, %arg11: memref<1x128xf32, #tpu.memory_space<vmem>>, %arg12: memref<2xf32, #tpu.memory_space<smem>>, %arg13: memref<1000x128xf32, #tpu.memory_space<vmem>>) attributes {dimension_semantics = [#tpu.dimension_semantics<arbitrary>], iteration_bounds = array<i64: 10>, scalar_prefetch = 0 : i64, scratch_operands = 0 : i64, tpu.core_type = #tpu.core_type<tc>, window_params = [{transform_indices = @transform_0, window_bounds = array<i64: 1000, 128>}, {transform_indices = @transform_1, window_bounds = array<i64: 2, 1000, 16>}, {transform_indices = @transform_2, window_bounds = array<i64: 2, 1000, 128>}, {pipeline_mode = #tpu.pipeline_mode<synchronous>, transform_indices = @transform_3, window_bounds = array<i64: 128, 128>}, {pipeline_mode = #tpu.pipeline_mode<synchronous>, transform_indices = @transform_4, window_bounds = array<i64: 1, 128>}, {pipeline_mode = #tpu.pipeline_mode<synchronous>, transform_indices = @transform_5, window_bounds = array<i64: 1, 128>}, {pipeline_mode = #tpu.pipeline_mode<synchronous>, transform_indices = @transform_6, window_bounds = array<i64: 1, 128>}, {pipeline_mode = #tpu.pipeline_mode<synchronous>, transform_indices = @transform_7, window_bounds = array<i64: 128, 512>}, {pipeline_mode = #tpu.pipeline_mode<synchronous>, transform_indices = @transform_8, window_bounds = array<i64: 1, 512>}, {pipeline_mode = #tpu.pipeline_mode<synchronous>, transform_indices = @transform_9, window_bounds = array<i64: 512, 128>}, {pipeline_mode = #tpu.pipeline_mode<synchronous>, transform_indices = @transform_10, window_bounds = array<i64: 1, 128>}, {transform_indices = @transform_11, window_bounds = array<i64: 2>}, {transform_indices = @transform_12, window_bounds = array<i64: 1000, 128>}]} {
    %get3A = arith.constant 0 : index
    %get3A_0 = arith.constant 0 : index
    %get3A_1 = arith.constant 0 : index
    %get3A_2 = vector.load %arg2[%get3A, %get3A_0, %get3A_1] : memref<2x1000x16xf32, #tpu.memory_space<vmem>>, vector<1x1000x16xf32>
    %get3A_3 = vector.shape_cast %get3A_2 : vector<1x1000x16xf32> to vector<1000x16xf32>
    %get3A_4 = arith.constant 1 : index
    %get3A_5 = arith.constant 0 : index
    %get3A_6 = arith.constant 0 : index
    %get3A_7 = vector.load %arg2[%get3A_4, %get3A_5, %get3A_6] : memref<2x1000x16xf32, #tpu.memory_space<vmem>>, vector<1x1000x16xf32>
    %get3A_8 = vector.shape_cast %get3A_7 : vector<1x1000x16xf32> to vector<1000x16xf32>
    %add3A = arith.addf %get3A_3, %get3A_8 : vector<1000x16xf32>
    %get3A_9 = arith.constant 0 : index
    %get3A_10 = arith.constant 0 : index
    %get3A_11 = arith.constant 0 : index
    %get3A_12 = vector.load %arg3[%get3A_9, %get3A_10, %get3A_11] : memref<2x1000x128xf32, #tpu.memory_space<vmem>>, vector<1x1000x128xf32>
    %get3A_13 = vector.shape_cast %get3A_12 : vector<1x1000x128xf32> to vector<1000x128xf32>
    %get3A_14 = arith.constant 1 : index
    %get3A_15 = arith.constant 0 : index
    %get3A_16 = arith.constant 0 : index
    %get3A_17 = vector.load %arg3[%get3A_14, %get3A_15, %get3A_16] : memref<2x1000x128xf32, #tpu.memory_space<vmem>>, vector<1x1000x128xf32>
    %get3A_18 = vector.shape_cast %get3A_17 : vector<1x1000x128xf32> to vector<1000x128xf32>
    %add3A_19 = arith.addf %get3A_13, %get3A_18 : vector<1000x128xf32>
    %max3A = arith.constant 9.99999996E-13 : f32
    %max3A_20 = vector.broadcast %max3A : f32 to vector<1000x16xf32>
    %max3A_21 = arith.maximumf %add3A, %max3A_20 : vector<1000x16xf32>
    %div3A = arith.constant 1.000000e+00 : f32
    %div3A_22 = vector.broadcast %div3A : f32 to vector<1000x16xf32>
    %div3A_23 = arith.divf %div3A_22, %max3A_21 : vector<1000x16xf32>
    %tile3A = tpu.concatenate %div3A_23, %div3A_23, %div3A_23, %div3A_23, %div3A_23, %div3A_23, %div3A_23, %div3A_23 in 1 : vector<1000x16xf32>, vector<1000x16xf32>, vector<1000x16xf32>, vector<1000x16xf32>, vector<1000x16xf32>, vector<1000x16xf32>, vector<1000x16xf32>, vector<1000x16xf32> -> vector<1000x128xf32>
    %mul3A = arith.mulf %add3A_19, %tile3A : vector<1000x128xf32>
    %get3A_24 = arith.constant 0 : index
    %get3A_25 = arith.constant 0 : index
    %get3A_26 = vector.load %arg4[%get3A_24, %get3A_25] : memref<128x128xf32, #tpu.memory_space<vmem>>, vector<128x128xf32>
    %dot_general3A = arith.constant dense<0.000000e+00> : vector<1000x128xf32>
    %dot_general3A_27 = tpu.matmul %mul3A, %get3A_26, %dot_general3A {dimension_numbers = #tpu.dot_dimension_numbers<[1], [0], [0], [1], [0, 0, 1, 1], [], []>, transpose_lhs_hint = false} : vector<1000x128xf32>, vector<128x128xf32>, vector<1000x128xf32> -> vector<1000x128xf32>
    %get3A_28 = arith.constant 0 : index
    %get3A_29 = arith.constant 0 : index
    %get3A_30 = vector.load %arg5[%get3A_28, %get3A_29] : memref<1x128xf32, #tpu.memory_space<vmem>>, vector<1x128xf32>
    %add3A_31 = vector.broadcast %get3A_30 : vector<1x128xf32> to vector<1000x128xf32>
    %add3A_32 = arith.addf %dot_general3A_27, %add3A_31 : vector<1000x128xf32>
    %get3A_33 = arith.constant 0 : index
    %get3A_34 = arith.constant 0 : index
    %get3A_35 = vector.load %arg1[%get3A_33, %get3A_34] : memref<1000x128xf32, #tpu.memory_space<vmem>>, vector<1000x128xf32>
    %get3A_36 = arith.constant 0 : index
    %get3A_37 = memref.load %arg12[%get3A_36] : memref<2xf32, #tpu.memory_space<smem>>
    %mul3A_38 = vector.broadcast %get3A_37 : f32 to vector<1000x128xf32>
    %mul3A_39 = arith.mulf %mul3A_38, %add3A_32 : vector<1000x128xf32>
    %add3A_40 = arith.addf %get3A_35, %mul3A_39 : vector<1000x128xf32>
    %reduce_sum3A = arith.constant dense<0.000000e+00> : vector<1000xf32>
    %reduce_sum3A_41 = vector.multi_reduction <add>, %add3A_40, %reduce_sum3A [1] : vector<1000x128xf32> to vector<1000xf32>
    %broadcast_in_dim3A = vector.shape_cast %reduce_sum3A_41 : vector<1000xf32> to vector<1000x1xf32>
    %div3A_42 = arith.constant 1.280000e+02 : f32
    %div3A_43 = vector.broadcast %div3A_42 : f32 to vector<1000x1xf32>
    %div3A_44 = arith.divf %broadcast_in_dim3A, %div3A_43 : vector<1000x1xf32>
    %sub3A = vector.broadcast %div3A_44 : vector<1000x1xf32> to vector<1000x128xf32>
    %sub3A_45 = arith.subf %add3A_40, %sub3A : vector<1000x128xf32>
    %mul3A_46 = arith.mulf %sub3A_45, %sub3A_45 : vector<1000x128xf32>
    %reduce_sum3A_47 = arith.constant dense<0.000000e+00> : vector<1000xf32>
    %reduce_sum3A_48 = vector.multi_reduction <add>, %mul3A_46, %reduce_sum3A_47 [1] : vector<1000x128xf32> to vector<1000xf32>
    %broadcast_in_dim3A_49 = vector.shape_cast %reduce_sum3A_48 : vector<1000xf32> to vector<1000x1xf32>
    %div3A_50 = arith.constant 1.280000e+02 : f32
    %div3A_51 = vector.broadcast %div3A_50 : f32 to vector<1000x1xf32>
    %div3A_52 = arith.divf %broadcast_in_dim3A_49, %div3A_51 : vector<1000x1xf32>
    %add3A_53 = arith.constant 9.99999974E-6 : f32
    %add3A_54 = vector.broadcast %add3A_53 : f32 to vector<1000x1xf32>
    %add3A_55 = arith.addf %div3A_52, %add3A_54 : vector<1000x1xf32>
    %rsqrt3A = math.rsqrt %add3A_55 : vector<1000x1xf32>
    %mul3A_56 = vector.broadcast %rsqrt3A : vector<1000x1xf32> to vector<1000x128xf32>
    %mul3A_57 = arith.mulf %sub3A_45, %mul3A_56 : vector<1000x128xf32>
    %get3A_58 = arith.constant 0 : index
    %get3A_59 = arith.constant 0 : index
    %get3A_60 = vector.load %arg6[%get3A_58, %get3A_59] : memref<1x128xf32, #tpu.memory_space<vmem>>, vector<1x128xf32>
    %mul3A_61 = vector.broadcast %get3A_60 : vector<1x128xf32> to vector<1000x128xf32>
    %mul3A_62 = arith.mulf %mul3A_57, %mul3A_61 : vector<1000x128xf32>
    %get3A_63 = arith.constant 0 : index
    %get3A_64 = arith.constant 0 : index
    %get3A_65 = vector.load %arg7[%get3A_63, %get3A_64] : memref<1x128xf32, #tpu.memory_space<vmem>>, vector<1x128xf32>
    %add3A_66 = vector.broadcast %get3A_65 : vector<1x128xf32> to vector<1000x128xf32>
    %add3A_67 = arith.addf %mul3A_62, %add3A_66 : vector<1000x128xf32>
    %get3A_68 = arith.constant 0 : index
    %get3A_69 = arith.constant 0 : index
    %get3A_70 = vector.load %arg8[%get3A_68, %get3A_69] : memref<128x512xf32, #tpu.memory_space<vmem>>, vector<128x512xf32>
    %dot_general3A_71 = arith.constant dense<0.000000e+00> : vector<1000x512xf32>
    %dot_general3A_72 = tpu.matmul %add3A_67, %get3A_70, %dot_general3A_71 {dimension_numbers = #tpu.dot_dimension_numbers<[1], [0], [0], [1], [0, 0, 1, 1], [], []>, transpose_lhs_hint = false} : vector<1000x128xf32>, vector<128x512xf32>, vector<1000x512xf32> -> vector<1000x512xf32>
    %get3A_73 = arith.constant 0 : index
    %get3A_74 = arith.constant 0 : index
    %get3A_75 = vector.load %arg9[%get3A_73, %get3A_74] : memref<1x512xf32, #tpu.memory_space<vmem>>, vector<1x512xf32>
    %add3A_76 = vector.broadcast %get3A_75 : vector<1x512xf32> to vector<1000x512xf32>
    %add3A_77 = arith.addf %dot_general3A_72, %add3A_76 : vector<1000x512xf32>
    %mul3A_78 = arith.constant 5.000000e-01 : f32
    %mul3A_79 = vector.broadcast %mul3A_78 : f32 to vector<1000x512xf32>
    %mul3A_80 = arith.mulf %mul3A_79, %add3A_77 : vector<1000x512xf32>
    %mul3A_81 = arith.constant 0.707106769 : f32
    %mul3A_82 = vector.broadcast %mul3A_81 : f32 to vector<1000x512xf32>
    %mul3A_83 = arith.mulf %add3A_77, %mul3A_82 : vector<1000x512xf32>
    %erf3A = math.erf %mul3A_83 : vector<1000x512xf32>
    %add3A_84 = arith.constant 1.000000e+00 : f32
    %add3A_85 = vector.broadcast %add3A_84 : f32 to vector<1000x512xf32>
    %add3A_86 = arith.addf %add3A_85, %erf3A : vector<1000x512xf32>
    %mul3A_87 = arith.mulf %mul3A_80, %add3A_86 : vector<1000x512xf32>
    %get3A_88 = arith.constant 0 : index
    %get3A_89 = arith.constant 0 : index
    %get3A_90 = vector.load %arg10[%get3A_88, %get3A_89] : memref<512x128xf32, #tpu.memory_space<vmem>>, vector<512x128xf32>
    %dot_general3A_91 = arith.constant dense<0.000000e+00> : vector<1000x128xf32>
    %dot_general3A_92 = tpu.matmul %mul3A_87, %get3A_90, %dot_general3A_91 {dimension_numbers = #tpu.dot_dimension_numbers<[1], [0], [0], [1], [0, 0, 1, 1], [], []>, transpose_lhs_hint = false} : vector<1000x512xf32>, vector<512x128xf32>, vector<1000x128xf32> -> vector<1000x128xf32>
    %get3A_93 = arith.constant 0 : index
    %get3A_94 = arith.constant 0 : index
    %get3A_95 = vector.load %arg11[%get3A_93, %get3A_94] : memref<1x128xf32, #tpu.memory_space<vmem>>, vector<1x128xf32>
    %add3A_96 = vector.broadcast %get3A_95 : vector<1x128xf32> to vector<1000x128xf32>
    %add3A_97 = arith.addf %dot_general3A_92, %add3A_96 : vector<1000x128xf32>
    %get3A_98 = arith.constant 1 : index
    %get3A_99 = memref.load %arg12[%get3A_98] : memref<2xf32, #tpu.memory_space<smem>>
    %mul3A_100 = vector.broadcast %get3A_99 : f32 to vector<1000x128xf32>
    %mul3A_101 = arith.mulf %mul3A_100, %add3A_97 : vector<1000x128xf32>
    %add3A_102 = arith.addf %add3A_40, %mul3A_101 : vector<1000x128xf32>
    %swap3A = arith.constant 0 : index
    %swap3A_103 = arith.constant 0 : index
    %swap3A_104 = vector.load %arg13[%swap3A, %swap3A_103] : memref<1000x128xf32, #tpu.memory_space<vmem>>, vector<1000x128xf32>
    tpu.vector_store %arg13[%swap3A, %swap3A_103], %add3A_102 {strides = array<i32>} : memref<1000x128xf32, #tpu.memory_space<vmem>>, vector<1000x128xf32>,
    return
  }
  func.func @transform_0(%arg0: i32) -> (i32, i32) {
    %c0_i32 = arith.constant 0 : i32
    %c0_i32_0 = arith.constant 0 : i32
    return %arg0, %c0_i32 : i32, i32
  }
  func.func @transform_1(%arg0: i32) -> (i32, i32, i32) {
    %c0_i32 = arith.constant 0 : i32
    %c0_i32_0 = arith.constant 0 : i32
    %c0_i32_1 = arith.constant 0 : i32
    return %c0_i32, %arg0, %c0_i32_0 : i32, i32, i32
  }
  func.func @transform_2(%arg0: i32) -> (i32, i32, i32) {
    %c0_i32 = arith.constant 0 : i32
    %c0_i32_0 = arith.constant 0 : i32
    %c0_i32_1 = arith.constant 0 : i32
    return %c0_i32, %arg0, %c0_i32_0 : i32, i32, i32
  }
  func.func @transform_3(%arg0: i32) -> (i32, i32) {
    %c0_i32 = arith.constant 0 : i32
    %c0_i32_0 = arith.constant 0 : i32
    %c0_i32_1 = arith.constant 0 : i32
    return %c0_i32, %c0_i32_0 : i32, i32
  }
  func.func @transform_4(%arg0: i32) -> (i32, i32) {
    %c0_i32 = arith.constant 0 : i32
    %c0_i32_0 = arith.constant 0 : i32
    %c0_i32_1 = arith.constant 0 : i32
    return %c0_i32, %c0_i32_0 : i32, i32
  }
  func.func @transform_5(%arg0: i32) -> (i32, i32) {
    %c0_i32 = arith.constant 0 : i32
    %c0_i32_0 = arith.constant 0 : i32
    %c0_i32_1 = arith.constant 0 : i32
    return %c0_i32, %c0_i32_0 : i32, i32
  }
  func.func @transform_6(%arg0: i32) -> (i32, i32) {
    %c0_i32 = arith.constant 0 : i32
    %c0_i32_0 = arith.constant 0 : i32
    %c0_i32_1 = arith.constant 0 : i32
    return %c0_i32, %c0_i32_0 : i32, i32
  }
  func.func @transform_7(%arg0: i32) -> (i32, i32) {
    %c0_i32 = arith.constant 0 : i32
    %c0_i32_0 = arith.constant 0 : i32
    %c0_i32_1 = arith.constant 0 : i32
    return %c0_i32, %c0_i32_0 : i32, i32
  }
  func.func @transform_8(%arg0: i32) -> (i32, i32) {
    %c0_i32 = arith.constant 0 : i32
    %c0_i32_0 = arith.constant 0 : i32
    %c0_i32_1 = arith.constant 0 : i32
    return %c0_i32, %c0_i32_0 : i32, i32
  }
  func.func @transform_9(%arg0: i32) -> (i32, i32) {
    %c0_i32 = arith.constant 0 : i32
    %c0_i32_0 = arith.constant 0 : i32
    %c0_i32_1 = arith.constant 0 : i32
    return %c0_i32, %c0_i32_0 : i32, i32
  }
  func.func @transform_10(%arg0: i32) -> (i32, i32) {
    %c0_i32 = arith.constant 0 : i32
    %c0_i32_0 = arith.constant 0 : i32
    %c0_i32_1 = arith.constant 0 : i32
    return %c0_i32, %c0_i32_0 : i32, i32
  }
  func.func @transform_11(%arg0: i32) -> i32 {
    %c0_i32 = arith.constant 0 : i32
    %c0_i32_0 = arith.constant 0 : i32
    return %c0_i32 : i32
  }
  func.func @transform_12(%arg0: i32) -> (i32, i32) {
    %c0_i32 = arith.constant 0 : i32
    %c0_i32_0 = arith.constant 0 : i32
    return %arg0, %c0_i32 : i32, i32
  }
}

</mosaic_0001>

<sc_bundles>
// kernel: kernel.6.cloned.1.call-start
scs
__scs_entry_jumppad:
0x0: {  	(pc) =	sbr.rel $0x88, $3  }
0x1: {  	(tag) =	ssettag $0x0;
	lr =	simm.s32 $0x1  }
0x2: {  	[smem:$0x3F89] =	sst lr;
	_ =	strace $0xD0000000  }
0x3: {  	_ = 	snop  }
0x4: {  	_ = 	snop  }
0x5: {  	_ = 	snop  }
0x6: {  	_ = 	snop  }
0x7: {  	_ = 	snop  }
__scs_overlays_trampoline_lowered:
0x8: {  	[smem:$0x3F98] =	sst s0  }
0x9: {  	[smem:$0x3F99] =	sst s1  }
0xa: {  	[smem:$0x3F9A] =	sst s2  }
0xb: {  	[smem:$0x3F9B] =	sst s3  }
0xc: {  	[smem:$0x3F9C] =	sst s4  }
0xd: {  	[smem:$0x3F9D] =	sst s5  }
0xe: {  	[smem:$0x3F9E] =	sst s6  }
0xf: {  	[smem:$0x3F9F] =	sst s7  }
0x10: {  	[smem:$0x3FA0] =	sst s8  }
0x11: {  	[smem:$0x3FA1] =	sst s9;
	s0 =	simm.s32 @!p0 $0x0  }
0x12: {  	s1 =	sld [smem:$0x3F87];
	s0 =	simm.s32 @p0 $0x1  }
0x13: {  	[smem:$0x3FA2] =	sst s0;
	s0 =	simm.s32 @!p1 $0x0  }
0x14: {  	s2 =	sld [smem:$0x3F86];
	s0 =	simm.s32 @p1 $0x1  }
0x15: {  	[smem:$0x3FA3] =	sst s0;
	s0 =	simm.s32 @!p2 $0x0  }
0x16: {  	s3 =	sld [smem:$0x3FDB];
	s0 =	simm.s32 @p2 $0x1  }
0x17: {  	s4 =	simm.s32 $0x1BF5;
	[smem:$0x3FA5] =	sst s0  }
0x18: {  	s0 =	sld [smem:$0x3F88];
	_ =	swait.ge [sflag:s4], $0x0  }
0x19: {  	s7 =	sld [smem:$0x3F89]  }
0x1a: {  	s8 =	sadd.s32 $0xFFFFE003, lr  }
0x1b: {  	s9 =	sadd.s32 $0xFFFFFEF7, lr;
	s5 =	simm.s32 $0xFFFFFFFF;
	p2 =	slt.u32 s8, $0xFFFFF086  }
0x1c: {  	p1 =	slt.u32 s9, $0xF7A;
	s5 =	simm.s32 @!p2 $0x0  }
0x1d: {  	s5 =	simm.s32 @p1 $0x1;
	p0 =	seq.s32 s7, s2  }
0x1e: {  	s7 =	smul.u32 @!p0 $0xF7A, s2;
	p2 =	seq.s32 @!p0 s5, $0x0  }
0x1f: {  	s9 =	smul.u32 $0xF7A, s1;
	s8 =	simm.s32 @!p0 $0x1BF5;
	p2 =	por !p2, p0  }
0x20: {  	[sflag:s8] =	ssyncset.s32 @!p0 $0xFFFFF086;
	s6 =	sadd.s32 @!p0 s3, s7;
	s7 =	simm.s32 @!p0 $0x108  }
0x21: {  	s3 =	sadd.s32 s3, s9;
	s6 =	sadd.s32 @!p0 $0x88, s6;
	s7 =	simm.s32 @p2 $0x1082  }
0x22: {  	[simem:s7], [sflag:s8] =	dma.local @!p0 [hbm:s6], $0xF7A  }
0x23: {  	s9 =	sor.u32 $0xD0000000, s2;
	s6 =	simm.s32 $0x108;
	_ =	swait.ge @!p0 [sflag:s8], $0x0  }
0x24: {  	s3 =	sadd.s32 $0x88, s3;
	s6 =	simm.s32 @!p1 $0x1082;
	[sflag:s4] =	ssyncset.s32 $0xFFFFF086  }
0x25: {  	[simem:s6], [sflag:s4] =	dma.local [hbm:s3], $0xF7A  }
0x26: {  	[smem:$0x3F89] =	sst s1;
	(tag) =	ssettag s2;
	_ =	strace s9  }
0x27: {  	s1 =	sld [smem:$0x3F99]  }
0x28: {  	s2 =	sld [smem:$0x3F9A]  }
0x29: {  	s4 =	sld [smem:$0x3F9C]  }
0x2a: {  	p0 =	seq.s32 s5, $0x0;
	s5 =	sld [smem:$0x3F9D]  }
0x2b: {  	s6 =	sld [smem:$0x3F9E]  }
0x2c: {  	s7 =	sld [smem:$0x3F9F]  }
0x2d: {  	s3 =	simm.s32 $0x108;
	s8 =	sld [smem:$0x3FA0]  }
0x2e: {  	s3 =	simm.s32 @!p0 $0x1082;
	s9 =	sld [smem:$0x3FA1]  }
0x2f: {  	lr =	sadd.s32 s0, s3;
	s0 =	sld [smem:$0x3F98]  }
0x30: {  	s3 =	sld [smem:$0x3F9B]  }
0x31: {  	[smem:$0x3FA4] =	sst s10  }
0x32: {  	s10 =	sld [smem:$0x3FA2];
	_ =	sdelay $0x3  }
0x33: {  	p0 =	seq.s32 s10, $0x1;
	s10 =	sld [smem:$0x3FA4];
	_ =	sdelay $0x3  }
0x34: {  	[smem:$0x3FA4] =	sst s10  }
0x35: {  	s10 =	sld [smem:$0x3FA3];
	_ =	sdelay $0x3  }
0x36: {  	p1 =	seq.s32 s10, $0x1;
	s10 =	sld [smem:$0x3FA4];
	_ =	sdelay $0x3  }
0x37: {  	[smem:$0x3FA4] =	sst s10  }
0x38: {  	s10 =	sld [smem:$0x3FA5]  }
0x39: {  	_ = 	snop;
	(pc) =	sbr.ind lr, $3  }
0x3a: {  	_ = 	snop  }
0x3b: {  	_ = 	snop  }
0x3c: {  	p2 =	seq.s32 s10, $0x1;
	s10 =	sld [smem:$0x3FA4]  }
0x3d: {  	_ =	shalt  }
0x3e: {  	_ =	shalt  }
0x3f: {  	_ =	shalt  }
0x40: {  	_ =	shalt  }
0x41: {  	_ =	shalt  }
0x42: {  	_ =	shalt  }
0x43: {  	_ =	shalt  }
0x44: {  	_ =	shalt  }
0x45: {  	_ =	shalt  }
0x46: {  	_ =	shalt  }
0x47: {  	_ =	shalt  }
0x48: {  	_ =	shalt  }
0x49: {  	_ =	shalt  }
0x4a: {  	_ =	shalt  }
0x4b: {  	_ =	shalt  }
0x4c: {  	_ =	shalt  }
0x4d: {  	_ =	shalt  }
0x4e: {  	_ =	shalt  }
0x4f: {  	_ =	shalt  }
0x50: {  	_ =	shalt  }
0x51: {  	_ =	shalt  }
0x52: {  	_ =	shalt  }
0x53: {  	_ =	shalt  }
0x54: {  	_ =	shalt  }
0x55: {  	_ =	shalt  }
0x56: {  	_ =	shalt  }
0x57: {  	_ =	shalt  }
0x58: {  	_ =	shalt  }
0x59: {  	_ =	shalt  }
0x5a: {  	_ =	shalt  }
0x5b: {  	_ =	shalt  }
0x5c: {  	_ =	shalt  }
0x5d: {  	_ =	shalt  }
0x5e: {  	_ =	shalt  }
0x5f: {  	_ =	shalt  }
0x60: {  	_ =	shalt  }
0x61: {  	_ =	shalt  }
0x62: {  	_ =	shalt  }
0x63: {  	_ =	shalt  }
0x64: {  	_ =	shalt  }
0x65: {  	_ =	shalt  }
0x66: {  	_ =	shalt  }
0x67: {  	_ =	shalt  }
0x68: {  	_ =	shalt  }
0x69: {  	_ =	shalt  }
0x6a: {  	_ =	shalt  }
0x6b: {  	_ =	shalt  }
0x6c: {  	_ =	shalt  }
0x6d: {  	_ =	shalt  }
0x6e: {  	_ =	shalt  }
0x6f: {  	_ =	shalt  }
0x70: {  	_ =	shalt  }
0x71: {  	_ =	shalt  }
0x72: {  	_ =	shalt  }
0x73: {  	_ =	shalt  }
0x74: {  	_ =	shalt  }
0x75: {  	_ =	shalt  }
0x76: {  	_ =	shalt  }
0x77: {  	_ =	shalt  }
0x78: {  	_ =	shalt  }
0x79: {  	_ =	shalt  }
0x7a: {  	_ =	shalt  }
0x7b: {  	_ =	shalt  }
0x7c: {  	_ =	shalt  }
0x7d: {  	_ =	shalt  }
0x7e: {  	_ =	shalt  }
0x7f: {  	_ =	shalt  }
0x80: {  	_ =	shalt  }
0x81: {  	_ =	shalt  }
0x82: {  	_ =	shalt  }
0x83: {  	_ =	shalt  }
0x84: {  	_ =	shalt  }
0x85: {  	_ =	shalt  }
0x86: {  	_ =	shalt  }
0x87: {  	_ =	shalt  }
.Lfunc_end0:
.L_simem_size_0:
called_computation_lowered:
.L_overlay_start_0:
0x88: {  	s2 =	sld [smem:$0x3FD9]  }
0x89: {  	s3 =	sld [smem:$0x3FFE];
	_ =	sdelay $0x1  }
0x8a: {  	s1 =	srdreg.scid  }
0x8b: {  	s0 =	sand.u32 $0x1, s1  }
0x8c: {  	s17 =	sshll.u32 s0, $0xA;
	s2 =	sadd.s32 s3, s2  }
0x8d: {  	s2 =	sadd.s32 s2, s17  }
0x8e: {  	[smem:$0x3FB0] =	sst s2  }
0x8f: {  	_ = 	snop  }
0x90: {  	s2 =	sld [smem:$0x3FC6]  }
0x91: {  	s18 =	sld [smem:$0x3FD0];
	(tm) =	ssettm $0x1  }
0x92: {  	s4 =	sld [smem:$0x3FFB];
	_ =	sdelay $0x3  }
0x93: {  	_ =	strace s4  }
0x94: {  	s4 =	sld [smem:$0x3FFC];
	_ =	sdelay $0x3  }
0x95: {  	_ =	strace s4  }
0x96: {  	s4 =	sld [smem:$0x3FFD];
	_ =	sdelay $0x3  }
0x97: {  	_ =	strace s4  }
0x98: {  	_ =	strace $0x8FFFFFFF  }
0x99: {  	s19 =	sld [smem:$0x3FDB];
	_ =	sdelay $0x1  }
0x9a: {  	s5 =	simm.s32 $_scs_section_size  }
0x9b: {  	s6 =	simm.s32 $_size__tile_overlayer_lowered;
	s7 =	simm.s32 $_tile_overlayer_lowered  }
0x9c: {  	s22 =	simm.s32 $0x1BFF;
	s21 =	sshll.u32 s7, $0x1;
	s4 =	sadd.s32 s5, s19  }
0x9d: {  	s8 =	simm.s32 $0x0;
	s20 =	sshll.u32 s6, $0x1;
	s6 =	sadd.s32 s21, s4  }
0x9e: {  	[timem:s8], [sflag:s22] =	dma.local [hbm:s6], s20  }
0x9f: {  	_ =	swait.ge [sflag:s22], s20  }
0xa0: {  	s5 =	ssub.s32 $0x0, s20;
	[sflag:s22] =	ssyncset.done $0x0  }
0xa1: {  	[sflag:s22] =	ssyncadd.s32 s5;
	_ =	sdelay $0x1  }
0xa2: {  	s23 =	simm.s32 $0x1B8B  }
0xa3: {  	_ =	swait.ge [sflag:s23], $0x1  }
0xa4: {  	[sflag:s23] =	ssyncset.done $0x0  }
0xa5: {  	s25 =	simm.s32 $0x1B8E;
	s24 =	sld [smem:$0x3FFE];
	[sflag:s23] =	ssyncadd.s32 $0xFFFFFFFF  }
0xa6: {  	s26 =	simm.s32 $execute0_lowered;
	[smem:$0x3FD2] =	sst s25  }
0xa7: {  	s6 =	sshll.u32 s26, $0x1;
	_ =	strace $0x80000046;
	[dreg:$0x1] =	wrdreg $0xFFFFFFFF  }
0xa8: {  	s28 =	simm.s32 $_size_execute0_lowered;
	s4 =	sadd.s32 s4, s6;
	[dreg:$0x0] =	wrdreg $0x0  }
0xa9: {  	s6 =	sshll.u32 s28, $0x1;
	[dreg:$0x2] =	wrdreg s4  }
0xaa: {  	[dreg:$0x3] =	wrdreg s6  }
0xab: {  	[dreg:$0x4] =	wrdreg $0xC0  }
0xac: {  	_ =	task [dreg:s8], $0x5FFFF  }
0xad: {  	[dreg:$0x1] =	wrdreg $0xFFFFFFFF  }
0xae: {  	[dreg:$0x0] =	wrdreg $0x60  }
0xaf: {  	[dreg:$0x2] =	wrdreg s18  }
0xb0: {  	[dreg:$0x3] =	wrdreg s24  }
0xb1: {  	[dreg:$0x4] =	wrdreg s2  }
0xb2: {  	[dreg:$0x5] =	wrdreg $0x8C800  }
0xb3: {  	[dreg:$0x6] =	wrdreg $0xB4800  }
0xb4: {  	[dreg:$0x7] =	wrdreg $0x9  }
0xb5: {  	_ =	task.clear_ibuf [dreg:s8], $0x8FFFF;
	_ =	strace $0x90000046  }
0xb6: {  	s29 =	simm.s32 $0x9;
	_ =	strace $0x80000048  }
0xb7: {  	_ =	swait.ge [sflag:s29], $0x1  }
0xb8: {  	[sflag:s29] =	ssyncadd.s32 $0xFFFFFFFF  }
0xb9: {  	_ =	strace $0x90000048  }
0xba: {  	_ =	sfence  }
0xbb: {  	s30 =	sld [smem:$0x0];
	_ =	sdelay $0x2  }
0xbc: {  	s31 =	sshll.u32 s1, $0xD;
	s1 =	sshrl.u32 s1, $0x2  }
0xbd: {  	s3 =	sand.u32 $0x4000, s31;
	s1 =	sadd.s32 s1, s30  }
0xbe: {  	s0 =	sor.u32 s3, s0;
	s1 =	sshll.u32 s1, $0x11  }
0xbf: {  	s0 =	sor.u32 s1, s0  }
0xc0: {  	s0 =	sadd.s32 $0x8F2B, s0  }
0xc1: {  	[sflag:s0] =	ssyncadd.remote.s32 $0x1  }
0xc2: {  	_ =	sfence.sel $0xFFFF  }
0xc3: {  	[dreg:$0x0] =	wrdreg $0xFFFFFFFF;
	(pc) =	sbr.abs _section_cstart, $3  }
0xc4: {  	[dreg:$0x1] =	wrdreg $0xFFFFFFFF  }
0xc5: {  	_ =	task.clear_ibuf [dreg:s8], $0x2FFFF;
	_ =	strace $0x9FFFFFFF  }
0xc6: {  	(tm) =	ssettm $0x7FFFFFFF  }
0xc7: {  	_ =	shalt  }
tec
execute0_lowered:
.L_overlay_start_1:
0x0: {  	(tag) =	ssettag $0x1  }
0x1: {  	s0 =	rddreg [dreg:$0x1]  }
0x2: {  	s18 =	rddreg [dreg:$0x2]  }
0x3: {  	s16 =	rddreg [dreg:$0x3]  }
0x4: {  	s19 =	rddreg [dreg:$0x4];
	s5 =	simm.s32 $0x0;
	s1 =	srdreg.scid  }
0x5: {  	s10 =	stileid.u32;
	s30 =	simm.s32 $0x3;
	s29 =	simm.s32 $0xB80  }
0x6: {  	s28 =	simm.s32 $0x8;
	[smem:$0x7FF] =	sst s5;
	s1 =	sand.u32 $0x1, s1  }
0x7: {  	s6 =	sadd.s32 $0x64800, s0;
	s7 =	sadd.s32 $0x8BA00, s0;
	s8 =	sadd.s32 $0xC800, s0  }
0x8: {  	s9 =	sadd.s32 $0x2A00, s0;
	s3 =	sadd.s32 $0x16600, s0;
	s4 =	sadd.s32 $0xB2C00, s0  }
0x9: {  	s13 =	sshll.u32 s10, $0x1;
	s14 =	smul.u32 $0x4E000, s10;
	s21 =	sshll.u32 s10, $0x6  }
0xa: {  	s22 =	smul.u32 $0xA000, s10;
	s24 =	sshll.u32 s10, $0x9;
	p0 =	sne.s32 s10, $0x0  }
0xb: {  	p1 =	slt.u32 s10, $0x8;
	s10 =	simm.s32 $0x6C80;
	_ =	strace $0x80000047  }
0xc: {  	s2 =	smul.u32 $0x5000, s1;
	[dreg:$0x6] =	wrdreg s4;
	s11 =	ssub.s32 $0x2, s1  }
0xd: {  	s17 =	smul.u32 $0x27100, s1;
	s1 =	sor.u32 s1, s13;
	s12 =	sshrl.u32 s11, $0x1  }
0xe: {  	s20 =	sshrl.u32 s14, $0x2;
	s23 =	sshll.u32 s1, $0x5;
	s13 =	sshrl.u32 s22, $0x2  }
0xf: {  	s2 =	sadd.s32 s2, s0;
	s0 =	sadd.s32 s17, s0;
	s4 =	ssub.s32 s11, s12  }
0x10: {  	s11 =	sadd.s32 s20, s19;
	s12 =	sor.u32 $0x1C0B, s21;
	s15 =	sor.u32 $0x4E000, s23  }
0x11: {  	s13 =	sadd.s32 s13, s16;
	s14 =	sor.u32 s24, s23;
	s17 =	sshll.u32 s1, $0x2  }
0x12: {  	s24 =	sor.u32 $0x40, s1;
	[dreg:$0x7] =	wrdreg s12;
	s25 =	sshll.u32 s15, $0x3  }
0x13: {  	s14 =	sand.u32 $0x1C60, s14;
	s26 =	sadd.s32 s8, s17;
	s31 =	sand.u32 $0xC, s17  }
0x14: {  	s16 =	sadd.s32 s9, s17;
	s17 =	sadd.s32 s18, s17;
	[dreg:$0x13] =	wrdreg s24  }
0x15: {  	s20 =	sshrl.u32 s15, $0x3;
	s2 =	sadd.s32 $0xB5400, s2;
	[dreg:$0x8] =	wrdreg s26  }
0x16: {  	s0 =	sadd.s32 $0xBF400, s0;
	s15 =	simm.s32 $0x7C80;
	[dreg:$0xb] =	wrdreg s16  }
0x17: {  	s12 =	sor.u32 s23, s25;
	s14 =	sshrl.u32 s14, $0x3;
	[dreg:$0xc] =	wrdreg s17  }
0x18: {  	s21 =	sadd.s32 s8, s20;
	s22 =	sadd.s32 s9, s20;
	[dreg:$0x10] =	wrdreg s2  }
0x19: {  	[dreg:$0x11] =	wrdreg s0;
	s23 =	smax.u32 s4, $0x1;
	s25 =	sor.u32 $0x20, s1  }
0x1a: {  	s26 =	sshrl.u32 s11, $0x3;
	s0 =	sadd.s32 $0x138000, s19;
	[dreg:$0xd] =	wrdreg s21  }
0x1b: {  	s19 =	simm.s32 $0x20;
	s16 =	simm.s32 $0x7;
	[dreg:$0xe] =	wrdreg s22  }
0x1c: {  	s17 =	simm.s32 $0x2;
	s11 =	simm.s32 $0xB00;
	[dreg:$0x12] =	wrdreg s23  }
0x1d: {  	s2 =	simm.s32 $0x0;
	s12 =	sand.u32 $0x7FFFFC60, s12;
	[dreg:$0x14] =	wrdreg s25  }
0x1e: {  	s14 =	sadd.s32 s3, s14;
	[dreg:$0x15] =	wrdreg s26;
	s0 =	sshrl.u32 @!p0 s0, $0x3  }
0x1f: {  	s23 =	simm.s32 $0x9;
	s26 =	simm.s32 $0x4;
	s21 =	simm.s32 $0x6  }
.Ltmp0:
0x20: {  	[dreg:$0x9] =	wrdreg s14;
	s12 =	sshrl.u32 s12, $0x3;
	(pc) =	sbr.rel .LBB2_1-.Ltmp0, $4  }
0x21: {  	s14 =	sadd.s32 s3, s31;
	s31 =	sshrl.u32 s13, $0x3;
	[dreg:$0x17] =	wrdreg s0  }
0x22: {  	s0 =	simm.s32 $0x80;
	s3 =	sadd.s32 s3, s12;
	[dreg:$0x16] =	wrdreg s31  }
0x23: {  	s13 =	simm.s32 $0x5;
	[dreg:$0xa] =	wrdreg s3;
	s3 =	sadd.s32 s18, s20  }
0x24: {  	s18 =	simm.s32 $0x1;
	s20 =	simm.s32 $0xA;
	[dreg:$0xf] =	wrdreg s3  }
.LBB2_9:
0x25: {  	[bflag:$0x0] =	sbarrier.arrive $0xFFFF  }
0x26: {  	s2 =	rddreg [dreg:$0x18]  }
.LBB2_13:
0x27: {  	s2 =	sadd.s32 $0x1, s2;
	s1 =	rddreg [dreg:$0x12]  }
0x28: {  	p2 =	sne.s32 s2, s1  }
.Ltmp1:
0x29: {  	_ = 	snop;
	(pc) =	sbr.rel @!p2 .LBB2_14-.Ltmp1, $1  }
0x2a: {  	_ =	sdelay $0x3  }
.LBB2_1:
0x2b: {  	[dreg:$0x18] =	wrdreg s2  }
0x2c: {  	s1 =	rddreg [dreg:$0x6]  }
0x2d: {  	s2 =	rddreg [dreg:$0x7]  }
0x2e: {  	s3 =	rddreg [dreg:$0x15];
	s4 =	simm.s32 $0xB  }
0x2f: {  	[spmem:s3], [sflag:s2] =	dma.local [hbm:s1], $0x2700  }
0x30: {  	_ =	swait.ge [sflag:s4], $0x2700  }
0x31: {  	[sflag:s4] =	ssyncset.done $0x0  }
0x32: {  	s31 =	rddreg [dreg:$0x16];
	[sflag:s4] =	ssyncadd.s32 $0xFFFFD900  }
0x33: {  	[spmem:s31], [sflag:s2] =	dma.local [hbm:s1], $0x500  }
0x34: {  	_ =	swait.ge [sflag:s4], $0x500  }
0x35: {  	[sflag:s4] =	ssyncset.done $0x0  }
0x36: {  	s3 =	rddreg [dreg:$0x17];
	[sflag:s4] =	ssyncadd.s32 $0xFFFFFB00  }
0x37: {  	[spmem:s3], [sflag:s2] =	dma.local @!p0 [hbm:s1], $0x100  }
0x38: {  	s1 =	simm.s32 @!p0 $0xB  }
0x39: {  	_ =	swait.ge @!p0 [sflag:s1], $0x100  }
0x3a: {  	[sflag:s1] =	ssyncset.done @!p0 $0x0  }
0x3b: {  	[sflag:s1] =	ssyncadd.s32 @!p0 $0xFFFFFF00  }
0x3c: {  	[bflag:$0x0] =	sbarrier.arrive $0xFFFF  }
0x3d: {  	s12 =	rddreg [dreg:$0x8]  }
0x3e: {  	[tilespmem:s5], [sflag:$0x1] =	stream.linear.gather [hbm4b:s12+s5], $0x20, $0x38;
	[tilespmem:$0x1ED00] =	vst v63  }
0x3f: {  	s3 =	simm.s32 $0x100;
	s22 =	rddreg [dreg:$0xb]  }
0x40: {  	[tilespmem:s3], [sflag:$0x1] =	stream.linear.gather [hbm4b:s22+s5], $0x20, $0x38;
	[tilespmem:$0x1ED00] =	vst v63  }
0x41: {  	s25 =	simm.s32 $0x200;
	s24 =	rddreg [dreg:$0xc]  }
0x42: {  	[tilespmem:s25], [sflag:$0x1] =	stream.linear.gather [hbm4b:s24+s5], $0x20, $0x38;
	[tilespmem:$0x1ED00] =	vst v63  }
0x43: {  	s31 =	simm.s32 $0x300;
	s2 =	rddreg [dreg:$0x9]  }
0x44: {  	[tilespmem:s31], [sflag:$0x1] =	stream.linear.gather [hbm4b:s2+s5], $0x20, $0x38;
	[tilespmem:$0x1ED00] =	vst v63  }
0x45: {  	s4 =	sadd.s32 $0x10, s2;
	s12 =	simm.s32 $0x380  }
0x46: {  	[tilespmem:s12], [sflag:$0x1] =	stream.linear.gather [hbm4b:s4+s5], $0x20, $0x38;
	[tilespmem:$0x1ED00] =	vst v63  }
0x47: {  	s22 =	sadd.s32 $0x20, s2;
	s24 =	simm.s32 $0x400  }
0x48: {  	[tilespmem:s24], [sflag:$0x1] =	stream.linear.gather [hbm4b:s22+s5], $0x20, $0x38;
	[tilespmem:$0x1ED00] =	vst v63  }
0x49: {  	s25 =	sadd.s32 $0x30, s2;
	s31 =	simm.s32 $0x480  }
0x4a: {  	[tilespmem:s31], [sflag:$0x1] =	stream.linear.gather [hbm4b:s25+s5], $0x20, $0x38;
	[tilespmem:$0x1ED00] =	vst v63  }
0x4b: {  	s4 =	sadd.s32 $0x40, s2;
	s12 =	simm.s32 $0x500  }
0x4c: {  	[tilespmem:s12], [sflag:$0x1] =	stream.linear.gather [hbm4b:s4+s5], $0x20, $0x38;
	[tilespmem:$0x1ED00] =	vst v63  }
0x4d: {  	s22 =	sadd.s32 $0x50, s2;
	s24 =	simm.s32 $0x580  }
0x4e: {  	[tilespmem:s24], [sflag:$0x1] =	stream.linear.gather [hbm4b:s22+s5], $0x20, $0x38;
	[tilespmem:$0x1ED00] =	vst v63  }
0x4f: {  	s25 =	sadd.s32 $0x60, s2;
	s31 =	simm.s32 $0x600  }
0x50: {  	[tilespmem:s31], [sflag:$0x1] =	stream.linear.gather [hbm4b:s25+s5], $0x20, $0x38;
	[tilespmem:$0x1ED00] =	vst v63  }
0x51: {  	s4 =	sadd.s32 $0x70, s2;
	s12 =	simm.s32 $0x680  }
0x52: {  	[tilespmem:s12], [sflag:$0x1] =	stream.linear.gather [hbm4b:s4+s5], $0x20, $0x38;
	[tilespmem:$0x1ED00] =	vst v63  }
0x53: {  	_ =	swait.ge [sflag:s18], $0x20  }
0x54: {  	[sflag:s18] =	ssyncset.done $0x0  }
0x55: {  	[sflag:s18] =	ssyncadd.s32 $0xFFFFFFE0  }
0x56: {  	_ =	swait.ge [sflag:s18], $0x20  }
0x57: {  	[sflag:s18] =	ssyncset.done $0x0  }
0x58: {  	[sflag:s18] =	ssyncadd.s32 $0xFFFFFFE0  }
0x59: {  	_ =	swait.ge [sflag:s18], $0x20  }
0x5a: {  	[sflag:s18] =	ssyncset.done $0x0  }
0x5b: {  	[sflag:s18] =	ssyncadd.s32 $0xFFFFFFE0  }
0x5c: {  	_ =	swait.ge [sflag:s18], $0x100  }
0x5d: {  	[sflag:s18] =	ssyncset.done $0x0  }
0x5e: {  	[sflag:s18] =	ssyncadd.s32 $0xFFFFFF00  }
0x5f: {  	s24 =	simm.s32 $0xC80;
	s22 =	rddreg [dreg:$0x0]  }
0x60: {  	[tilespmem:s24], [sflag:$0x3] =	stream.indirect.gather [hbm4b:s22+s19], $0x80, s3, s19, $0xb8;
	[tilespmem:$0x1ED00] =	vst v63  }
0x61: {  	s25 =	simm.s32 $0x2C80  }
0x62: {  	[tilespmem:s25], [sflag:$0x5] =	stream.indirect.gather [hbm4b:s6+s19], $0x80, s5, s19, $0xb8;
	[tilespmem:$0x1ED00] =	vst v63  }
0x63: {  	s31 =	simm.s32 $0x4C80;
	s22 =	simm.s32 $0x0  }
0x64: {  	[tilespmem:s31], [sflag:$0x7] =	stream.indirect.gather [hbm4b:s7+s19], $0x80, s5, s19, $0xb8;
	[tilespmem:$0x1ED00] =	vst v63  }
.LBB2_2:
0x65: {  	p2 =	seq.s32 s22, $0x0  }
0x66: {  	s1 =	simm.s32 @!p2 $0x9  }
0x67: {  	_ =	swait.ge @!p2 [sflag:s1], $0x1000  }
0x68: {  	s31 =	sshll.u32 s22, $0x6;
	[sflag:s1] =	ssyncset.done @!p2 $0x0  }
0x69: {  	s2 =	rddreg [dreg:$0x14];
	[sflag:s1] =	ssyncadd.s32 @!p2 $0xFFFFF000;
	s1 =	simm.s32 @!p2 $0xA  }
0x6a: {  	s2 =	sor.u32 s2, s31;
	_ =	swait.ge @!p2 [sflag:s1], $0x1000  }
0x6b: {  	s3 =	sshll.u32 s2, $0x2;
	[sflag:s1] =	ssyncset.done @!p2 $0x0  }
0x6c: {  	s4 =	simm.s32 $0x0;
	s24 =	sadd.s32 s8, s3;
	[sflag:s1] =	ssyncadd.s32 @!p2 $0xFFFFF000  }
0x6d: {  	[tilespmem:s0], [sflag:$0x2] =	stream.linear.gather [hbm4b:s24+s4], $0x20, $0x38;
	[tilespmem:$0x1ED00] =	vst v63  }
0x6e: {  	s12 =	simm.s32 $0x180;
	s25 =	sadd.s32 s9, s3;
	s24 =	rddreg [dreg:$0x2]  }
0x6f: {  	[tilespmem:s12], [sflag:$0x2] =	stream.linear.gather [hbm4b:s25+s4], $0x20, $0x38;
	[tilespmem:$0x1ED00] =	vst v63  }
0x70: {  	s1 =	sadd.s32 s24, s3;
	s3 =	sshll.u32 s2, $0x5;
	s25 =	simm.s32 $0x280  }
0x71: {  	[tilespmem:s25], [sflag:$0x2] =	stream.linear.gather [hbm4b:s1+s4], $0x20, $0x38;
	[tilespmem:$0x1ED00] =	vst v63  }
0x72: {  	s1 =	sand.u32 $0x7FF80, s3  }
0x73: {  	s12 =	simm.s32 $0x700;
	s1 =	sadd.s32 s1, s14  }
0x74: {  	[tilespmem:s12], [sflag:$0x2] =	stream.linear.gather [hbm4b:s1+s4], $0x20, $0x38;
	[tilespmem:$0x1ED00] =	vst v63  }
0x75: {  	s25 =	simm.s32 $0x780;
	s24 =	sadd.s32 $0x10, s1  }
0x76: {  	[tilespmem:s25], [sflag:$0x2] =	stream.linear.gather [hbm4b:s24+s4], $0x20, $0x38;
	[tilespmem:$0x1ED00] =	vst v63  }
0x77: {  	s3 =	sadd.s32 $0x20, s1;
	s12 =	simm.s32 $0x800  }
0x78: {  	[tilespmem:s12], [sflag:$0x2] =	stream.linear.gather [hbm4b:s3+s4], $0x20, $0x38;
	[tilespmem:$0x1ED00] =	vst v63  }
0x79: {  	s24 =	sadd.s32 $0x30, s1;
	s25 =	simm.s32 $0x880  }
0x7a: {  	[tilespmem:s25], [sflag:$0x2] =	stream.linear.gather [hbm4b:s24+s4], $0x20, $0x38;
	[tilespmem:$0x1ED00] =	vst v63  }
0x7b: {  	s3 =	sadd.s32 $0x40, s1;
	s12 =	simm.s32 $0x900  }
0x7c: {  	[tilespmem:s12], [sflag:$0x2] =	stream.linear.gather [hbm4b:s3+s4], $0x20, $0x38;
	[tilespmem:$0x1ED00] =	vst v63  }
0x7d: {  	s24 =	sadd.s32 $0x50, s1;
	s25 =	simm.s32 $0x980  }
0x7e: {  	[tilespmem:s25], [sflag:$0x2] =	stream.linear.gather [hbm4b:s24+s4], $0x20, $0x38;
	[tilespmem:$0x1ED00] =	vst v63  }
0x7f: {  	s12 =	sadd.s32 $0x60, s1;
	s24 =	simm.s32 $0xA00  }
0x80: {  	[tilespmem:s24], [sflag:$0x2] =	stream.linear.gather [hbm4b:s12+s4], $0x20, $0x38;
	[tilespmem:$0x1ED00] =	vst v63  }
0x81: {  	s1 =	sadd.s32 $0x70, s1;
	s25 =	simm.s32 $0xA80  }
0x82: {  	[tilespmem:s25], [sflag:$0x2] =	stream.linear.gather [hbm4b:s1+s4], $0x20, $0x38;
	[tilespmem:$0x1ED00] =	vst v63  }
0x83: {  	_ =	swait.ge [sflag:s30], $0x1000  }
0x84: {  	[sflag:s30] =	ssyncset.done $0x0  }
0x85: {  	[sflag:s30] =	ssyncadd.s32 $0xFFFFF000  }
0x86: {  	_ =	swait.ge [sflag:s13], $0x1000  }
0x87: {  	[sflag:s13] =	ssyncset.done $0x0  }
0x88: {  	[sflag:s13] =	ssyncadd.s32 $0xFFFFF000  }
0x89: {  	_ =	swait.ge [sflag:s16], $0x1000  }
0x8a: {  	[sflag:s16] =	ssyncset.done $0x0  }
0x8b: {  	[sflag:s16] =	ssyncadd.s32 $0xFFFFF000  }
0x8c: {  	v0 =	vld [tilespmem:$0x100];
	_ =	sdelay $0x2  }
0x8d: {  	v1 =	vld [tilespmem:$0x110];
	_ =	sdelay $0x1  }
0x8e: {  	[tilespmem:$0xB00] =	vst v0;
	v2 =	vshrl.u32 v0, $0x3  }
0x8f: {  	[tilespmem:$0xB80] =	vst v2;
	v2 =	vld [tilespmem:$0x110]  }
0x90: {  	[tilespmem:$0xC00] =	vst v0  }
0x91: {  	[tilespmem:$0xB10] =	vst v1  }
0x92: {  	v0 =	vshrl.u32 v1, $0x3;
	[tilespmem:$0xC10] =	vst v1  }
0x93: {  	[tilespmem:$0xB90] =	vst v0  }
0x94: {  	s2 =	simm.s32 $0x0;
	[tilespmem:$0xC20] =	vst v2  }
0x95: {  	v0 =	vld [tilespmem:s2+$0x2CC0]  }
0x96: {  	v1 =	vld [tilespmem:s2+$0xC90]  }
0x97: {  	v2 =	vld [tilespmem:s2+$0x2CA0]  }
0x98: {  	v3 =	vld [tilespmem:s2+$0x2C90]  }
0x99: {  	v4 =	vld [tilespmem:s2+$0x2C80]  }
0x9a: {  	v5 =	vld [tilespmem:s2+$0xC80]  }
0x9b: {  	s1 =	simm.s32 $0x500;
	v7 =	vld [tilespmem:s2+$0x2CE0]  }
0x9c: {  	v8 =	vld.msk [tilespmem:s1+$0xFFFFFE00 ss:$0x0], $0xffff  }
0x9d: {  	v9 =	vld [tilespmem:s2+$0xCB0]  }
0x9e: {  	v10 =	vld.msk [tilespmem:s1+$0xFFFFFE80 ss:$0x0], $0xffff  }
0x9f: {  	v11 =	vld [tilespmem:s2+$0x2CB0]  }
0xa0: {  	v12 =	vld.msk [tilespmem:s1+$0xFFFFFF00 ss:$0x0], $0xffff  }
0xa1: {  	v13 =	vld [tilespmem:s2+$0xCA0];
	v4 =	vadd.f32 v8, v4  }
0xa2: {  	v55 =	vld.msk [tilespmem:s1+$0xFFFFFF80 ss:$0x0], $0xffff  }
0xa3: {  	v14 =	vld [tilespmem:s2+$0x2CD0];
	v3 =	vadd.f32 v10, v3;
	v4 =	vmul.f32 v4, v5  }
0xa4: {  	v56 =	vld.msk [tilespmem:s1+$0x0 ss:$0x0], $0xffff  }
0xa5: {  	v57 =	vld.msk [tilespmem:s1+$0x80 ss:$0x0], $0xffff;
	v2 =	vadd.f32 v12, v2;
	v1 =	vmul.f32 v3, v1;
	v3 =	vadd.f32 $0.0e+00, v4  }
0xa6: {  	v58 =	vld [tilespmem:s2+$0xCC0]  }
0xa7: {  	v59 =	vld.msk [tilespmem:s1+$0x100 ss:$0x0], $0xffff;
	v8 =	vadd.f32 v55, v11;
	v2 =	vmul.f32 v2, v13;
	v1 =	vadd.f32 v1, v3  }
0xa8: {  	v3 =	vld [tilespmem:s2+$0xCD0]  }
0xa9: {  	v0 =	vadd.f32 v56, v0;
	v8 =	vmul.f32 v8, v9;
	v1 =	vadd.f32 v2, v1  }
0xaa: {  	v2 =	vld [tilespmem:s2+$0xCE0]  }
0xab: {  	v61 =	vadd.f32 v57, v14;
	v0 =	vmul.f32 v0, v58;
	v1 =	vadd.f32 v8, v1;
	_ =	sdelay $0x1  }
0xac: {  	v63 =	vadd.f32 v59, v7;
	v3 =	vmul.f32 v61, v3;
	v0 =	vadd.f32 v0, v1  }
0xad: {  	v6 =	vld [tilespmem:s2+$0x2CF0]  }
0xae: {  	v60 =	vld.msk [tilespmem:s1+$0x180 ss:$0x0], $0xffff;
	v1 =	vmul.f32 v63, v2;
	v0 =	vadd.f32 v3, v0  }
0xaf: {  	s4 =	simm.s32 $0xC00;
	v62 =	vld [tilespmem:s2+$0xCF0]  }
0xb0: {  	v0 =	vadd.f32 v1, v0;
	v1 =	vld [tilespmem:s4+$0x0];
	_ =	sdelay $0x2  }
0xb1: {  	s3 =	simm.s32 $0x200;
	v2 =	vadd.f32 v60, v6  }
0xb2: {  	v3 =	vld.msk [tilespmem:s3+$0x0 ss:$0x0], $0xffff  }
0xb3: {  	v2 =	vmul.f32 v2, v62;
	(v2sf) =	vpush v1, $0x0;
	_ =	sdelay $0x1  }
0xb4: {  	v0 =	vadd.f32 v2, v0;
	_ =	sdelay $0x1  }
0xb5: {  	v0 =	vmul.f32 v0, v3;
	_ =	sdelay $0x1  }
0xb6: {  	s24 =	simm.s32 $0x200;
	v0 =	vmul.f32 $1.442695020e+00, v0  }
.LBB2_3:
0xb7: {  	s1 =	sadd.s32 $0x1, s1;
	s3 =	sadd.s32 $0x1, s3;
	s4 =	sadd.s32 $0x1, s4  }
0xb8: {  	p2 =	sne.s32 s24, $0x3E00;
	s25 =	smov.u32 s24;
	s24 =	sadd.s32 $0x200, s24;
	(erf) = vpow2.f32 v0  }
0xb9: {  	_ = 	snop  }
0xba: {  	v0 =	vld [tilespmem:s2+$0x4CE0]  }
0xbb: {  	v1 =	vld [tilespmem:s2+$0x4CC0]  }
0xbc: {  	v2 =	vld [tilespmem:s2+$0x4CA0]  }
0xbd: {  	v3 =	vld [tilespmem:s2+$0x4C80]  }
0xbe: {  	v4 =	vld [tilespmem:s2+$0x4C90]  }
0xbf: {  	v5 =	vld [tilespmem:s2+$0x4CB0];
	s12 =	spop (v2sf)  }
0xc0: {  	s12 =	sand.u32 $0x7, s12;
	v6 =	vld [tilespmem:s2+$0x4CD0]  }
0xc1: {  	p3 =	seq.s32 s12, $0x3;
	p4 =	seq.s32 s12, $0x4;
	v7 =	vld [tilespmem:s2+$0x4CF0];
	v8 =	vpop (erf)  }
0xc2: {  	p5 =	seq.s32 s12, $0x0;
	v3 =	vmul.f32 v8, v3;
	v9 =	vpsel !p3, $0x0, v8;
	v10 =	vpsel !p4, $0x0, v8  }
0xc3: {  	v11 =	vpsel !p5, $0x0, v8;
	p3 =	seq.s32 s12, $0x1;
	v2 =	vmul.f32 v2, v8;
	v4 =	vmul.f32 v8, v4;
	[tilespmem:s2+$0x6CB0] =	vst v9  }
0xc4: {  	v1 =	vmul.f32 v1, v8;
	v9 =	vpsel !p3, $0x0, v8;
	p3 =	seq.s32 s12, $0x2;
	v5 =	vmul.f32 v5, v8;
	[tilespmem:s2+$0x6CC0] =	vst v10  }
0xc5: {  	p4 =	seq.s32 s12, $0x6;
	v0 =	vmul.f32 v0, v8;
	v10 =	vpsel !p3, $0x0, v8;
	p3 =	seq.s32 s12, $0x5;
	[tilespmem:s2+$0x7CA0] =	vst v2;
	v2 =	vmul.f32 v6, v8  }
0xc6: {  	s25 =	sshra.s32 s25, $0x2;
	v6 =	vpsel !p4, $0x0, v8;
	[tilespmem:s2+$0x7CB0] =	vst v5;
	v5 =	vpsel !p3, $0x0, v8;
	p3 =	seq.s32 s12, $0x7;
	v7 =	vmul.f32 v7, v8  }
0xc7: {  	v12 =	vld [tilespmem:s25+$0x2CC0];
	[tilespmem:s2+$0x7CC0] =	vst v1;
	v1 =	vpsel !p3, $0x0, v8  }
0xc8: {  	v8 =	vld [tilespmem:s25+$0xC90];
	[tilespmem:s2+$0x7CD0] =	vst v2  }
0xc9: {  	v2 =	vld [tilespmem:s25+$0x2CA0];
	[tilespmem:s2+$0x7C90] =	vst v4  }
0xca: {  	v4 =	vld [tilespmem:s25+$0x2C90];
	[tilespmem:s2+$0x7C80] =	vst v3  }
0xcb: {  	v3 =	vld [tilespmem:s25+$0x2C80];
	[tilespmem:s2+$0x7CF0] =	vst v7  }
0xcc: {  	v7 =	vld [tilespmem:s25+$0xC80];
	[tilespmem:s2+$0x7CE0] =	vst v0  }
0xcd: {  	[tilespmem:s2+$0x6C80] =	vst v11  }
0xce: {  	v0 =	vld [tilespmem:s25+$0x2CF0];
	[tilespmem:s2+$0x6CA0] =	vst v10  }
0xcf: {  	v10 =	vld [tilespmem:s25+$0x2CE0];
	[tilespmem:s2+$0x6CD0] =	vst v5  }
0xd0: {  	v5 =	vld [tilespmem:s25+$0xCB0];
	[tilespmem:s2+$0x6C90] =	vst v9  }
0xd1: {  	v9 =	vld [tilespmem:s25+$0x2CB0];
	[tilespmem:s2+$0x6CE0] =	vst v6  }
0xd2: {  	v6 =	vld [tilespmem:s25+$0x2CD0];
	[tilespmem:s2+$0x6CF0] =	vst v1;
	s2 =	smov.u32 s25  }
0xd3: {  	v1 =	vld.msk [tilespmem:s1+$0xFFFFFE00 ss:$0x0], $0xffff  }
0xd4: {  	v11 =	vld.msk [tilespmem:s1+$0xFFFFFE80 ss:$0x0], $0xffff  }
0xd5: {  	v13 =	vld.msk [tilespmem:s1+$0xFFFFFF00 ss:$0x0], $0xffff  }
0xd6: {  	v14 =	vld.msk [tilespmem:s1+$0x0 ss:$0x0], $0xffff  }
0xd7: {  	v15 =	vld [tilespmem:s2+$0xCA0]  }
0xd8: {  	v16 =	vld.msk [tilespmem:s1+$0xFFFFFF80 ss:$0x0], $0xffff  }
0xd9: {  	v1 =	vadd.f32 v1, v3;
	v3 =	vld.msk [tilespmem:s1+$0x80 ss:$0x0], $0xffff  }
0xda: {  	v4 =	vadd.f32 v11, v4;
	v11 =	vld [tilespmem:s2+$0xCC0]  }
0xdb: {  	v1 =	vmul.f32 v1, v7;
	v2 =	vadd.f32 v13, v2;
	v7 =	vld.msk [tilespmem:s1+$0x100 ss:$0x0], $0xffff  }
0xdc: {  	v4 =	vmul.f32 v4, v8;
	v8 =	vadd.f32 v14, v12;
	v12 =	vld [tilespmem:s2+$0xCD0]  }
0xdd: {  	v1 =	vadd.f32 $0.0e+00, v1;
	v13 =	vld.msk [tilespmem:s1+$0x180 ss:$0x0], $0xffff  }
0xde: {  	v2 =	vmul.f32 v2, v15;
	v9 =	vadd.f32 v16, v9;
	v14 =	vld [tilespmem:s2+$0xCE0]  }
0xdf: {  	v1 =	vadd.f32 v4, v1;
	v3 =	vadd.f32 v3, v6;
	v4 =	vmul.f32 v8, v11  }
0xe0: {  	v5 =	vmul.f32 v9, v5;
	v6 =	vld [tilespmem:s2+$0xCF0]  }
0xe1: {  	v1 =	vadd.f32 v2, v1;
	v2 =	vmul.f32 v3, v12;
	v3 =	vadd.f32 v7, v10;
	_ =	sdelay $0x1  }
0xe2: {  	v1 =	vadd.f32 v5, v1;
	v0 =	vadd.f32 v13, v0;
	v3 =	vmul.f32 v3, v14  }
0xe3: {  	v5 =	vld [tilespmem:s4+$0x0]  }
0xe4: {  	v1 =	vadd.f32 v4, v1;
	v0 =	vmul.f32 v0, v6;
	_ =	sdelay $0x1  }
0xe5: {  	v1 =	vadd.f32 v2, v1;
	v2 =	vld.msk [tilespmem:s3+$0x0 ss:$0x0], $0xffff;
	_ =	sdelay $0x1  }
0xe6: {  	v1 =	vadd.f32 v3, v1;
	(v2sf) =	vpush v5, $0x0;
	_ =	sdelay $0x1  }
.Ltmp2:
0xe7: {  	v0 =	vadd.f32 v0, v1;
	(pc) =	sbr.rel @p2 .LBB2_3-.Ltmp2, $3  }
0xe8: {  	_ = 	snop  }
0xe9: {  	v0 =	vmul.f32 v0, v2;
	_ =	sdelay $0x1  }
0xea: {  	v0 =	vmul.f32 $1.442695020e+00, v0  }
0xeb: {  	_ = 	snop  }
0xec: {  	(erf) = vpow2.f32 v0;
	_ =	sdelay $0x5  }
0xed: {  	v2 =	vld [tilespmem:s2+$0x4CA0]  }
0xee: {  	v4 =	vld [tilespmem:s2+$0x4CB0];
	s1 =	spop (v2sf)  }
0xef: {  	v1 =	vld [tilespmem:s2+$0x4CC0];
	s1 =	sand.u32 $0x7, s1  }
0xf0: {  	v5 =	vld [tilespmem:s2+$0x4C90];
	p2 =	seq.s32 s1, $0x3;
	v7 =	vpop (erf)  }
0xf1: {  	v0 =	vld [tilespmem:s2+$0x4CE0];
	p3 =	seq.s32 s1, $0x4;
	v9 =	vpsel !p2, $0x0, v7  }
0xf2: {  	v10 =	vpsel !p3, $0x0, v7;
	v2 =	vmul.f32 v2, v7;
	[tilespmem:s2+$0x6CB0] =	vst v9  }
0xf3: {  	v6 =	vld [tilespmem:s2+$0x4CD0];
	v4 =	vmul.f32 v4, v7;
	[tilespmem:s2+$0x6CC0] =	vst v10  }
0xf4: {  	v3 =	vld [tilespmem:s2+$0x4C80];
	v1 =	vmul.f32 v1, v7;
	[tilespmem:s2+$0x7CA0] =	vst v2  }
0xf5: {  	v47 =	vmul.f32 v7, v5;
	[tilespmem:s2+$0x7CB0] =	vst v4  }
0xf6: {  	v0 =	vmul.f32 v0, v7;
	[tilespmem:s2+$0x7CC0] =	vst v1  }
0xf7: {  	p6 =	seq.s32 s1, $0x2;
	[tilespmem:s2+$0x7C90] =	vst v47  }
0xf8: {  	v8 =	vld [tilespmem:s2+$0x4CF0];
	v2 =	vmul.f32 v6, v7;
	[tilespmem:s2+$0x7CE0] =	vst v0;
	v0 =	vpsel !p6, $0x0, v7  }
0xf9: {  	v1 =	vmul.f32 v7, v3;
	[tilespmem:s2+$0x6CA0] =	vst v0  }
0xfa: {  	p4 =	seq.s32 s1, $0x1;
	[tilespmem:s2+$0x7CD0] =	vst v2  }
0xfb: {  	p5 =	seq.s32 s1, $0x0;
	v0 =	vpsel !p4, $0x0, v7;
	[tilespmem:s2+$0x7C80] =	vst v1  }
0xfc: {  	p6 =	seq.s32 s1, $0x7;
	v1 =	vpsel !p5, $0x0, v7;
	[tilespmem:s2+$0x6C90] =	vst v0  }
0xfd: {  	v2 =	vmul.f32 v8, v7;
	v0 =	vpsel !p6, $0x0, v7;
	[tilespmem:s2+$0x6C80] =	vst v1  }
0xfe: {  	p3 =	seq.s32 s1, $0x5;
	[tilespmem:s2+$0x6CF0] =	vst v0  }
0xff: {  	p5 =	seq.s32 s1, $0x6;
	v1 =	vpsel !p3, $0x0, v7;
	[tilespmem:s2+$0x7CF0] =	vst v2  }
0x100: {  	[tilespmem:s2+$0x6CD0] =	vst v1;
	v1 =	vpsel !p5, $0x0, v7  }
0x101: {  	[tilespmem:s2+$0x6CE0] =	vst v1  }
0x102: {  	_ =	swait.ge [sflag:s17], $0x20  }
0x103: {  	[sflag:s17] =	ssyncset.done $0x0  }
0x104: {  	[sflag:s17] =	ssyncadd.s32 $0xFFFFFFE0  }
0x105: {  	_ =	swait.ge [sflag:s17], $0x20  }
0x106: {  	[sflag:s17] =	ssyncset.done $0x0  }
0x107: {  	[sflag:s17] =	ssyncadd.s32 $0xFFFFFFE0  }
0x108: {  	_ =	swait.ge [sflag:s17], $0x20  }
0x109: {  	[sflag:s17] =	ssyncset.done $0x0  }
0x10a: {  	[sflag:s17] =	ssyncadd.s32 $0xFFFFFFE0  }
0x10b: {  	_ =	swait.ge [sflag:s17], $0x100  }
0x10c: {  	[sflag:s17] =	ssyncset.done $0x0  }
0x10d: {  	[sflag:s17] =	ssyncadd.s32 $0xFFFFFF00  }
0x10e: {  	s25 =	simm.s32 $0x180;
	s3 =	simm.s32 $0x1C80;
	s24 =	rddreg [dreg:$0x0]  }
0x10f: {  	[tilespmem:s3], [sflag:$0x4] =	stream.indirect.gather [hbm4b:s24+s19], $0x80, s25, s19, $0xb8;
	[tilespmem:$0x1ED00] =	vst v63  }
0x110: {  	s4 =	simm.s32 $0x3C80  }
0x111: {  	[tilespmem:s4], [sflag:$0x6] =	stream.indirect.gather [hbm4b:s6+s19], $0x80, s0, s19, $0xb8;
	[tilespmem:$0x1ED00] =	vst v63  }
0x112: {  	s12 =	simm.s32 $0x5C80  }
0x113: {  	[tilespmem:s12], [sflag:$0x8] =	stream.indirect.gather [hbm4b:s7+s19], $0x80, s0, s19, $0xb8;
	[tilespmem:$0x1ED00] =	vst v63  }
0x114: {  	s24 =	rddreg [dreg:$0x3]  }
0x115: {  	[spmem:s24] =	stream.indirect.scatter.add.f32 [tilespmem:s10], [sflag:$0x9], $0x80, s29, s19, $0xb8;
	[tilespmem:$0x1ED00] =	vst v63  }
0x116: {  	s25 =	rddreg [dreg:$0x4]  }
0x117: {  	[spmem:s25] =	stream.indirect.scatter.add.f32 [tilespmem:s15], [sflag:$0xA], $0x80, s11, s19, $0xb8;
	[tilespmem:$0x1ED00] =	vst v63  }
0x118: {  	_ =	swait.ge [sflag:s23], $0x1000  }
0x119: {  	[sflag:s23] =	ssyncset.done $0x0  }
0x11a: {  	[sflag:s23] =	ssyncadd.s32 $0xFFFFF000  }
0x11b: {  	_ =	swait.ge [sflag:s20], $0x1000  }
0x11c: {  	p2 =	seq.s32 s22, $0x9B;
	s1 =	rddreg [dreg:$0x13]  }
0x11d: {  	s1 =	sadd.s32 @!p2 s1, s31  }
0x11e: {  	[sflag:s20] =	ssyncset.done $0x0;
	s2 =	sshll.u32 @!p2 s1, $0x2  }
0x11f: {  	s4 =	simm.s32 @!p2 $0x0;
	[sflag:s20] =	ssyncadd.s32 $0xFFFFF000;
	s3 =	sadd.s32 @!p2 s8, s2  }
0x120: {  	[tilespmem:s4], [sflag:$0x1] =	stream.linear.gather @!p2 [hbm4b:s3+s4], $0x20, $0x38;
	[tilespmem:$0x1ED00] =	vst v63  }
0x121: {  	s12 =	simm.s32 @!p2 $0x100;
	s3 =	sadd.s32 @!p2 s9, s2  }
0x122: {  	[tilespmem:s12], [sflag:$0x1] =	stream.linear.gather @!p2 [hbm4b:s3+s4], $0x20, $0x38;
	[tilespmem:$0x1ED00] =	vst v63  }
0x123: {  	s1 =	sshll.u32 @!p2 s1, $0x5;
	s3 =	rddreg [dreg:$0x2]  }
0x124: {  	s1 =	sand.u32 @!p2 $0xFFB80, s1;
	s2 =	sadd.s32 @!p2 s3, s2;
	s3 =	simm.s32 @!p2 $0x200  }
0x125: {  	[tilespmem:s3], [sflag:$0x1] =	stream.linear.gather @!p2 [hbm4b:s2+s4], $0x20, $0x38;
	[tilespmem:$0x1ED00] =	vst v63  }
0x126: {  	s1 =	sadd.s32 @!p2 s1, s14;
	s2 =	simm.s32 @!p2 $0x300  }
0x127: {  	[tilespmem:s2], [sflag:$0x1] =	stream.linear.gather @!p2 [hbm4b:s1+s4], $0x20, $0x38;
	[tilespmem:$0x1ED00] =	vst v63  }
0x128: {  	s3 =	simm.s32 @!p2 $0x380;
	s2 =	sadd.s32 @!p2 $0x10, s1  }
0x129: {  	[tilespmem:s3], [sflag:$0x1] =	stream.linear.gather @!p2 [hbm4b:s2+s4], $0x20, $0x38;
	[tilespmem:$0x1ED00] =	vst v63  }
0x12a: {  	s2 =	sadd.s32 @!p2 $0x20, s1;
	s3 =	simm.s32 @!p2 $0x400  }
0x12b: {  	[tilespmem:s3], [sflag:$0x1] =	stream.linear.gather @!p2 [hbm4b:s2+s4], $0x20, $0x38;
	[tilespmem:$0x1ED00] =	vst v63  }
0x12c: {  	s2 =	sadd.s32 @!p2 $0x30, s1;
	s3 =	simm.s32 @!p2 $0x480  }
0x12d: {  	[tilespmem:s3], [sflag:$0x1] =	stream.linear.gather @!p2 [hbm4b:s2+s4], $0x20, $0x38;
	[tilespmem:$0x1ED00] =	vst v63  }
0x12e: {  	s2 =	sadd.s32 @!p2 $0x40, s1;
	s3 =	simm.s32 @!p2 $0x500  }
0x12f: {  	[tilespmem:s3], [sflag:$0x1] =	stream.linear.gather @!p2 [hbm4b:s2+s4], $0x20, $0x38;
	[tilespmem:$0x1ED00] =	vst v63  }
0x130: {  	s2 =	sadd.s32 @!p2 $0x50, s1;
	s3 =	simm.s32 @!p2 $0x580  }
0x131: {  	[tilespmem:s3], [sflag:$0x1] =	stream.linear.gather @!p2 [hbm4b:s2+s4], $0x20, $0x38;
	[tilespmem:$0x1ED00] =	vst v63  }
0x132: {  	s2 =	sadd.s32 @!p2 $0x60, s1;
	s3 =	simm.s32 @!p2 $0x600  }
0x133: {  	[tilespmem:s3], [sflag:$0x1] =	stream.linear.gather @!p2 [hbm4b:s2+s4], $0x20, $0x38;
	[tilespmem:$0x1ED00] =	vst v63  }
0x134: {  	s1 =	sadd.s32 @!p2 $0x70, s1;
	s2 =	simm.s32 @!p2 $0x680  }
0x135: {  	[tilespmem:s2], [sflag:$0x1] =	stream.linear.gather @!p2 [hbm4b:s1+s4], $0x20, $0x38;
	[tilespmem:$0x1ED00] =	vst v63  }
0x136: {  	_ =	swait.ge [sflag:s26], $0x1000  }
0x137: {  	[sflag:s26] =	ssyncset.done $0x0  }
0x138: {  	[sflag:s26] =	ssyncadd.s32 $0xFFFFF000  }
0x139: {  	_ =	swait.ge [sflag:s21], $0x1000  }
0x13a: {  	[sflag:s21] =	ssyncset.done $0x0  }
0x13b: {  	[sflag:s21] =	ssyncadd.s32 $0xFFFFF000  }
0x13c: {  	_ =	swait.ge [sflag:s28], $0x1000  }
0x13d: {  	[sflag:s28] =	ssyncset.done $0x0  }
0x13e: {  	[sflag:s28] =	ssyncadd.s32 $0xFFFFF000  }
0x13f: {  	v0 =	vld [tilespmem:$0x180];
	_ =	sdelay $0x2  }
0x140: {  	v1 =	vld [tilespmem:$0x190];
	_ =	sdelay $0x1  }
0x141: {  	[tilespmem:$0xB00] =	vst v0;
	v2 =	vshrl.u32 v0, $0x3  }
0x142: {  	[tilespmem:$0xB80] =	vst v2;
	v2 =	vld [tilespmem:$0x190]  }
0x143: {  	[tilespmem:$0xC00] =	vst v0  }
0x144: {  	[tilespmem:$0xB10] =	vst v1  }
0x145: {  	v0 =	vshrl.u32 v1, $0x3;
	[tilespmem:$0xC10] =	vst v1  }
0x146: {  	[tilespmem:$0xB90] =	vst v0  }
0x147: {  	s2 =	simm.s32 $0x0;
	[tilespmem:$0xC20] =	vst v2  }
0x148: {  	v0 =	vld [tilespmem:s2+$0x3CC0]  }
0x149: {  	v1 =	vld [tilespmem:s2+$0x1C90]  }
0x14a: {  	v2 =	vld [tilespmem:s2+$0x3CA0]  }
0x14b: {  	v3 =	vld [tilespmem:s2+$0x3C90]  }
0x14c: {  	v48 =	vld [tilespmem:s2+$0x3C80]  }
0x14d: {  	v49 =	vld [tilespmem:s2+$0x1C80]  }
0x14e: {  	s1 =	simm.s32 $0x900;
	v51 =	vld [tilespmem:s2+$0x3CE0]  }
0x14f: {  	v52 =	vld.msk [tilespmem:s1+$0xFFFFFE00 ss:$0x0], $0xffff  }
0x150: {  	v53 =	vld [tilespmem:s2+$0x1CB0]  }
0x151: {  	v54 =	vld.msk [tilespmem:s1+$0xFFFFFE80 ss:$0x0], $0xffff  }
0x152: {  	v11 =	vld [tilespmem:s2+$0x3CB0]  }
0x153: {  	v12 =	vld.msk [tilespmem:s1+$0xFFFFFF00 ss:$0x0], $0xffff  }
0x154: {  	v13 =	vld [tilespmem:s2+$0x1CA0];
	v4 =	vadd.f32 v52, v48  }
0x155: {  	v55 =	vld.msk [tilespmem:s1+$0xFFFFFF80 ss:$0x0], $0xffff  }
0x156: {  	v14 =	vld [tilespmem:s2+$0x3CD0];
	v3 =	vadd.f32 v54, v3;
	v4 =	vmul.f32 v4, v49  }
0x157: {  	v56 =	vld.msk [tilespmem:s1+$0x0 ss:$0x0], $0xffff  }
0x158: {  	v57 =	vld.msk [tilespmem:s1+$0x80 ss:$0x0], $0xffff;
	v2 =	vadd.f32 v12, v2;
	v1 =	vmul.f32 v3, v1;
	v3 =	vadd.f32 $0.0e+00, v4  }
0x159: {  	v58 =	vld [tilespmem:s2+$0x1CC0]  }
0x15a: {  	v59 =	vld.msk [tilespmem:s1+$0x100 ss:$0x0], $0xffff;
	v8 =	vadd.f32 v55, v11;
	v2 =	vmul.f32 v2, v13;
	v1 =	vadd.f32 v1, v3  }
0x15b: {  	v3 =	vld [tilespmem:s2+$0x1CD0]  }
0x15c: {  	v0 =	vadd.f32 v56, v0;
	v8 =	vmul.f32 v8, v53;
	v1 =	vadd.f32 v2, v1  }
0x15d: {  	v2 =	vld [tilespmem:s2+$0x1CE0]  }
0x15e: {  	v61 =	vadd.f32 v57, v14;
	v0 =	vmul.f32 v0, v58;
	v1 =	vadd.f32 v8, v1;
	_ =	sdelay $0x1  }
0x15f: {  	v63 =	vadd.f32 v59, v51;
	v3 =	vmul.f32 v61, v3;
	v0 =	vadd.f32 v0, v1  }
0x160: {  	v50 =	vld [tilespmem:s2+$0x3CF0]  }
0x161: {  	v60 =	vld.msk [tilespmem:s1+$0x180 ss:$0x0], $0xffff;
	v1 =	vmul.f32 v63, v2;
	v0 =	vadd.f32 v3, v0  }
0x162: {  	s4 =	simm.s32 $0xC00;
	v62 =	vld [tilespmem:s2+$0x1CF0]  }
0x163: {  	v0 =	vadd.f32 v1, v0;
	v1 =	vld [tilespmem:s4+$0x0];
	_ =	sdelay $0x2  }
0x164: {  	s3 =	simm.s32 $0x280;
	v2 =	vadd.f32 v60, v50  }
0x165: {  	v3 =	vld.msk [tilespmem:s3+$0x0 ss:$0x0], $0xffff  }
0x166: {  	v2 =	vmul.f32 v2, v62;
	(v2sf) =	vpush v1, $0x0;
	_ =	sdelay $0x1  }
0x167: {  	v0 =	vadd.f32 v2, v0;
	_ =	sdelay $0x1  }
0x168: {  	v0 =	vmul.f32 v0, v3;
	_ =	sdelay $0x1  }
0x169: {  	s24 =	simm.s32 $0x200;
	v0 =	vmul.f32 $1.442695020e+00, v0  }
.LBB2_5:
0x16a: {  	s1 =	sadd.s32 $0x1, s1;
	s3 =	sadd.s32 $0x1, s3;
	s4 =	sadd.s32 $0x1, s4  }
0x16b: {  	p3 =	sne.s32 s24, $0x3E00;
	s12 =	smov.u32 s24;
	s24 =	sadd.s32 $0x200, s24;
	(erf) = vpow2.f32 v0  }
0x16c: {  	_ = 	snop  }
0x16d: {  	v0 =	vld [tilespmem:s2+$0x5CE0]  }
0x16e: {  	v1 =	vld [tilespmem:s2+$0x5CC0]  }
0x16f: {  	v2 =	vld [tilespmem:s2+$0x5CA0]  }
0x170: {  	v3 =	vld [tilespmem:s2+$0x5C80]  }
0x171: {  	v4 =	vld [tilespmem:s2+$0x5C90]  }
0x172: {  	v5 =	vld [tilespmem:s2+$0x5CB0];
	s25 =	spop (v2sf)  }
0x173: {  	s25 =	sand.u32 $0x7, s25;
	v6 =	vld [tilespmem:s2+$0x5CD0]  }
0x174: {  	p4 =	seq.s32 s25, $0x3;
	p5 =	seq.s32 s25, $0x4;
	v7 =	vld [tilespmem:s2+$0x5CF0];
	v8 =	vpop (erf)  }
0x175: {  	p6 =	seq.s32 s25, $0x0;
	v3 =	vmul.f32 v8, v3;
	v9 =	vpsel !p4, $0x0, v8;
	v10 =	vpsel !p5, $0x0, v8  }
0x176: {  	v11 =	vpsel !p6, $0x0, v8;
	p4 =	seq.s32 s25, $0x1;
	v2 =	vmul.f32 v2, v8;
	v4 =	vmul.f32 v8, v4;
	[tilespmem:s2+$0x6CB0] =	vst v9  }
0x177: {  	v1 =	vmul.f32 v1, v8;
	v9 =	vpsel !p4, $0x0, v8;
	p4 =	seq.s32 s25, $0x2;
	v5 =	vmul.f32 v5, v8;
	[tilespmem:s2+$0x6CC0] =	vst v10  }
0x178: {  	p5 =	seq.s32 s25, $0x6;
	v0 =	vmul.f32 v0, v8;
	v10 =	vpsel !p4, $0x0, v8;
	p4 =	seq.s32 s25, $0x5;
	[tilespmem:s2+$0x7CA0] =	vst v2;
	v2 =	vmul.f32 v6, v8  }
0x179: {  	s12 =	sshra.s32 s12, $0x2;
	v6 =	vpsel !p5, $0x0, v8;
	[tilespmem:s2+$0x7CB0] =	vst v5;
	v5 =	vpsel !p4, $0x0, v8;
	p4 =	seq.s32 s25, $0x7;
	v7 =	vmul.f32 v7, v8  }
0x17a: {  	v12 =	vld [tilespmem:s12+$0x3CC0];
	[tilespmem:s2+$0x7CC0] =	vst v1;
	v1 =	vpsel !p4, $0x0, v8  }
0x17b: {  	v8 =	vld [tilespmem:s12+$0x1C90];
	[tilespmem:s2+$0x7CD0] =	vst v2  }
0x17c: {  	v2 =	vld [tilespmem:s12+$0x3CA0];
	[tilespmem:s2+$0x7C90] =	vst v4  }
0x17d: {  	v4 =	vld [tilespmem:s12+$0x3C90];
	[tilespmem:s2+$0x7C80] =	vst v3  }
0x17e: {  	v3 =	vld [tilespmem:s12+$0x3C80];
	[tilespmem:s2+$0x7CF0] =	vst v7  }
0x17f: {  	v7 =	vld [tilespmem:s12+$0x1C80];
	[tilespmem:s2+$0x7CE0] =	vst v0  }
0x180: {  	[tilespmem:s2+$0x6C80] =	vst v11  }
0x181: {  	v0 =	vld [tilespmem:s12+$0x3CF0];
	[tilespmem:s2+$0x6CA0] =	vst v10  }
0x182: {  	v10 =	vld [tilespmem:s12+$0x3CE0];
	[tilespmem:s2+$0x6CD0] =	vst v5  }
0x183: {  	v5 =	vld [tilespmem:s12+$0x1CB0];
	[tilespmem:s2+$0x6C90] =	vst v9  }
0x184: {  	v9 =	vld [tilespmem:s12+$0x3CB0];
	[tilespmem:s2+$0x6CE0] =	vst v6  }
0x185: {  	v6 =	vld [tilespmem:s12+$0x3CD0];
	[tilespmem:s2+$0x6CF0] =	vst v1;
	s2 =	smov.u32 s12  }
0x186: {  	v1 =	vld.msk [tilespmem:s1+$0xFFFFFE00 ss:$0x0], $0xffff  }
0x187: {  	v11 =	vld.msk [tilespmem:s1+$0xFFFFFE80 ss:$0x0], $0xffff  }
0x188: {  	v13 =	vld.msk [tilespmem:s1+$0xFFFFFF00 ss:$0x0], $0xffff  }
0x189: {  	v14 =	vld.msk [tilespmem:s1+$0x0 ss:$0x0], $0xffff  }
0x18a: {  	v15 =	vld [tilespmem:s2+$0x1CA0]  }
0x18b: {  	v16 =	vld.msk [tilespmem:s1+$0xFFFFFF80 ss:$0x0], $0xffff  }
0x18c: {  	v1 =	vadd.f32 v1, v3;
	v3 =	vld.msk [tilespmem:s1+$0x80 ss:$0x0], $0xffff  }
0x18d: {  	v4 =	vadd.f32 v11, v4;
	v11 =	vld [tilespmem:s2+$0x1CC0]  }
0x18e: {  	v1 =	vmul.f32 v1, v7;
	v2 =	vadd.f32 v13, v2;
	v7 =	vld.msk [tilespmem:s1+$0x100 ss:$0x0], $0xffff  }
0x18f: {  	v4 =	vmul.f32 v4, v8;
	v8 =	vadd.f32 v14, v12;
	v12 =	vld [tilespmem:s2+$0x1CD0]  }
0x190: {  	v1 =	vadd.f32 $0.0e+00, v1;
	v13 =	vld.msk [tilespmem:s1+$0x180 ss:$0x0], $0xffff  }
0x191: {  	v2 =	vmul.f32 v2, v15;
	v9 =	vadd.f32 v16, v9;
	v14 =	vld [tilespmem:s2+$0x1CE0]  }
0x192: {  	v1 =	vadd.f32 v4, v1;
	v3 =	vadd.f32 v3, v6;
	v4 =	vmul.f32 v8, v11  }
0x193: {  	v5 =	vmul.f32 v9, v5;
	v6 =	vld [tilespmem:s2+$0x1CF0]  }
0x194: {  	v1 =	vadd.f32 v2, v1;
	v2 =	vmul.f32 v3, v12;
	v3 =	vadd.f32 v7, v10;
	_ =	sdelay $0x1  }
0x195: {  	v1 =	vadd.f32 v5, v1;
	v0 =	vadd.f32 v13, v0;
	v3 =	vmul.f32 v3, v14  }
0x196: {  	v5 =	vld [tilespmem:s4+$0x0]  }
0x197: {  	v1 =	vadd.f32 v4, v1;
	v0 =	vmul.f32 v0, v6;
	_ =	sdelay $0x1  }
0x198: {  	v1 =	vadd.f32 v2, v1;
	v2 =	vld.msk [tilespmem:s3+$0x0 ss:$0x0], $0xffff;
	_ =	sdelay $0x1  }
0x199: {  	v1 =	vadd.f32 v3, v1;
	(v2sf) =	vpush v5, $0x0;
	_ =	sdelay $0x1  }
.Ltmp3:
0x19a: {  	v0 =	vadd.f32 v0, v1;
	(pc) =	sbr.rel @p3 .LBB2_5-.Ltmp3, $3  }
0x19b: {  	_ = 	snop  }
0x19c: {  	v0 =	vmul.f32 v0, v2;
	_ =	sdelay $0x1  }
0x19d: {  	v0 =	vmul.f32 $1.442695020e+00, v0  }
0x19e: {  	_ = 	snop  }
0x19f: {  	(erf) = vpow2.f32 v0;
	_ =	sdelay $0x6  }
0x1a0: {  	s1 =	spop (v2sf)  }
0x1a1: {  	v2 =	vld [tilespmem:s2+$0x5CA0];
	s1 =	sand.u32 $0x7, s1  }
0x1a2: {  	v4 =	vld [tilespmem:s2+$0x5CB0];
	p3 =	seq.s32 s1, $0x3;
	v7 =	vpop (erf)  }
0x1a3: {  	v1 =	vld [tilespmem:s2+$0x5CC0];
	p4 =	seq.s32 s1, $0x4;
	v9 =	vpsel !p3, $0x0, v7  }
0x1a4: {  	v6 =	vld [tilespmem:s2+$0x5CD0];
	p6 =	seq.s32 s1, $0x0;
	v10 =	vpsel !p4, $0x0, v7;
	[tilespmem:s2+$0x6CB0] =	vst v9  }
0x1a5: {  	v5 =	vld [tilespmem:s2+$0x5C90];
	p5 =	seq.s32 s1, $0x5;
	v58 =	vpsel !p6, $0x0, v7;
	[tilespmem:s2+$0x6CC0] =	vst v10  }
0x1a6: {  	v3 =	vld [tilespmem:s2+$0x5C80];
	v2 =	vmul.f32 v2, v7;
	v60 =	vpsel !p5, $0x0, v7;
	[tilespmem:s2+$0x6C80] =	vst v58  }
0x1a7: {  	v8 =	vld [tilespmem:s2+$0x5CF0];
	v4 =	vmul.f32 v4, v7;
	[tilespmem:s2+$0x6CD0] =	vst v60  }
0x1a8: {  	v53 =	vld [tilespmem:s2+$0x5CE0];
	v1 =	vmul.f32 v1, v7;
	[tilespmem:s2+$0x7CA0] =	vst v2  }
0x1a9: {  	v54 =	vmul.f32 v6, v7;
	[tilespmem:s2+$0x7CB0] =	vst v4  }
0x1aa: {  	v55 =	vmul.f32 v7, v5;
	[tilespmem:s2+$0x7CC0] =	vst v1  }
0x1ab: {  	v56 =	vmul.f32 v7, v3;
	[tilespmem:s2+$0x7CD0] =	vst v54  }
0x1ac: {  	v57 =	vmul.f32 v8, v7;
	[tilespmem:s2+$0x7C90] =	vst v55  }
0x1ad: {  	v0 =	vmul.f32 v53, v7;
	[tilespmem:s2+$0x7C80] =	vst v56  }
0x1ae: {  	p4 =	seq.s32 s1, $0x2;
	[tilespmem:s2+$0x7CF0] =	vst v57  }
.Ltmp4:
0x1af: {  	p6 =	seq.s32 s1, $0x1;
	v59 =	vpsel !p4, $0x0, v7;
	[tilespmem:s2+$0x7CE0] =	vst v0;
	(pc) =	sbr.rel @p2 .LBB2_8-.Ltmp4, $4  }
0x1b0: {  	p5 =	seq.s32 s1, $0x6;
	v61 =	vpsel !p6, $0x0, v7;
	[tilespmem:s2+$0x6CA0] =	vst v59  }
0x1b1: {  	v62 =	vpsel !p5, $0x0, v7;
	p6 =	seq.s32 s1, $0x7;
	[tilespmem:s2+$0x6C90] =	vst v61  }
0x1b2: {  	v63 =	vpsel !p6, $0x0, v7;
	[tilespmem:s2+$0x6CE0] =	vst v62  }
0x1b3: {  	[tilespmem:s2+$0x6CF0] =	vst v63  }
0x1b4: {  	_ =	swait.ge [sflag:s18], $0x20  }
0x1b5: {  	[sflag:s18] =	ssyncset.done $0x0  }
0x1b6: {  	[sflag:s18] =	ssyncadd.s32 $0xFFFFFFE0  }
0x1b7: {  	_ =	swait.ge [sflag:s18], $0x20  }
0x1b8: {  	[sflag:s18] =	ssyncset.done $0x0  }
0x1b9: {  	[sflag:s18] =	ssyncadd.s32 $0xFFFFFFE0  }
0x1ba: {  	_ =	swait.ge [sflag:s18], $0x20  }
0x1bb: {  	[sflag:s18] =	ssyncset.done $0x0  }
0x1bc: {  	[sflag:s18] =	ssyncadd.s32 $0xFFFFFFE0  }
0x1bd: {  	_ =	swait.ge [sflag:s18], $0x100  }
0x1be: {  	[sflag:s18] =	ssyncset.done $0x0  }
0x1bf: {  	[sflag:s18] =	ssyncadd.s32 $0xFFFFFF00  }
0x1c0: {  	s2 =	simm.s32 $0x100;
	s3 =	simm.s32 $0xC80;
	s1 =	rddreg [dreg:$0x0]  }
0x1c1: {  	[tilespmem:s3], [sflag:$0x3] =	stream.indirect.gather [hbm4b:s1+s19], $0x80, s2, s19, $0xb8;
	[tilespmem:$0x1ED00] =	vst v63  }
0x1c2: {  	s12 =	simm.s32 $0x2C80  }
0x1c3: {  	[tilespmem:s12], [sflag:$0x5] =	stream.indirect.gather [hbm4b:s6+s19], $0x80, s5, s19, $0xb8;
	[tilespmem:$0x1ED00] =	vst v63  }
0x1c4: {  	s24 =	simm.s32 $0x4C80  }
0x1c5: {  	[tilespmem:s24], [sflag:$0x7] =	stream.indirect.gather [hbm4b:s7+s19], $0x80, s5, s19, $0xb8;
	[tilespmem:$0x1ED00] =	vst v63  }
.Ltmp5:
0x1c6: {  	_ = 	snop;
	(pc) =	sbr.rel .LBB2_2-.Ltmp5, $4  }
0x1c7: {  	s25 =	rddreg [dreg:$0x3]  }
0x1c8: {  	[spmem:s25] =	stream.indirect.scatter.add.f32 [tilespmem:s10], [sflag:$0x9], $0x80, s29, s19, $0xb8;
	[tilespmem:$0x1ED00] =	vst v63  }
0x1c9: {  	s22 =	sadd.s32 $0x1, s22;
	s31 =	rddreg [dreg:$0x4]  }
0x1ca: {  	[spmem:s31] =	stream.indirect.scatter.add.f32 [tilespmem:s15], [sflag:$0xA], $0x80, s11, s19, $0xb8;
	[tilespmem:$0x1ED00] =	vst v63  }
.LBB2_8:
0x1cb: {  	s1 =	rddreg [dreg:$0x3]  }
0x1cc: {  	[spmem:s1] =	stream.indirect.scatter.add.f32 [tilespmem:s10], [sflag:$0x9], $0x80, s29, s19, $0xb8;
	[tilespmem:$0x1ED00] =	vst v63  }
0x1cd: {  	s31 =	rddreg [dreg:$0x4]  }
0x1ce: {  	[spmem:s31] =	stream.indirect.scatter.add.f32 [tilespmem:s15], [sflag:$0xA], $0x80, s11, s19, $0xb8;
	[tilespmem:$0x1ED00] =	vst v63  }
0x1cf: {  	_ =	swait.ge [sflag:s23], $0x1000  }
.Ltmp6:
0x1d0: {  	[sflag:s23] =	ssyncset.done $0x0;
	(pc) =	sbr.rel @!p1 .LBB2_9-.Ltmp6, $4  }
0x1d1: {  	[sflag:s23] =	ssyncadd.s32 $0xFFFFF000  }
0x1d2: {  	_ =	swait.ge [sflag:s20], $0x1000  }
0x1d3: {  	[sflag:s20] =	ssyncset.done $0x0  }
0x1d4: {  	[sflag:s20] =	ssyncadd.s32 $0xFFFFF000  }
0x1d5: {  	s1 =	simm.s32 $0x0;
	s2 =	rddreg [dreg:$0xd]  }
0x1d6: {  	[tilespmem:s1], [sflag:$0x1] =	stream.linear.gather [hbm4b:s2+s1], $0x20, $0x38;
	[tilespmem:$0x1ED00] =	vst v63  }
0x1d7: {  	s3 =	rddreg [dreg:$0xe];
	s4 =	simm.s32 $0x100  }
0x1d8: {  	[tilespmem:s4], [sflag:$0x1] =	stream.linear.gather [hbm4b:s3+s1], $0x20, $0x38;
	[tilespmem:$0x1ED00] =	vst v63  }
0x1d9: {  	s22 =	simm.s32 $0x200;
	s12 =	rddreg [dreg:$0xf]  }
0x1da: {  	[tilespmem:s22], [sflag:$0x1] =	stream.linear.gather [hbm4b:s12+s1], $0x20, $0x38;
	[tilespmem:$0x1ED00] =	vst v63  }
0x1db: {  	s24 =	simm.s32 $0x300;
	s3 =	rddreg [dreg:$0xa]  }
0x1dc: {  	[tilespmem:s24], [sflag:$0x1] =	stream.linear.gather [hbm4b:s3+s1], $0x20, $0x38;
	[tilespmem:$0x1ED00] =	vst v63  }
0x1dd: {  	s25 =	sadd.s32 $0x10, s3;
	s12 =	simm.s32 $0x380  }
0x1de: {  	[tilespmem:s12], [sflag:$0x1] =	stream.linear.gather [hbm4b:s25+s1], $0x20, $0x38;
	[tilespmem:$0x1ED00] =	vst v63  }
0x1df: {  	s24 =	sadd.s32 $0x20, s3;
	s25 =	simm.s32 $0x400  }
0x1e0: {  	[tilespmem:s25], [sflag:$0x1] =	stream.linear.gather [hbm4b:s24+s1], $0x20, $0x38;
	[tilespmem:$0x1ED00] =	vst v63  }
0x1e1: {  	s24 =	sadd.s32 $0x30, s3;
	s25 =	simm.s32 $0x480  }
0x1e2: {  	[tilespmem:s25], [sflag:$0x1] =	stream.linear.gather [hbm4b:s24+s1], $0x20, $0x38;
	[tilespmem:$0x1ED00] =	vst v63  }
0x1e3: {  	s31 =	simm.s32 $0x500;
	s12 =	sadd.s32 $0x40, s3  }
0x1e4: {  	[tilespmem:s31], [sflag:$0x1] =	stream.linear.gather [hbm4b:s12+s1], $0x20, $0x38;
	[tilespmem:$0x1ED00] =	vst v63  }
0x1e5: {  	s24 =	sadd.s32 $0x50, s3;
	s25 =	simm.s32 $0x580  }
0x1e6: {  	[tilespmem:s25], [sflag:$0x1] =	stream.linear.gather [hbm4b:s24+s1], $0x20, $0x38;
	[tilespmem:$0x1ED00] =	vst v63  }
0x1e7: {  	s24 =	sadd.s32 $0x60, s3;
	s25 =	simm.s32 $0x600  }
0x1e8: {  	[tilespmem:s25], [sflag:$0x1] =	stream.linear.gather [hbm4b:s24+s1], $0x20, $0x38;
	[tilespmem:$0x1ED00] =	vst v63  }
0x1e9: {  	s24 =	sadd.s32 $0x70, s3;
	s25 =	simm.s32 $0x680  }
0x1ea: {  	[tilespmem:s25], [sflag:$0x1] =	stream.linear.gather [hbm4b:s24+s1], $0x20, $0x38;
	[tilespmem:$0x1ED00] =	vst v63  }
0x1eb: {  	_ =	swait.ge [sflag:s18], $0x20  }
0x1ec: {  	[sflag:s18] =	ssyncset.done $0x0  }
0x1ed: {  	[sflag:s18] =	ssyncadd.s32 $0xFFFFFFE0  }
0x1ee: {  	_ =	swait.ge [sflag:s18], $0x20  }
0x1ef: {  	[sflag:s18] =	ssyncset.done $0x0  }
0x1f0: {  	[sflag:s18] =	ssyncadd.s32 $0xFFFFFFE0  }
0x1f1: {  	_ =	swait.ge [sflag:s18], $0x20  }
0x1f2: {  	[sflag:s18] =	ssyncset.done $0x0  }
0x1f3: {  	[sflag:s18] =	ssyncadd.s32 $0xFFFFFFE0  }
0x1f4: {  	_ =	swait.ge [sflag:s18], $0x100  }
0x1f5: {  	[sflag:s18] =	ssyncset.done $0x0  }
0x1f6: {  	[sflag:s18] =	ssyncadd.s32 $0xFFFFFF00  }
0x1f7: {  	s12 =	simm.s32 $0xC80;
	s3 =	rddreg [dreg:$0x0]  }
0x1f8: {  	[tilespmem:s12], [sflag:$0x3] =	stream.indirect.gather [hbm4b:s3+s19], $0x80, s4, s19, $0xb8;
	[tilespmem:$0x1ED00] =	vst v63  }
0x1f9: {  	s24 =	simm.s32 $0x2C80  }
0x1fa: {  	[tilespmem:s24], [sflag:$0x5] =	stream.indirect.gather [hbm4b:s6+s19], $0x80, s1, s19, $0xb8;
	[tilespmem:$0x1ED00] =	vst v63  }
0x1fb: {  	s25 =	simm.s32 $0x4C80  }
0x1fc: {  	[tilespmem:s25], [sflag:$0x7] =	stream.indirect.gather [hbm4b:s7+s19], $0x80, s1, s19, $0xb8;
	[tilespmem:$0x1ED00] =	vst v63  }
0x1fd: {  	_ =	swait.ge [sflag:s30], $0x1000  }
0x1fe: {  	[sflag:s30] =	ssyncset.done $0x0  }
0x1ff: {  	[sflag:s30] =	ssyncadd.s32 $0xFFFFF000  }
0x200: {  	_ =	swait.ge [sflag:s13], $0x1000  }
0x201: {  	[sflag:s13] =	ssyncset.done $0x0  }
0x202: {  	[sflag:s13] =	ssyncadd.s32 $0xFFFFF000  }
0x203: {  	_ =	swait.ge [sflag:s16], $0x1000  }
0x204: {  	[sflag:s16] =	ssyncset.done $0x0  }
0x205: {  	[sflag:s16] =	ssyncadd.s32 $0xFFFFF000  }
0x206: {  	v0 =	vld [tilespmem:$0x100];
	_ =	sdelay $0x2  }
0x207: {  	v1 =	vld [tilespmem:$0x110];
	_ =	sdelay $0x1  }
0x208: {  	[tilespmem:$0xB00] =	vst v0;
	v2 =	vshrl.u32 v0, $0x3  }
0x209: {  	[tilespmem:$0xB80] =	vst v2;
	v2 =	vld [tilespmem:$0x110]  }
0x20a: {  	[tilespmem:$0xC00] =	vst v0  }
0x20b: {  	[tilespmem:$0xB10] =	vst v1  }
0x20c: {  	v0 =	vshrl.u32 v1, $0x3;
	[tilespmem:$0xC10] =	vst v1  }
0x20d: {  	[tilespmem:$0xB90] =	vst v0  }
0x20e: {  	s2 =	simm.s32 $0x0;
	[tilespmem:$0xC20] =	vst v2  }
0x20f: {  	v0 =	vld [tilespmem:s2+$0x2CC0]  }
0x210: {  	v1 =	vld [tilespmem:s2+$0xC90]  }
0x211: {  	v2 =	vld [tilespmem:s2+$0x2CA0]  }
0x212: {  	v3 =	vld [tilespmem:s2+$0x2C90]  }
0x213: {  	v4 =	vld [tilespmem:s2+$0x2C80]  }
0x214: {  	v5 =	vld [tilespmem:s2+$0xC80]  }
0x215: {  	v7 =	vld [tilespmem:s2+$0x2CE0]  }
0x216: {  	v8 =	vld.msk [tilespmem:s31+$0xFFFFFE00 ss:$0x0], $0xffff  }
0x217: {  	v9 =	vld [tilespmem:s2+$0xCB0]  }
0x218: {  	v10 =	vld.msk [tilespmem:s31+$0xFFFFFE80 ss:$0x0], $0xffff  }
0x219: {  	v11 =	vld [tilespmem:s2+$0x2CB0]  }
0x21a: {  	v12 =	vld.msk [tilespmem:s31+$0xFFFFFF00 ss:$0x0], $0xffff  }
0x21b: {  	v13 =	vld [tilespmem:s2+$0xCA0];
	v4 =	vadd.f32 v8, v4  }
0x21c: {  	v55 =	vld.msk [tilespmem:s31+$0xFFFFFF80 ss:$0x0], $0xffff  }
0x21d: {  	v14 =	vld [tilespmem:s2+$0x2CD0];
	v3 =	vadd.f32 v10, v3;
	v4 =	vmul.f32 v4, v5  }
0x21e: {  	v56 =	vld.msk [tilespmem:s31+$0x0 ss:$0x0], $0xffff  }
0x21f: {  	v57 =	vld.msk [tilespmem:s31+$0x80 ss:$0x0], $0xffff;
	v2 =	vadd.f32 v12, v2;
	v1 =	vmul.f32 v3, v1;
	v3 =	vadd.f32 $0.0e+00, v4  }
0x220: {  	v58 =	vld [tilespmem:s2+$0xCC0]  }
0x221: {  	v59 =	vld.msk [tilespmem:s31+$0x100 ss:$0x0], $0xffff;
	v8 =	vadd.f32 v55, v11;
	v2 =	vmul.f32 v2, v13;
	v1 =	vadd.f32 v1, v3  }
0x222: {  	v3 =	vld [tilespmem:s2+$0xCD0]  }
0x223: {  	v0 =	vadd.f32 v56, v0;
	v8 =	vmul.f32 v8, v9;
	v1 =	vadd.f32 v2, v1  }
0x224: {  	v2 =	vld [tilespmem:s2+$0xCE0]  }
0x225: {  	v61 =	vadd.f32 v57, v14;
	v0 =	vmul.f32 v0, v58;
	v1 =	vadd.f32 v8, v1;
	_ =	sdelay $0x1  }
0x226: {  	v63 =	vadd.f32 v59, v7;
	v3 =	vmul.f32 v61, v3;
	v0 =	vadd.f32 v0, v1  }
0x227: {  	v6 =	vld [tilespmem:s2+$0x2CF0]  }
0x228: {  	v60 =	vld.msk [tilespmem:s31+$0x180 ss:$0x0], $0xffff;
	v1 =	vmul.f32 v63, v2;
	v0 =	vadd.f32 v3, v0  }
0x229: {  	s1 =	simm.s32 $0xC00;
	v62 =	vld [tilespmem:s2+$0xCF0]  }
0x22a: {  	v0 =	vadd.f32 v1, v0;
	v1 =	vld [tilespmem:s1+$0x0];
	_ =	sdelay $0x2  }
0x22b: {  	v2 =	vadd.f32 v60, v6  }
0x22c: {  	v3 =	vld.msk [tilespmem:s22+$0x0 ss:$0x0], $0xffff  }
0x22d: {  	v2 =	vmul.f32 v2, v62;
	(v2sf) =	vpush v1, $0x0;
	_ =	sdelay $0x1  }
0x22e: {  	v0 =	vadd.f32 v2, v0;
	_ =	sdelay $0x1  }
0x22f: {  	v0 =	vmul.f32 v0, v3;
	_ =	sdelay $0x1  }
0x230: {  	s3 =	simm.s32 $0x200;
	v0 =	vmul.f32 $1.442695020e+00, v0  }
.LBB2_11:
0x231: {  	s31 =	sadd.s32 $0x1, s31;
	s22 =	sadd.s32 $0x1, s22;
	s1 =	sadd.s32 $0x1, s1  }
0x232: {  	p2 =	sne.s32 s3, $0x3E00;
	s4 =	smov.u32 s3;
	s3 =	sadd.s32 $0x200, s3;
	(erf) = vpow2.f32 v0  }
0x233: {  	_ = 	snop  }
0x234: {  	v0 =	vld [tilespmem:s2+$0x4CE0]  }
0x235: {  	v1 =	vld [tilespmem:s2+$0x4CC0]  }
0x236: {  	v2 =	vld [tilespmem:s2+$0x4CA0]  }
0x237: {  	v3 =	vld [tilespmem:s2+$0x4C80]  }
0x238: {  	v4 =	vld [tilespmem:s2+$0x4C90]  }
0x239: {  	v5 =	vld [tilespmem:s2+$0x4CB0];
	s12 =	spop (v2sf)  }
0x23a: {  	s12 =	sand.u32 $0x7, s12;
	v6 =	vld [tilespmem:s2+$0x4CD0]  }
0x23b: {  	p3 =	seq.s32 s12, $0x3;
	p4 =	seq.s32 s12, $0x4;
	v7 =	vld [tilespmem:s2+$0x4CF0];
	v8 =	vpop (erf)  }
0x23c: {  	p5 =	seq.s32 s12, $0x0;
	v3 =	vmul.f32 v8, v3;
	v9 =	vpsel !p3, $0x0, v8;
	v10 =	vpsel !p4, $0x0, v8  }
0x23d: {  	v11 =	vpsel !p5, $0x0, v8;
	p3 =	seq.s32 s12, $0x1;
	v2 =	vmul.f32 v2, v8;
	v4 =	vmul.f32 v8, v4;
	[tilespmem:s2+$0x6CB0] =	vst v9  }
0x23e: {  	v1 =	vmul.f32 v1, v8;
	v9 =	vpsel !p3, $0x0, v8;
	p3 =	seq.s32 s12, $0x2;
	v5 =	vmul.f32 v5, v8;
	[tilespmem:s2+$0x6CC0] =	vst v10  }
0x23f: {  	p4 =	seq.s32 s12, $0x6;
	v0 =	vmul.f32 v0, v8;
	v10 =	vpsel !p3, $0x0, v8;
	p3 =	seq.s32 s12, $0x5;
	[tilespmem:s2+$0x7CA0] =	vst v2;
	v2 =	vmul.f32 v6, v8  }
0x240: {  	s4 =	sshra.s32 s4, $0x2;
	v6 =	vpsel !p4, $0x0, v8;
	[tilespmem:s2+$0x7CB0] =	vst v5;
	v5 =	vpsel !p3, $0x0, v8;
	p3 =	seq.s32 s12, $0x7;
	v7 =	vmul.f32 v7, v8  }
0x241: {  	v12 =	vld [tilespmem:s4+$0x2CC0];
	[tilespmem:s2+$0x7CC0] =	vst v1;
	v1 =	vpsel !p3, $0x0, v8  }
0x242: {  	v8 =	vld [tilespmem:s4+$0xC90];
	[tilespmem:s2+$0x7CD0] =	vst v2  }
0x243: {  	v2 =	vld [tilespmem:s4+$0x2CA0];
	[tilespmem:s2+$0x7C90] =	vst v4  }
0x244: {  	v4 =	vld [tilespmem:s4+$0x2C90];
	[tilespmem:s2+$0x7C80] =	vst v3  }
0x245: {  	v3 =	vld [tilespmem:s4+$0x2C80];
	[tilespmem:s2+$0x7CF0] =	vst v7  }
0x246: {  	v7 =	vld [tilespmem:s4+$0xC80];
	[tilespmem:s2+$0x7CE0] =	vst v0  }
0x247: {  	[tilespmem:s2+$0x6C80] =	vst v11  }
0x248: {  	v0 =	vld [tilespmem:s4+$0x2CF0];
	[tilespmem:s2+$0x6CA0] =	vst v10  }
0x249: {  	v10 =	vld [tilespmem:s4+$0x2CE0];
	[tilespmem:s2+$0x6CD0] =	vst v5  }
0x24a: {  	v5 =	vld [tilespmem:s4+$0xCB0];
	[tilespmem:s2+$0x6C90] =	vst v9  }
0x24b: {  	v9 =	vld [tilespmem:s4+$0x2CB0];
	[tilespmem:s2+$0x6CE0] =	vst v6  }
0x24c: {  	v6 =	vld [tilespmem:s4+$0x2CD0];
	[tilespmem:s2+$0x6CF0] =	vst v1;
	s2 =	smov.u32 s4  }
0x24d: {  	v1 =	vld.msk [tilespmem:s31+$0xFFFFFE00 ss:$0x0], $0xffff  }
0x24e: {  	v11 =	vld.msk [tilespmem:s31+$0xFFFFFE80 ss:$0x0], $0xffff  }
0x24f: {  	v13 =	vld.msk [tilespmem:s31+$0xFFFFFF00 ss:$0x0], $0xffff  }
0x250: {  	v14 =	vld.msk [tilespmem:s31+$0x0 ss:$0x0], $0xffff  }
0x251: {  	v15 =	vld [tilespmem:s2+$0xCA0]  }
0x252: {  	v16 =	vld.msk [tilespmem:s31+$0xFFFFFF80 ss:$0x0], $0xffff  }
0x253: {  	v1 =	vadd.f32 v1, v3;
	v3 =	vld.msk [tilespmem:s31+$0x80 ss:$0x0], $0xffff  }
0x254: {  	v4 =	vadd.f32 v11, v4;
	v11 =	vld [tilespmem:s2+$0xCC0]  }
0x255: {  	v1 =	vmul.f32 v1, v7;
	v2 =	vadd.f32 v13, v2;
	v7 =	vld.msk [tilespmem:s31+$0x100 ss:$0x0], $0xffff  }
0x256: {  	v4 =	vmul.f32 v4, v8;
	v8 =	vadd.f32 v14, v12;
	v12 =	vld [tilespmem:s2+$0xCD0]  }
0x257: {  	v1 =	vadd.f32 $0.0e+00, v1;
	v13 =	vld.msk [tilespmem:s31+$0x180 ss:$0x0], $0xffff  }
0x258: {  	v2 =	vmul.f32 v2, v15;
	v9 =	vadd.f32 v16, v9;
	v14 =	vld [tilespmem:s2+$0xCE0]  }
0x259: {  	v1 =	vadd.f32 v4, v1;
	v3 =	vadd.f32 v3, v6;
	v4 =	vmul.f32 v8, v11  }
0x25a: {  	v5 =	vmul.f32 v9, v5;
	v6 =	vld [tilespmem:s2+$0xCF0]  }
0x25b: {  	v1 =	vadd.f32 v2, v1;
	v2 =	vmul.f32 v3, v12;
	v3 =	vadd.f32 v7, v10;
	_ =	sdelay $0x1  }
0x25c: {  	v1 =	vadd.f32 v5, v1;
	v0 =	vadd.f32 v13, v0;
	v3 =	vmul.f32 v3, v14  }
0x25d: {  	v5 =	vld [tilespmem:s1+$0x0]  }
0x25e: {  	v1 =	vadd.f32 v4, v1;
	v0 =	vmul.f32 v0, v6;
	_ =	sdelay $0x1  }
0x25f: {  	v1 =	vadd.f32 v2, v1;
	v2 =	vld.msk [tilespmem:s22+$0x0 ss:$0x0], $0xffff;
	_ =	sdelay $0x1  }
0x260: {  	v1 =	vadd.f32 v3, v1;
	(v2sf) =	vpush v5, $0x0;
	_ =	sdelay $0x1  }
.Ltmp7:
0x261: {  	v0 =	vadd.f32 v0, v1;
	(pc) =	sbr.rel @p2 .LBB2_11-.Ltmp7, $3  }
0x262: {  	_ = 	snop  }
0x263: {  	v0 =	vmul.f32 v0, v2;
	_ =	sdelay $0x1  }
0x264: {  	v0 =	vmul.f32 $1.442695020e+00, v0  }
0x265: {  	_ = 	snop  }
0x266: {  	(erf) = vpow2.f32 v0;
	_ =	sdelay $0x6  }
0x267: {  	s1 =	spop (v2sf)  }
0x268: {  	s1 =	sand.u32 $0x7, s1  }
0x269: {  	v2 =	vld [tilespmem:s2+$0x4CA0];
	p2 =	seq.s32 s1, $0x3;
	v7 =	vpop (erf)  }
0x26a: {  	v4 =	vld [tilespmem:s2+$0x4CB0];
	p3 =	seq.s32 s1, $0x4;
	v9 =	vpsel !p2, $0x0, v7  }
0x26b: {  	v1 =	vld [tilespmem:s2+$0x4CC0];
	p5 =	seq.s32 s1, $0x0;
	v10 =	vpsel !p3, $0x0, v7;
	[tilespmem:s2+$0x6CB0] =	vst v9  }
0x26c: {  	v6 =	vld [tilespmem:s2+$0x4CD0];
	p6 =	seq.s32 s1, $0x2;
	v58 =	vpsel !p5, $0x0, v7;
	[tilespmem:s2+$0x6CC0] =	vst v10  }
0x26d: {  	v5 =	vld [tilespmem:s2+$0x4C90];
	p4 =	seq.s32 s1, $0x1;
	v59 =	vpsel !p6, $0x0, v7;
	[tilespmem:s2+$0x6C80] =	vst v58  }
0x26e: {  	v3 =	vld [tilespmem:s2+$0x4C80];
	v2 =	vmul.f32 v2, v7;
	v61 =	vpsel !p4, $0x0, v7;
	[tilespmem:s2+$0x6CA0] =	vst v59  }
0x26f: {  	v8 =	vld [tilespmem:s2+$0x4CF0];
	v4 =	vmul.f32 v4, v7;
	[tilespmem:s2+$0x6C90] =	vst v61  }
0x270: {  	v53 =	vld [tilespmem:s2+$0x4CE0];
	v1 =	vmul.f32 v1, v7;
	[tilespmem:s2+$0x7CA0] =	vst v2  }
0x271: {  	v54 =	vmul.f32 v6, v7;
	[tilespmem:s2+$0x7CB0] =	vst v4  }
0x272: {  	v55 =	vmul.f32 v7, v5;
	[tilespmem:s2+$0x7CC0] =	vst v1  }
0x273: {  	v56 =	vmul.f32 v7, v3;
	[tilespmem:s2+$0x7CD0] =	vst v54  }
0x274: {  	v57 =	vmul.f32 v8, v7;
	[tilespmem:s2+$0x7C90] =	vst v55  }
0x275: {  	v0 =	vmul.f32 v53, v7;
	[tilespmem:s2+$0x7C80] =	vst v56  }
0x276: {  	p3 =	seq.s32 s1, $0x5;
	[tilespmem:s2+$0x7CF0] =	vst v57  }
0x277: {  	p5 =	seq.s32 s1, $0x6;
	v60 =	vpsel !p3, $0x0, v7;
	[tilespmem:s2+$0x7CE0] =	vst v0  }
0x278: {  	p6 =	seq.s32 s1, $0x7;
	v62 =	vpsel !p5, $0x0, v7;
	[tilespmem:s2+$0x6CD0] =	vst v60  }
0x279: {  	v63 =	vpsel !p6, $0x0, v7;
	[tilespmem:s2+$0x6CE0] =	vst v62  }
0x27a: {  	s3 =	simm.s32 $0xB;
	s1 =	rddreg [dreg:$0x3];
	[tilespmem:s2+$0x6CF0] =	vst v63  }
0x27b: {  	[spmem:s1] =	stream.indirect.scatter.add.f32 [tilespmem:s10], [sflag:$0xB], $0x80, s29, s19, $0xb8;
	[tilespmem:$0x1ED00] =	vst v63  }
0x27c: {  	_ =	swait.ge [sflag:s3], $0x1000  }
0x27d: {  	[sflag:s3] =	ssyncset.done $0x0  }
0x27e: {  	[sflag:s3] =	ssyncadd.s32 $0xFFFFF000  }
0x27f: {  	s2 =	rddreg [dreg:$0x4]  }
0x280: {  	[spmem:s2] =	stream.indirect.scatter.add.f32 [tilespmem:s15], [sflag:$0xB], $0x80, s11, s19, $0xb8;
	[tilespmem:$0x1ED00] =	vst v63  }
0x281: {  	_ =	swait.ge [sflag:s3], $0x1000  }
0x282: {  	[sflag:s3] =	ssyncset.done $0x0  }
0x283: {  	[sflag:s3] =	ssyncadd.s32 $0xFFFFF000  }
0x284: {  	[bflag:$0x0] =	sbarrier.arrive $0xFFFF  }
0x285: {  	s3 =	rddreg [dreg:$0x7]  }
0x286: {  	s1 =	sshrl.u32 @!p0 s1, $0x3;
	s4 =	rddreg [dreg:$0x10]  }
0x287: {  	[hbm:s4], [sflag:s3] =	dma.local @!p0 [spmem:s1], $0x5000  }
0x288: {  	s1 =	simm.s32 @!p0 $0xB  }
0x289: {  	_ =	swait.ge @!p0 [sflag:s1], $0x5000  }
0x28a: {  	s2 =	sshrl.u32 @!p0 s2, $0x3;
	[sflag:s1] =	ssyncset.done @!p0 $0x0  }
.Ltmp8:
0x28b: {  	s4 =	rddreg [dreg:$0x11];
	[sflag:s1] =	ssyncadd.s32 @!p0 $0xFFFFB000;
	(pc) =	sbr.rel .LBB2_13-.Ltmp8, $4  }
0x28c: {  	[hbm:s4], [sflag:s3] =	dma.local @!p0 [spmem:s2], $0x27100  }
0x28d: {  	_ =	swait.ge @!p0 [sflag:s1], $0x27100  }
0x28e: {  	[sflag:s1] =	ssyncset.done @!p0 $0x0  }
0x28f: {  	s2 =	rddreg [dreg:$0x18];
	[sflag:s1] =	ssyncadd.s32 @!p0 $0xFFFD8F00  }
.LBB2_14:
0x290: {  	_ =	sfence.sel $0x180000  }
0x291: {  	[bflag:$0x0] =	sbarrier.arrive $0xFFFF  }
0x292: {  	_ =	strace $0x90000047  }
0x293: {  	[bflag:$0x2] =	sbarrier.arrive $0xFFFF  }
0x294: {  	s0 =	rddreg [dreg:$0x5]  }
0x295: {  	s0 =	sadd.s32 @!p0 $0x100000, s0  }
0x296: {  	[sflag:s0] =	ssyncadd.tile.s32 @!p0 $0x1;
	_ =	shalt  }
.Lfunc_end2:
_tile_overlayer_lowered:
.L_overlay_start_2:
0x297: {  	(tag) =	ssettag $0x2  }
0x298: {  	s0 =	rddreg [dreg:$0x0];
	s2 =	stileid.u32  }
0x299: {  	s1 =	rddreg [dreg:$0x1];
	p0 =	sne.s32 s2, $0x0  }
0x29a: {  	s3 =	rddreg [dreg:$0x2];
	[bflag:$0x3] =	sbarrier.arrive $0xFFFF;
	s2 =	simm.s32 @!p0 $0x1C0B  }
0x29b: {  	[timem:s3], [sflag:s2] =	dma.local @!p0 [hbm:s0], s1  }
0x29c: {  	s0 =	simm.s32 @!p0 $0xB  }
0x29d: {  	_ =	swait.ge @!p0 [sflag:s0], s1  }
0x29e: {  	s1 =	ssub.s32 @!p0 $0x0, s1;
	[sflag:s0] =	ssyncset.done @!p0 $0x0  }
0x29f: {  	[sflag:s0] =	ssyncadd.s32 @!p0 s1  }
0x2a0: {  	[bflag:$0x3] =	sbarrier.arrive $0xFFFF  }
0x2a1: {  	_ =	shalt  }

</sc_bundles>
